<compile_context>
chip_gen: v7x
topology: tpu7x:2x2x1
jax: 0.10.2.dev20260603
libtpu: 0.0.44.dev20260713+nightly
codegen_flags: <defaults>
</compile_context>

<pallas_src>
import jax
import jax.numpy as jnp
from jax import lax
from jax.experimental import pallas as pl
from jax.experimental.pallas import tpu as pltpu
from jax.experimental.pallas import tpu_sc as plsc

NC = 2
NS = 16
L = 16
NW = NC * NS

DIM = 128
NCHUNK = 8
C = 64
NBUF = 6


def _sc_body(pf_hbm, ps_hbm, emb_hbm, w_hbm, b_hbm, out_hbm,
             idx_f, idx_s, fbufs, sbufs, wv, bv, ob, sems, psems):
    wid = lax.axis_index("s") * NC + lax.axis_index("c")
    rpw = NCHUNK * C
    base = wid * rpw

    h_if = pltpu.async_copy(pf_hbm.at[pl.ds(wid * NCHUNK, NCHUNK)], idx_f, psems[0])
    h_is = pltpu.async_copy(ps_hbm.at[pl.ds(wid * NCHUNK, NCHUNK)], idx_s, psems[1])
    h_w = pltpu.async_copy(w_hbm, wv, psems[2])
    h_b = pltpu.async_copy(b_hbm, bv, psems[3])
    h_if.wait()
    h_is.wait()

    def start(c):
        par = c % NBUF
        hf = pltpu.async_copy(emb_hbm.at[idx_f.at[c]], fbufs[par], sems[2 * par])
        hs = pltpu.async_copy(emb_hbm.at[idx_s.at[c]], sbufs[par], sems[2 * par + 1])
        return hf, hs

    handles = [None] * NCHUNK
    for c in range(NBUF):
        handles[c] = start(c)

    h_w.wait()
    h_b.wait()

    w_regs = [wv[pl.ds(k * L, L)] for k in range(8)]
    b_reg = bv[...]
    lanes = lax.iota(jnp.int32, L)
    perms = [lanes ^ sh for sh in (8, 4, 2, 1)]

    gdn = lax.GatherDimensionNumbers(
        offset_dims=(), collapsed_slice_dims=(0,), start_index_map=(0,))

    def shuffle(v, p):
        return lax.gather(v, p[:, None], gdn, slice_sizes=(1,),
                          mode=lax.GatherScatterMode.PROMISE_IN_BOUNDS)

    def hsum(v):
        for p in perms:
            v = v + shuffle(v, p)
        return v

    def compute_chunk(c):
        fb = fbufs[c % NBUF]
        sb = sbufs[c % NBUF]

        def group_body(g, _):
            def row_body(r, gvec):
                row = g * L + r
                acc = jnp.zeros((L,), jnp.float32)
                for k in range(8):
                    fv = fb[row, pl.ds(k * L, L)]
                    sv = sb[row, pl.ds(k * L, L)]
                    acc = acc + fv * sv * w_regs[k]
                dot = hsum(acc)
                return jnp.where(lanes == r, dot, gvec)

            gvec = lax.fori_loop(0, L, row_body, jnp.zeros((L,), jnp.float32))
            x = gvec + b_reg
            y = 1.0 / (1.0 + jnp.exp(-x))
            ob[pl.ds(c * C + g * L, L)] = y
            return 0

        lax.fori_loop(0, C // L, group_body, 0)

    for c in range(NCHUNK):
        handles[c][0].wait()
        handles[c][1].wait()
        compute_chunk(c)
        if c + NBUF < NCHUNK:
            handles[c + NBUF] = start(c + NBUF)

    pltpu.sync_copy(ob, out_hbm.at[pl.ds(base, rpw)])


@jax.jit
def _word2vec_sc(pf2, ps2, emb, w, bvec):
    B = pf2.shape[0] * pf2.shape[1]
    mesh = plsc.VectorSubcoreMesh(core_axis_name="c", subcore_axis_name="s")
    kern = pl.kernel(
        _sc_body,
        out_type=jax.ShapeDtypeStruct((B,), jnp.float32),
        mesh=mesh,
        scratch_types=dict(
            idx_f=pltpu.VMEM((NCHUNK, C), jnp.int32),
            idx_s=pltpu.VMEM((NCHUNK, C), jnp.int32),
            fbufs=[pltpu.VMEM((C, DIM), jnp.float32) for _ in range(NBUF)],
            sbufs=[pltpu.VMEM((C, DIM), jnp.float32) for _ in range(NBUF)],
            wv=pltpu.VMEM((DIM,), jnp.float32),
            bv=pltpu.VMEM((L,), jnp.float32),
            ob=pltpu.VMEM((NCHUNK * C,), jnp.float32),
            sems=[pltpu.SemaphoreType.DMA for _ in range(2 * NBUF)],
            psems=[pltpu.SemaphoreType.DMA for _ in range(4)],
        ),
    )
    return kern(pf2, ps2, emb, w, bvec)


def kernel(pair_first, pair_second, emb, W, b):
    B = pair_first.shape[0]
    pf2 = pair_first.reshape(NW * NCHUNK, C).astype(jnp.int32)
    ps2 = pair_second.reshape(NW * NCHUNK, C).astype(jnp.int32)
    w = W.reshape(DIM).astype(jnp.float32)
    bvec = jnp.broadcast_to(b.astype(jnp.float32).reshape(()), (L,))
    out = _word2vec_sc(pf2, ps2, emb, w, bvec)
    return out.reshape(B, 1)

# --- scband reference (transcript-rebuilt; emitter-appended) ---
"""Pipeline reference for scband-word2-vec-77051713290937 (READ-ONLY COPY).

The authoritative reference and input builder live on the scoring server;
editing this copy changes nothing except your own understanding.
"""

import jax, jax.numpy as jnp
import numpy as np

VOCAB = 1000000
DIM = 128
BATCH = 16384

def setup_inputs(seed: int = 0) -> dict:
    key = jax.random.key(seed)
    k1, k2, k3, k4 = jax.random.split(key, 4)
    pair_first = jax.random.randint(k1, (BATCH,), 0, VOCAB, dtype=jnp.int64) if jax.config.jax_enable_x64 else jax.random.randint(k1, (BATCH,), 0, VOCAB, dtype=jnp.int32)
    pair_second = jax.random.randint(k2, (BATCH,), 0, VOCAB, dtype=jnp.int32)
    pair_first = pair_first.astype(jnp.int32)
    emb = jax.random.normal(k3, (VOCAB, DIM), dtype=jnp.float32) * 0.05
    W = jax.random.normal(k4, (DIM, 1), dtype=jnp.float32) * 0.05
    b = jnp.zeros((1,), dtype=jnp.float32)
    return {"pair_first": pair_first, "pair_second": pair_second, "emb": emb, "W": W, "b": b}

def reference(pair_first, pair_second, emb, W, b):
    # Embedding lookups (gather)
    first = jnp.take(emb, pair_first, axis=0)    # [B, DIM]
    second = jnp.take(emb, pair_second, axis=0)  # [B, DIM]
    # Dense(1, sigmoid) applied to elementwise product
    dots = jax.nn.sigmoid((first * second) @ W + b)  # [B, 1]
    return dots

if __name__ == "__main__":
    import jax
    _d = setup_inputs()
    print(jax.jit(kernel)(*tuple(_d.values())))

</pallas_src>

<mosaic_0001>
#map = affine_map<(d0, d1) -> (0, 0)>
#map1 = affine_map<(d0, d1) -> (0)>
module attributes {stable_mosaic.version = 14 : i64} {
  func.func @_sc_body(%arg0: i32, %arg1: i32, %arg2: memref<256x64xi32, #tpu.memory_space<hbm>>, %arg3: memref<256x64xi32, #tpu.memory_space<hbm>>, %arg4: memref<1000000x128xf32, #tpu.memory_space<hbm>>, %arg5: memref<128xf32, #tpu.memory_space<hbm>>, %arg6: memref<16xf32, #tpu.memory_space<hbm>>, %arg7: memref<16384xf32, #tpu.memory_space<hbm>>, %arg8: memref<16xf32, #tpu.memory_space<vmem>>, %arg9: memref<64x128xf32, #tpu.memory_space<vmem>>, %arg10: memref<64x128xf32, #tpu.memory_space<vmem>>, %arg11: memref<64x128xf32, #tpu.memory_space<vmem>>, %arg12: memref<64x128xf32, #tpu.memory_space<vmem>>, %arg13: memref<64x128xf32, #tpu.memory_space<vmem>>, %arg14: memref<64x128xf32, #tpu.memory_space<vmem>>, %arg15: memref<8x64xi32, #tpu.memory_space<vmem>>, %arg16: memref<8x64xi32, #tpu.memory_space<vmem>>, %arg17: memref<512xf32, #tpu.memory_space<vmem>>, %arg18: memref<!tpu.dma_semaphore, #tpu.memory_space<semaphore_mem>>, %arg19: memref<!tpu.dma_semaphore, #tpu.memory_space<semaphore_mem>>, %arg20: memref<!tpu.dma_semaphore, #tpu.memory_space<semaphore_mem>>, %arg21: memref<!tpu.dma_semaphore, #tpu.memory_space<semaphore_mem>>, %arg22: memref<64x128xf32, #tpu.memory_space<vmem>>, %arg23: memref<64x128xf32, #tpu.memory_space<vmem>>, %arg24: memref<64x128xf32, #tpu.memory_space<vmem>>, %arg25: memref<64x128xf32, #tpu.memory_space<vmem>>, %arg26: memref<64x128xf32, #tpu.memory_space<vmem>>, %arg27: memref<64x128xf32, #tpu.memory_space<vmem>>, %arg28: memref<!tpu.dma_semaphore, #tpu.memory_space<semaphore_mem>>, %arg29: memref<!tpu.dma_semaphore, #tpu.memory_space<semaphore_mem>>, %arg30: memref<!tpu.dma_semaphore, #tpu.memory_space<semaphore_mem>>, %arg31: memref<!tpu.dma_semaphore, #tpu.memory_space<semaphore_mem>>, %arg32: memref<!tpu.dma_semaphore, #tpu.memory_space<semaphore_mem>>, %arg33: memref<!tpu.dma_semaphore, #tpu.memory_space<semaphore_mem>>, %arg34: memref<!tpu.dma_semaphore, #tpu.memory_space<semaphore_mem>>, %arg35: memref<!tpu.dma_semaphore, #tpu.memory_space<semaphore_mem>>, %arg36: memref<!tpu.dma_semaphore, #tpu.memory_space<semaphore_mem>>, %arg37: memref<!tpu.dma_semaphore, #tpu.memory_space<semaphore_mem>>, %arg38: memref<!tpu.dma_semaphore, #tpu.memory_space<semaphore_mem>>, %arg39: memref<!tpu.dma_semaphore, #tpu.memory_space<semaphore_mem>>, %arg40: memref<128xf32, #tpu.memory_space<vmem>>) attributes {dimension_semantics = [#tpu.dimension_semantics<core_parallel>, #tpu.dimension_semantics<subcore_parallel>], iteration_bounds = array<i64: 2, 16>, scalar_prefetch = 0 : i64, scratch_operands = 33 : i64, tpu.core_type = #tpu.core_type<sc_vector_subcore>, window_params = [{transform_indices = #map}, {transform_indices = #map}, {transform_indices = #map}, {transform_indices = #map1}, {transform_indices = #map1}, {transform_indices = #map1}]} {
    %mul3A = arith.constant 2 : i32
    %mul3A_0 = arith.muli %arg1, %mul3A : i32
    %add3A = arith.addi %mul3A_0, %arg0 : i32
    %mul3A_1 = arith.constant 512 : i32
    %mul3A_2 = arith.muli %add3A, %mul3A_1 : i32
    %mul3A_3 = arith.constant 8 : i32
    %mul3A_4 = arith.muli %add3A, %mul3A_3 : i32
    %dma_start3A = arith.constant 0 : i32
    %dma_start3A_5 = tpu.memref_slice %arg2[%mul3A_4, %dma_start3A] : memref<256x64xi32, #tpu.memory_space<hbm>> -> memref<8x64xi32, #tpu.memory_space<hbm>>
    %dma_start3A_6 = arith.constant 0 : i32
    %dma_start3A_7 = tpu.memref_slice %arg2[%mul3A_4, %dma_start3A_6] : memref<256x64xi32, #tpu.memory_space<hbm>> -> memref<8x64xi32, #tpu.memory_space<hbm>>
    tpu.enqueue_dma source(%dma_start3A_7 : memref<8x64xi32, #tpu.memory_space<hbm>>) target(%arg15 : memref<8x64xi32, #tpu.memory_space<vmem>>) target_semaphore(%arg18 : memref<!tpu.dma_semaphore, #tpu.memory_space<semaphore_mem>>)
    %mul3A_8 = arith.constant 8 : i32
    %mul3A_9 = arith.muli %add3A, %mul3A_8 : i32
    %dma_start3A_10 = arith.constant 0 : i32
    %dma_start3A_11 = tpu.memref_slice %arg3[%mul3A_9, %dma_start3A_10] : memref<256x64xi32, #tpu.memory_space<hbm>> -> memref<8x64xi32, #tpu.memory_space<hbm>>
    %dma_start3A_12 = arith.constant 0 : i32
    %dma_start3A_13 = tpu.memref_slice %arg3[%mul3A_9, %dma_start3A_12] : memref<256x64xi32, #tpu.memory_space<hbm>> -> memref<8x64xi32, #tpu.memory_space<hbm>>
    tpu.enqueue_dma source(%dma_start3A_13 : memref<8x64xi32, #tpu.memory_space<hbm>>) target(%arg16 : memref<8x64xi32, #tpu.memory_space<vmem>>) target_semaphore(%arg19 : memref<!tpu.dma_semaphore, #tpu.memory_space<semaphore_mem>>)
    tpu.enqueue_dma source(%arg5 : memref<128xf32, #tpu.memory_space<hbm>>) target(%arg40 : memref<128xf32, #tpu.memory_space<vmem>>) target_semaphore(%arg20 : memref<!tpu.dma_semaphore, #tpu.memory_space<semaphore_mem>>)
    tpu.enqueue_dma source(%arg6 : memref<16xf32, #tpu.memory_space<hbm>>) target(%arg8 : memref<16xf32, #tpu.memory_space<vmem>>) target_semaphore(%arg21 : memref<!tpu.dma_semaphore, #tpu.memory_space<semaphore_mem>>)
    %dma_wait3A = arith.constant 0 : i32
    %dma_wait3A_14 = tpu.memref_slice %arg2[%mul3A_4, %dma_wait3A] : memref<256x64xi32, #tpu.memory_space<hbm>> -> memref<8x64xi32, #tpu.memory_space<hbm>>
    %dma_wait3A_15 = arith.constant 0 : i32
    %dma_wait3A_16 = tpu.memref_slice %arg2[%mul3A_4, %dma_wait3A_15] : memref<256x64xi32, #tpu.memory_space<hbm>> -> memref<8x64xi32, #tpu.memory_space<hbm>>
    tpu.wait_dma2 semaphore(%arg18 : memref<!tpu.dma_semaphore, #tpu.memory_space<semaphore_mem>>) src(%dma_wait3A_16 : memref<8x64xi32, #tpu.memory_space<hbm>>) dst(%arg15 : memref<8x64xi32, #tpu.memory_space<vmem>>)
    %dma_wait3A_17 = arith.constant 0 : i32
    %dma_wait3A_18 = tpu.memref_slice %arg3[%mul3A_9, %dma_wait3A_17] : memref<256x64xi32, #tpu.memory_space<hbm>> -> memref<8x64xi32, #tpu.memory_space<hbm>>
    %dma_wait3A_19 = arith.constant 0 : i32
    %dma_wait3A_20 = tpu.memref_slice %arg3[%mul3A_9, %dma_wait3A_19] : memref<256x64xi32, #tpu.memory_space<hbm>> -> memref<8x64xi32, #tpu.memory_space<hbm>>
    tpu.wait_dma2 semaphore(%arg19 : memref<!tpu.dma_semaphore, #tpu.memory_space<semaphore_mem>>) src(%dma_wait3A_20 : memref<8x64xi32, #tpu.memory_space<hbm>>) dst(%arg16 : memref<8x64xi32, #tpu.memory_space<vmem>>)
    %dma_start3A_21 = arith.constant 0 : i32
    %dma_start3A_22 = arith.constant 0 : i32
    %dma_start3A_23 = tpu.memref_slice %arg15[%dma_start3A_21, %dma_start3A_22] : memref<8x64xi32, #tpu.memory_space<vmem>> -> memref<1x64xi32, #tpu.memory_space<vmem>>
    %dma_start3A_24 = tpu.memref_squeeze %dma_start3A_23 : memref<1x64xi32, #tpu.memory_space<vmem>> -> memref<64xi32, #tpu.memory_space<vmem>>
    %dma_start3A_25 = arith.constant 0 : i32
    %dma_start3A_26 = arith.constant 0 : i32
    %dma_start3A_27 = tpu.memref_slice %arg4[%dma_start3A_25, %dma_start3A_26] : memref<1000000x128xf32, #tpu.memory_space<hbm>> -> memref<1000000x128xf32, #tpu.memory_space<hbm>>
    tpu.enqueue_indirect_dma source(%dma_start3A_27 : memref<1000000x128xf32, #tpu.memory_space<hbm>>) target(%arg9 : memref<64x128xf32, #tpu.memory_space<vmem>>) offsets(%dma_start3A_24 : memref<64xi32, #tpu.memory_space<vmem>>) semaphore(%arg28 : memref<!tpu.dma_semaphore, #tpu.memory_space<semaphore_mem>>)
    %dma_start3A_28 = arith.constant 0 : i32
    %dma_start3A_29 = arith.constant 0 : i32
    %dma_start3A_30 = tpu.memref_slice %arg16[%dma_start3A_28, %dma_start3A_29] : memref<8x64xi32, #tpu.memory_space<vmem>> -> memref<1x64xi32, #tpu.memory_space<vmem>>
    %dma_start3A_31 = tpu.memref_squeeze %dma_start3A_30 : memref<1x64xi32, #tpu.memory_space<vmem>> -> memref<64xi32, #tpu.memory_space<vmem>>
    %dma_start3A_32 = arith.constant 0 : i32
    %dma_start3A_33 = arith.constant 0 : i32
    %dma_start3A_34 = tpu.memref_slice %arg4[%dma_start3A_32, %dma_start3A_33] : memref<1000000x128xf32, #tpu.memory_space<hbm>> -> memref<1000000x128xf32, #tpu.memory_space<hbm>>
    tpu.enqueue_indirect_dma source(%dma_start3A_34 : memref<1000000x128xf32, #tpu.memory_space<hbm>>) target(%arg22 : memref<64x128xf32, #tpu.memory_space<vmem>>) offsets(%dma_start3A_31 : memref<64xi32, #tpu.memory_space<vmem>>) semaphore(%arg29 : memref<!tpu.dma_semaphore, #tpu.memory_space<semaphore_mem>>)
    %dma_start3A_35 = arith.constant 1 : i32
    %dma_start3A_36 = arith.constant 0 : i32
    %dma_start3A_37 = tpu.memref_slice %arg15[%dma_start3A_35, %dma_start3A_36] : memref<8x64xi32, #tpu.memory_space<vmem>> -> memref<1x64xi32, #tpu.memory_space<vmem>>
    %dma_start3A_38 = tpu.memref_squeeze %dma_start3A_37 : memref<1x64xi32, #tpu.memory_space<vmem>> -> memref<64xi32, #tpu.memory_space<vmem>>
    %dma_start3A_39 = arith.constant 0 : i32
    %dma_start3A_40 = arith.constant 0 : i32
    %dma_start3A_41 = tpu.memref_slice %arg4[%dma_start3A_39, %dma_start3A_40] : memref<1000000x128xf32, #tpu.memory_space<hbm>> -> memref<1000000x128xf32, #tpu.memory_space<hbm>>
    tpu.enqueue_indirect_dma source(%dma_start3A_41 : memref<1000000x128xf32, #tpu.memory_space<hbm>>) target(%arg10 : memref<64x128xf32, #tpu.memory_space<vmem>>) offsets(%dma_start3A_38 : memref<64xi32, #tpu.memory_space<vmem>>) semaphore(%arg30 : memref<!tpu.dma_semaphore, #tpu.memory_space<semaphore_mem>>)
    %dma_start3A_42 = arith.constant 1 : i32
    %dma_start3A_43 = arith.constant 0 : i32
    %dma_start3A_44 = tpu.memref_slice %arg16[%dma_start3A_42, %dma_start3A_43] : memref<8x64xi32, #tpu.memory_space<vmem>> -> memref<1x64xi32, #tpu.memory_space<vmem>>
    %dma_start3A_45 = tpu.memref_squeeze %dma_start3A_44 : memref<1x64xi32, #tpu.memory_space<vmem>> -> memref<64xi32, #tpu.memory_space<vmem>>
    %dma_start3A_46 = arith.constant 0 : i32
    %dma_start3A_47 = arith.constant 0 : i32
    %dma_start3A_48 = tpu.memref_slice %arg4[%dma_start3A_46, %dma_start3A_47] : memref<1000000x128xf32, #tpu.memory_space<hbm>> -> memref<1000000x128xf32, #tpu.memory_space<hbm>>
    tpu.enqueue_indirect_dma source(%dma_start3A_48 : memref<1000000x128xf32, #tpu.memory_space<hbm>>) target(%arg23 : memref<64x128xf32, #tpu.memory_space<vmem>>) offsets(%dma_start3A_45 : memref<64xi32, #tpu.memory_space<vmem>>) semaphore(%arg31 : memref<!tpu.dma_semaphore, #tpu.memory_space<semaphore_mem>>)
    %dma_start3A_49 = arith.constant 2 : i32
    %dma_start3A_50 = arith.constant 0 : i32
    %dma_start3A_51 = tpu.memref_slice %arg15[%dma_start3A_49, %dma_start3A_50] : memref<8x64xi32, #tpu.memory_space<vmem>> -> memref<1x64xi32, #tpu.memory_space<vmem>>
    %dma_start3A_52 = tpu.memref_squeeze %dma_start3A_51 : memref<1x64xi32, #tpu.memory_space<vmem>> -> memref<64xi32, #tpu.memory_space<vmem>>
    %dma_start3A_53 = arith.constant 0 : i32
    %dma_start3A_54 = arith.constant 0 : i32
    %dma_start3A_55 = tpu.memref_slice %arg4[%dma_start3A_53, %dma_start3A_54] : memref<1000000x128xf32, #tpu.memory_space<hbm>> -> memref<1000000x128xf32, #tpu.memory_space<hbm>>
    tpu.enqueue_indirect_dma source(%dma_start3A_55 : memref<1000000x128xf32, #tpu.memory_space<hbm>>) target(%arg11 : memref<64x128xf32, #tpu.memory_space<vmem>>) offsets(%dma_start3A_52 : memref<64xi32, #tpu.memory_space<vmem>>) semaphore(%arg32 : memref<!tpu.dma_semaphore, #tpu.memory_space<semaphore_mem>>)
    %dma_start3A_56 = arith.constant 2 : i32
    %dma_start3A_57 = arith.constant 0 : i32
    %dma_start3A_58 = tpu.memref_slice %arg16[%dma_start3A_56, %dma_start3A_57] : memref<8x64xi32, #tpu.memory_space<vmem>> -> memref<1x64xi32, #tpu.memory_space<vmem>>
    %dma_start3A_59 = tpu.memref_squeeze %dma_start3A_58 : memref<1x64xi32, #tpu.memory_space<vmem>> -> memref<64xi32, #tpu.memory_space<vmem>>
    %dma_start3A_60 = arith.constant 0 : i32
    %dma_start3A_61 = arith.constant 0 : i32
    %dma_start3A_62 = tpu.memref_slice %arg4[%dma_start3A_60, %dma_start3A_61] : memref<1000000x128xf32, #tpu.memory_space<hbm>> -> memref<1000000x128xf32, #tpu.memory_space<hbm>>
    tpu.enqueue_indirect_dma source(%dma_start3A_62 : memref<1000000x128xf32, #tpu.memory_space<hbm>>) target(%arg24 : memref<64x128xf32, #tpu.memory_space<vmem>>) offsets(%dma_start3A_59 : memref<64xi32, #tpu.memory_space<vmem>>) semaphore(%arg33 : memref<!tpu.dma_semaphore, #tpu.memory_space<semaphore_mem>>)
    %dma_start3A_63 = arith.constant 3 : i32
    %dma_start3A_64 = arith.constant 0 : i32
    %dma_start3A_65 = tpu.memref_slice %arg15[%dma_start3A_63, %dma_start3A_64] : memref<8x64xi32, #tpu.memory_space<vmem>> -> memref<1x64xi32, #tpu.memory_space<vmem>>
    %dma_start3A_66 = tpu.memref_squeeze %dma_start3A_65 : memref<1x64xi32, #tpu.memory_space<vmem>> -> memref<64xi32, #tpu.memory_space<vmem>>
    %dma_start3A_67 = arith.constant 0 : i32
    %dma_start3A_68 = arith.constant 0 : i32
    %dma_start3A_69 = tpu.memref_slice %arg4[%dma_start3A_67, %dma_start3A_68] : memref<1000000x128xf32, #tpu.memory_space<hbm>> -> memref<1000000x128xf32, #tpu.memory_space<hbm>>
    tpu.enqueue_indirect_dma source(%dma_start3A_69 : memref<1000000x128xf32, #tpu.memory_space<hbm>>) target(%arg12 : memref<64x128xf32, #tpu.memory_space<vmem>>) offsets(%dma_start3A_66 : memref<64xi32, #tpu.memory_space<vmem>>) semaphore(%arg34 : memref<!tpu.dma_semaphore, #tpu.memory_space<semaphore_mem>>)
    %dma_start3A_70 = arith.constant 3 : i32
    %dma_start3A_71 = arith.constant 0 : i32
    %dma_start3A_72 = tpu.memref_slice %arg16[%dma_start3A_70, %dma_start3A_71] : memref<8x64xi32, #tpu.memory_space<vmem>> -> memref<1x64xi32, #tpu.memory_space<vmem>>
    %dma_start3A_73 = tpu.memref_squeeze %dma_start3A_72 : memref<1x64xi32, #tpu.memory_space<vmem>> -> memref<64xi32, #tpu.memory_space<vmem>>
    %dma_start3A_74 = arith.constant 0 : i32
    %dma_start3A_75 = arith.constant 0 : i32
    %dma_start3A_76 = tpu.memref_slice %arg4[%dma_start3A_74, %dma_start3A_75] : memref<1000000x128xf32, #tpu.memory_space<hbm>> -> memref<1000000x128xf32, #tpu.memory_space<hbm>>
    tpu.enqueue_indirect_dma source(%dma_start3A_76 : memref<1000000x128xf32, #tpu.memory_space<hbm>>) target(%arg25 : memref<64x128xf32, #tpu.memory_space<vmem>>) offsets(%dma_start3A_73 : memref<64xi32, #tpu.memory_space<vmem>>) semaphore(%arg35 : memref<!tpu.dma_semaphore, #tpu.memory_space<semaphore_mem>>)
    %dma_start3A_77 = arith.constant 4 : i32
    %dma_start3A_78 = arith.constant 0 : i32
    %dma_start3A_79 = tpu.memref_slice %arg15[%dma_start3A_77, %dma_start3A_78] : memref<8x64xi32, #tpu.memory_space<vmem>> -> memref<1x64xi32, #tpu.memory_space<vmem>>
    %dma_start3A_80 = tpu.memref_squeeze %dma_start3A_79 : memref<1x64xi32, #tpu.memory_space<vmem>> -> memref<64xi32, #tpu.memory_space<vmem>>
    %dma_start3A_81 = arith.constant 0 : i32
    %dma_start3A_82 = arith.constant 0 : i32
    %dma_start3A_83 = tpu.memref_slice %arg4[%dma_start3A_81, %dma_start3A_82] : memref<1000000x128xf32, #tpu.memory_space<hbm>> -> memref<1000000x128xf32, #tpu.memory_space<hbm>>
    tpu.enqueue_indirect_dma source(%dma_start3A_83 : memref<1000000x128xf32, #tpu.memory_space<hbm>>) target(%arg13 : memref<64x128xf32, #tpu.memory_space<vmem>>) offsets(%dma_start3A_80 : memref<64xi32, #tpu.memory_space<vmem>>) semaphore(%arg36 : memref<!tpu.dma_semaphore, #tpu.memory_space<semaphore_mem>>)
    %dma_start3A_84 = arith.constant 4 : i32
    %dma_start3A_85 = arith.constant 0 : i32
    %dma_start3A_86 = tpu.memref_slice %arg16[%dma_start3A_84, %dma_start3A_85] : memref<8x64xi32, #tpu.memory_space<vmem>> -> memref<1x64xi32, #tpu.memory_space<vmem>>
    %dma_start3A_87 = tpu.memref_squeeze %dma_start3A_86 : memref<1x64xi32, #tpu.memory_space<vmem>> -> memref<64xi32, #tpu.memory_space<vmem>>
    %dma_start3A_88 = arith.constant 0 : i32
    %dma_start3A_89 = arith.constant 0 : i32
    %dma_start3A_90 = tpu.memref_slice %arg4[%dma_start3A_88, %dma_start3A_89] : memref<1000000x128xf32, #tpu.memory_space<hbm>> -> memref<1000000x128xf32, #tpu.memory_space<hbm>>
    tpu.enqueue_indirect_dma source(%dma_start3A_90 : memref<1000000x128xf32, #tpu.memory_space<hbm>>) target(%arg26 : memref<64x128xf32, #tpu.memory_space<vmem>>) offsets(%dma_start3A_87 : memref<64xi32, #tpu.memory_space<vmem>>) semaphore(%arg37 : memref<!tpu.dma_semaphore, #tpu.memory_space<semaphore_mem>>)
    %dma_start3A_91 = arith.constant 5 : i32
    %dma_start3A_92 = arith.constant 0 : i32
    %dma_start3A_93 = tpu.memref_slice %arg15[%dma_start3A_91, %dma_start3A_92] : memref<8x64xi32, #tpu.memory_space<vmem>> -> memref<1x64xi32, #tpu.memory_space<vmem>>
    %dma_start3A_94 = tpu.memref_squeeze %dma_start3A_93 : memref<1x64xi32, #tpu.memory_space<vmem>> -> memref<64xi32, #tpu.memory_space<vmem>>
    %dma_start3A_95 = arith.constant 0 : i32
    %dma_start3A_96 = arith.constant 0 : i32
    %dma_start3A_97 = tpu.memref_slice %arg4[%dma_start3A_95, %dma_start3A_96] : memref<1000000x128xf32, #tpu.memory_space<hbm>> -> memref<1000000x128xf32, #tpu.memory_space<hbm>>
    tpu.enqueue_indirect_dma source(%dma_start3A_97 : memref<1000000x128xf32, #tpu.memory_space<hbm>>) target(%arg14 : memref<64x128xf32, #tpu.memory_space<vmem>>) offsets(%dma_start3A_94 : memref<64xi32, #tpu.memory_space<vmem>>) semaphore(%arg38 : memref<!tpu.dma_semaphore, #tpu.memory_space<semaphore_mem>>)
    %dma_start3A_98 = arith.constant 5 : i32
    %dma_start3A_99 = arith.constant 0 : i32
    %dma_start3A_100 = tpu.memref_slice %arg16[%dma_start3A_98, %dma_start3A_99] : memref<8x64xi32, #tpu.memory_space<vmem>> -> memref<1x64xi32, #tpu.memory_space<vmem>>
    %dma_start3A_101 = tpu.memref_squeeze %dma_start3A_100 : memref<1x64xi32, #tpu.memory_space<vmem>> -> memref<64xi32, #tpu.memory_space<vmem>>
    %dma_start3A_102 = arith.constant 0 : i32
    %dma_start3A_103 = arith.constant 0 : i32
    %dma_start3A_104 = tpu.memref_slice %arg4[%dma_start3A_102, %dma_start3A_103] : memref<1000000x128xf32, #tpu.memory_space<hbm>> -> memref<1000000x128xf32, #tpu.memory_space<hbm>>
    tpu.enqueue_indirect_dma source(%dma_start3A_104 : memref<1000000x128xf32, #tpu.memory_space<hbm>>) target(%arg27 : memref<64x128xf32, #tpu.memory_space<vmem>>) offsets(%dma_start3A_101 : memref<64xi32, #tpu.memory_space<vmem>>) semaphore(%arg39 : memref<!tpu.dma_semaphore, #tpu.memory_space<semaphore_mem>>)
    tpu.wait_dma2 semaphore(%arg20 : memref<!tpu.dma_semaphore, #tpu.memory_space<semaphore_mem>>) src(%arg5 : memref<128xf32, #tpu.memory_space<hbm>>) dst(%arg40 : memref<128xf32, #tpu.memory_space<vmem>>)
    tpu.wait_dma2 semaphore(%arg21 : memref<!tpu.dma_semaphore, #tpu.memory_space<semaphore_mem>>) src(%arg6 : memref<16xf32, #tpu.memory_space<hbm>>) dst(%arg8 : memref<16xf32, #tpu.memory_space<vmem>>)
    %get3A = arith.constant 0 : index
    %get3A_105 = tpu.vector_load %arg40[%get3A] {strides = array<i32>} : memref<128xf32, #tpu.memory_space<vmem>>, vector<16xf32>,
    %get3A_106 = vector.shape_cast %get3A_105 : vector<16xf32> to vector<16xf32>
    %get3A_107 = arith.constant 16 : index
    %get3A_108 = tpu.vector_load %arg40[%get3A_107] {strides = array<i32>} : memref<128xf32, #tpu.memory_space<vmem>>, vector<16xf32>,
    %get3A_109 = vector.shape_cast %get3A_108 : vector<16xf32> to vector<16xf32>
    %get3A_110 = arith.constant 32 : index
    %get3A_111 = tpu.vector_load %arg40[%get3A_110] {strides = array<i32>} : memref<128xf32, #tpu.memory_space<vmem>>, vector<16xf32>,
    %get3A_112 = vector.shape_cast %get3A_111 : vector<16xf32> to vector<16xf32>
    %get3A_113 = arith.constant 48 : index
    %get3A_114 = tpu.vector_load %arg40[%get3A_113] {strides = array<i32>} : memref<128xf32, #tpu.memory_space<vmem>>, vector<16xf32>,
    %get3A_115 = vector.shape_cast %get3A_114 : vector<16xf32> to vector<16xf32>
    %get3A_116 = arith.constant 64 : index
    %get3A_117 = tpu.vector_load %arg40[%get3A_116] {strides = array<i32>} : memref<128xf32, #tpu.memory_space<vmem>>, vector<16xf32>,
    %get3A_118 = vector.shape_cast %get3A_117 : vector<16xf32> to vector<16xf32>
    %get3A_119 = arith.constant 80 : index
    %get3A_120 = tpu.vector_load %arg40[%get3A_119] {strides = array<i32>} : memref<128xf32, #tpu.memory_space<vmem>>, vector<16xf32>,
    %get3A_121 = vector.shape_cast %get3A_120 : vector<16xf32> to vector<16xf32>
    %get3A_122 = arith.constant 96 : index
    %get3A_123 = tpu.vector_load %arg40[%get3A_122] {strides = array<i32>} : memref<128xf32, #tpu.memory_space<vmem>>, vector<16xf32>,
    %get3A_124 = vector.shape_cast %get3A_123 : vector<16xf32> to vector<16xf32>
    %get3A_125 = arith.constant 112 : index
    %get3A_126 = tpu.vector_load %arg40[%get3A_125] {strides = array<i32>} : memref<128xf32, #tpu.memory_space<vmem>>, vector<16xf32>,
    %get3A_127 = vector.shape_cast %get3A_126 : vector<16xf32> to vector<16xf32>
    %get3A_128 = arith.constant 0 : index
    %get3A_129 = tpu.vector_load %arg8[%get3A_128] {strides = array<i32>} : memref<16xf32, #tpu.memory_space<vmem>>, vector<16xf32>,
    %get3A_130 = vector.shape_cast %get3A_129 : vector<16xf32> to vector<16xf32>
    %iota3A = tpu.iota {dimensions = array<i32: 0>} : vector<16xi32>
    %xor3A = arith.constant 8 : i32
    %xor3A_131 = vector.broadcast %xor3A : i32 to vector<16xi32>
    %xor3A_132 = arith.xori %iota3A, %xor3A_131 : vector<16xi32>
    %xor3A_133 = arith.constant 4 : i32
    %xor3A_134 = vector.broadcast %xor3A_133 : i32 to vector<16xi32>
    %xor3A_135 = arith.xori %iota3A, %xor3A_134 : vector<16xi32>
    %xor3A_136 = arith.constant 2 : i32
    %xor3A_137 = vector.broadcast %xor3A_136 : i32 to vector<16xi32>
    %xor3A_138 = arith.xori %iota3A, %xor3A_137 : vector<16xi32>
    %xor3A_139 = arith.constant 1 : i32
    %xor3A_140 = vector.broadcast %xor3A_139 : i32 to vector<16xi32>
    %xor3A_141 = arith.xori %iota3A, %xor3A_140 : vector<16xi32>
    %dma_wait3A_142 = arith.constant 0 : i32
    %dma_wait3A_143 = arith.constant 0 : i32
    %dma_wait3A_144 = tpu.memref_slice %arg15[%dma_wait3A_142, %dma_wait3A_143] : memref<8x64xi32, #tpu.memory_space<vmem>> -> memref<1x64xi32, #tpu.memory_space<vmem>>
    %dma_wait3A_145 = tpu.memref_squeeze %dma_wait3A_144 : memref<1x64xi32, #tpu.memory_space<vmem>> -> memref<64xi32, #tpu.memory_space<vmem>>
    %dma_wait3A_146 = arith.constant 0 : i32
    %dma_wait3A_147 = arith.constant 0 : i32
    %dma_wait3A_148 = tpu.memref_slice %arg4[%dma_wait3A_146, %dma_wait3A_147] : memref<1000000x128xf32, #tpu.memory_space<hbm>> -> memref<1000000x128xf32, #tpu.memory_space<hbm>>
    tpu.wait_indirect_dma semaphore(%arg28 : memref<!tpu.dma_semaphore, #tpu.memory_space<semaphore_mem>>) src(%dma_wait3A_148 : memref<1000000x128xf32, #tpu.memory_space<hbm>>) dst(%arg9 : memref<64x128xf32, #tpu.memory_space<vmem>>)
    %dma_wait3A_149 = arith.constant 0 : i32
    %dma_wait3A_150 = arith.constant 0 : i32
    %dma_wait3A_151 = tpu.memref_slice %arg16[%dma_wait3A_149, %dma_wait3A_150] : memref<8x64xi32, #tpu.memory_space<vmem>> -> memref<1x64xi32, #tpu.memory_space<vmem>>
    %dma_wait3A_152 = tpu.memref_squeeze %dma_wait3A_151 : memref<1x64xi32, #tpu.memory_space<vmem>> -> memref<64xi32, #tpu.memory_space<vmem>>
    %dma_wait3A_153 = arith.constant 0 : i32
    %dma_wait3A_154 = arith.constant 0 : i32
    %dma_wait3A_155 = tpu.memref_slice %arg4[%dma_wait3A_153, %dma_wait3A_154] : memref<1000000x128xf32, #tpu.memory_space<hbm>> -> memref<1000000x128xf32, #tpu.memory_space<hbm>>
    tpu.wait_indirect_dma semaphore(%arg29 : memref<!tpu.dma_semaphore, #tpu.memory_space<semaphore_mem>>) src(%dma_wait3A_155 : memref<1000000x128xf32, #tpu.memory_space<hbm>>) dst(%arg22 : memref<64x128xf32, #tpu.memory_space<vmem>>)
    %scan3A = arith.constant 0 : i32
    %scan3A_156 = arith.constant 0 : i32
    %scan3A_157 = arith.constant 4 : i32
    %scan3A_158 = arith.addi %scan3A_156, %scan3A_157 : i32
    %scan3A_159 = arith.constant 1 : i32
    %scan3A_160 = scf.for %scan3A_337 = %scan3A_156 to %scan3A_158 step %scan3A_159 iter_args(%scan3A_338 = %scan3A) -> (i32)  : i32 {
      %broadcast_in_dim3A = arith.constant 0.000000e+00 : f32
      %broadcast_in_dim3A_339 = vector.broadcast %broadcast_in_dim3A : f32 to vector<16xf32>
      %scan3A_340 = arith.constant 0 : i32
      %scan3A_341 = arith.constant 16 : i32
      %scan3A_342 = arith.addi %scan3A_340, %scan3A_341 : i32
      %scan3A_343 = arith.constant 1 : i32
      %scan3A_344 = scf.for %scan3A_362 = %scan3A_340 to %scan3A_342 step %scan3A_343 iter_args(%scan3A_363 = %broadcast_in_dim3A_339) -> (vector<16xf32>)  : i32 {
        %mul3A_364 = arith.constant 16 : i32
        %mul3A_365 = arith.muli %scan3A_337, %mul3A_364 : i32
        %add3A_366 = arith.addi %mul3A_365, %scan3A_362 : i32
        %broadcast_in_dim3A_367 = arith.constant 0.000000e+00 : f32
        %broadcast_in_dim3A_368 = vector.broadcast %broadcast_in_dim3A_367 : f32 to vector<16xf32>
        %get3A_369 = arith.index_cast %add3A_366 : i32 to index
        %get3A_370 = arith.constant 0 : index
        %get3A_371 = tpu.vector_load %arg9[%get3A_369, %get3A_370] {strides = array<i32>} : memref<64x128xf32, #tpu.memory_space<vmem>>, vector<1x16xf32>,
        %get3A_372 = vector.shape_cast %get3A_371 : vector<1x16xf32> to vector<16xf32>
        %get3A_373 = arith.index_cast %add3A_366 : i32 to index
        %get3A_374 = arith.constant 0 : index
        %get3A_375 = tpu.vector_load %arg22[%get3A_373, %get3A_374] {strides = array<i32>} : memref<64x128xf32, #tpu.memory_space<vmem>>, vector<1x16xf32>,
        %get3A_376 = vector.shape_cast %get3A_375 : vector<1x16xf32> to vector<16xf32>
        %mul3A_377 = arith.mulf %get3A_372, %get3A_376 : vector<16xf32>
        %mul3A_378 = arith.mulf %mul3A_377, %get3A_106 : vector<16xf32>
        %add3A_379 = arith.addf %broadcast_in_dim3A_368, %mul3A_378 : vector<16xf32>
        %get3A_380 = arith.index_cast %add3A_366 : i32 to index
        %get3A_381 = arith.constant 16 : index
        %get3A_382 = tpu.vector_load %arg9[%get3A_380, %get3A_381] {strides = array<i32>} : memref<64x128xf32, #tpu.memory_space<vmem>>, vector<1x16xf32>,
        %get3A_383 = vector.shape_cast %get3A_382 : vector<1x16xf32> to vector<16xf32>
        %get3A_384 = arith.index_cast %add3A_366 : i32 to index
        %get3A_385 = arith.constant 16 : index
        %get3A_386 = tpu.vector_load %arg22[%get3A_384, %get3A_385] {strides = array<i32>} : memref<64x128xf32, #tpu.memory_space<vmem>>, vector<1x16xf32>,
        %get3A_387 = vector.shape_cast %get3A_386 : vector<1x16xf32> to vector<16xf32>
        %mul3A_388 = arith.mulf %get3A_383, %get3A_387 : vector<16xf32>
        %mul3A_389 = arith.mulf %mul3A_388, %get3A_109 : vector<16xf32>
        %add3A_390 = arith.addf %add3A_379, %mul3A_389 : vector<16xf32>
        %get3A_391 = arith.index_cast %add3A_366 : i32 to index
        %get3A_392 = arith.constant 32 : index
        %get3A_393 = tpu.vector_load %arg9[%get3A_391, %get3A_392] {strides = array<i32>} : memref<64x128xf32, #tpu.memory_space<vmem>>, vector<1x16xf32>,
        %get3A_394 = vector.shape_cast %get3A_393 : vector<1x16xf32> to vector<16xf32>
        %get3A_395 = arith.index_cast %add3A_366 : i32 to index
        %get3A_396 = arith.constant 32 : index
        %get3A_397 = tpu.vector_load %arg22[%get3A_395, %get3A_396] {strides = array<i32>} : memref<64x128xf32, #tpu.memory_space<vmem>>, vector<1x16xf32>,
        %get3A_398 = vector.shape_cast %get3A_397 : vector<1x16xf32> to vector<16xf32>
        %mul3A_399 = arith.mulf %get3A_394, %get3A_398 : vector<16xf32>
        %mul3A_400 = arith.mulf %mul3A_399, %get3A_112 : vector<16xf32>
        %add3A_401 = arith.addf %add3A_390, %mul3A_400 : vector<16xf32>
        %get3A_402 = arith.index_cast %add3A_366 : i32 to index
        %get3A_403 = arith.constant 48 : index
        %get3A_404 = tpu.vector_load %arg9[%get3A_402, %get3A_403] {strides = array<i32>} : memref<64x128xf32, #tpu.memory_space<vmem>>, vector<1x16xf32>,
        %get3A_405 = vector.shape_cast %get3A_404 : vector<1x16xf32> to vector<16xf32>
        %get3A_406 = arith.index_cast %add3A_366 : i32 to index
        %get3A_407 = arith.constant 48 : index
        %get3A_408 = tpu.vector_load %arg22[%get3A_406, %get3A_407] {strides = array<i32>} : memref<64x128xf32, #tpu.memory_space<vmem>>, vector<1x16xf32>,
        %get3A_409 = vector.shape_cast %get3A_408 : vector<1x16xf32> to vector<16xf32>
        %mul3A_410 = arith.mulf %get3A_405, %get3A_409 : vector<16xf32>
        %mul3A_411 = arith.mulf %mul3A_410, %get3A_115 : vector<16xf32>
        %add3A_412 = arith.addf %add3A_401, %mul3A_411 : vector<16xf32>
        %get3A_413 = arith.index_cast %add3A_366 : i32 to index
        %get3A_414 = arith.constant 64 : index
        %get3A_415 = tpu.vector_load %arg9[%get3A_413, %get3A_414] {strides = array<i32>} : memref<64x128xf32, #tpu.memory_space<vmem>>, vector<1x16xf32>,
        %get3A_416 = vector.shape_cast %get3A_415 : vector<1x16xf32> to vector<16xf32>
        %get3A_417 = arith.index_cast %add3A_366 : i32 to index
        %get3A_418 = arith.constant 64 : index
        %get3A_419 = tpu.vector_load %arg22[%get3A_417, %get3A_418] {strides = array<i32>} : memref<64x128xf32, #tpu.memory_space<vmem>>, vector<1x16xf32>,
        %get3A_420 = vector.shape_cast %get3A_419 : vector<1x16xf32> to vector<16xf32>
        %mul3A_421 = arith.mulf %get3A_416, %get3A_420 : vector<16xf32>
        %mul3A_422 = arith.mulf %mul3A_421, %get3A_118 : vector<16xf32>
        %add3A_423 = arith.addf %add3A_412, %mul3A_422 : vector<16xf32>
        %get3A_424 = arith.index_cast %add3A_366 : i32 to index
        %get3A_425 = arith.constant 80 : index
        %get3A_426 = tpu.vector_load %arg9[%get3A_424, %get3A_425] {strides = array<i32>} : memref<64x128xf32, #tpu.memory_space<vmem>>, vector<1x16xf32>,
        %get3A_427 = vector.shape_cast %get3A_426 : vector<1x16xf32> to vector<16xf32>
        %get3A_428 = arith.index_cast %add3A_366 : i32 to index
        %get3A_429 = arith.constant 80 : index
        %get3A_430 = tpu.vector_load %arg22[%get3A_428, %get3A_429] {strides = array<i32>} : memref<64x128xf32, #tpu.memory_space<vmem>>, vector<1x16xf32>,
        %get3A_431 = vector.shape_cast %get3A_430 : vector<1x16xf32> to vector<16xf32>
        %mul3A_432 = arith.mulf %get3A_427, %get3A_431 : vector<16xf32>
        %mul3A_433 = arith.mulf %mul3A_432, %get3A_121 : vector<16xf32>
        %add3A_434 = arith.addf %add3A_423, %mul3A_433 : vector<16xf32>
        %get3A_435 = arith.index_cast %add3A_366 : i32 to index
        %get3A_436 = arith.constant 96 : index
        %get3A_437 = tpu.vector_load %arg9[%get3A_435, %get3A_436] {strides = array<i32>} : memref<64x128xf32, #tpu.memory_space<vmem>>, vector<1x16xf32>,
        %get3A_438 = vector.shape_cast %get3A_437 : vector<1x16xf32> to vector<16xf32>
        %get3A_439 = arith.index_cast %add3A_366 : i32 to index
        %get3A_440 = arith.constant 96 : index
        %get3A_441 = tpu.vector_load %arg22[%get3A_439, %get3A_440] {strides = array<i32>} : memref<64x128xf32, #tpu.memory_space<vmem>>, vector<1x16xf32>,
        %get3A_442 = vector.shape_cast %get3A_441 : vector<1x16xf32> to vector<16xf32>
        %mul3A_443 = arith.mulf %get3A_438, %get3A_442 : vector<16xf32>
        %mul3A_444 = arith.mulf %mul3A_443, %get3A_124 : vector<16xf32>
        %add3A_445 = arith.addf %add3A_434, %mul3A_444 : vector<16xf32>
        %get3A_446 = arith.index_cast %add3A_366 : i32 to index
        %get3A_447 = arith.constant 112 : index
        %get3A_448 = tpu.vector_load %arg9[%get3A_446, %get3A_447] {strides = array<i32>} : memref<64x128xf32, #tpu.memory_space<vmem>>, vector<1x16xf32>,
        %get3A_449 = vector.shape_cast %get3A_448 : vector<1x16xf32> to vector<16xf32>
        %get3A_450 = arith.index_cast %add3A_366 : i32 to index
        %get3A_451 = arith.constant 112 : index
        %get3A_452 = tpu.vector_load %arg22[%get3A_450, %get3A_451] {strides = array<i32>} : memref<64x128xf32, #tpu.memory_space<vmem>>, vector<1x16xf32>,
        %get3A_453 = vector.shape_cast %get3A_452 : vector<1x16xf32> to vector<16xf32>
        %mul3A_454 = arith.mulf %get3A_449, %get3A_453 : vector<16xf32>
        %mul3A_455 = arith.mulf %mul3A_454, %get3A_127 : vector<16xf32>
        %add3A_456 = arith.addf %add3A_445, %mul3A_455 : vector<16xf32>
        %broadcast_in_dim3A_457 = vector.shape_cast %xor3A_132 : vector<16xi32> to vector<16x1xi32>
        %gather3A = vector.shape_cast %broadcast_in_dim3A_457 : vector<16x1xi32> to vector<16xi32>
        %gather3A_458 = tpu.dynamic_gather %add3A_456[%gather3A] in [0] : vector<16xf32>, vector<16xi32> -> vector<16xf32>
        %add3A_459 = arith.addf %add3A_456, %gather3A_458 : vector<16xf32>
        %broadcast_in_dim3A_460 = vector.shape_cast %xor3A_135 : vector<16xi32> to vector<16x1xi32>
        %gather3A_461 = vector.shape_cast %broadcast_in_dim3A_460 : vector<16x1xi32> to vector<16xi32>
        %gather3A_462 = tpu.dynamic_gather %add3A_459[%gather3A_461] in [0] : vector<16xf32>, vector<16xi32> -> vector<16xf32>
        %add3A_463 = arith.addf %add3A_459, %gather3A_462 : vector<16xf32>
        %broadcast_in_dim3A_464 = vector.shape_cast %xor3A_138 : vector<16xi32> to vector<16x1xi32>
        %gather3A_465 = vector.shape_cast %broadcast_in_dim3A_464 : vector<16x1xi32> to vector<16xi32>
        %gather3A_466 = tpu.dynamic_gather %add3A_463[%gather3A_465] in [0] : vector<16xf32>, vector<16xi32> -> vector<16xf32>
        %add3A_467 = arith.addf %add3A_463, %gather3A_466 : vector<16xf32>
        %broadcast_in_dim3A_468 = vector.shape_cast %xor3A_141 : vector<16xi32> to vector<16x1xi32>
        %gather3A_469 = vector.shape_cast %broadcast_in_dim3A_468 : vector<16x1xi32> to vector<16xi32>
        %gather3A_470 = tpu.dynamic_gather %add3A_467[%gather3A_469] in [0] : vector<16xf32>, vector<16xi32> -> vector<16xf32>
        %add3A_471 = arith.addf %add3A_467, %gather3A_470 : vector<16xf32>
        %eq3A = vector.broadcast %scan3A_362 : i32 to vector<16xi32>
        %eq3A_472 = arith.cmpi eq, %iota3A, %eq3A : vector<16xi32>
        %select_n3A = arith.select %eq3A_472, %add3A_471, %scan3A_363 : vector<16xi1>, vector<16xf32>
        scf.yield %select_n3A : vector<16xf32>
      }
      %scan3A_345 = arith.constant 16 : i32
      %add3A_346 = arith.addf %scan3A_344, %get3A_130 : vector<16xf32>
      %neg3A = arith.constant 0.000000e+00 : f32
      %neg3A_347 = vector.broadcast %neg3A : f32 to vector<16xf32>
      %neg3A_348 = arith.subf %neg3A_347, %add3A_346 : vector<16xf32>
      %exp3A = math.exp %neg3A_348 : vector<16xf32>
      %add3A_349 = arith.constant 1.000000e+00 : f32
      %add3A_350 = vector.broadcast %add3A_349 : f32 to vector<16xf32>
      %add3A_351 = arith.addf %add3A_350, %exp3A : vector<16xf32>
      %div3A = arith.constant 1.000000e+00 : f32
      %div3A_352 = vector.broadcast %div3A : f32 to vector<16xf32>
      %div3A_353 = arith.divf %div3A_352, %add3A_351 : vector<16xf32>
      %mul3A_354 = arith.constant 16 : i32
      %mul3A_355 = arith.muli %scan3A_337, %mul3A_354 : i32
      %add3A_356 = arith.constant 0 : i32
      %add3A_357 = arith.addi %add3A_356, %mul3A_355 : i32
      %swap3A = arith.index_cast %add3A_357 : i32 to index
      %swap3A_358 = tpu.vector_load %arg17[%swap3A] {strides = array<i32>} : memref<512xf32, #tpu.memory_space<vmem>>, vector<16xf32>,
      %swap3A_359 = vector.shape_cast %swap3A_358 : vector<16xf32> to vector<16xf32>
      %swap3A_360 = vector.shape_cast %div3A_353 : vector<16xf32> to vector<16xf32>
      tpu.vector_store %arg17[%swap3A], %swap3A_360 {strides = array<i32>} : memref<512xf32, #tpu.memory_space<vmem>>, vector<16xf32>,
      %scan3A_361 = arith.constant 0 : i32
      scf.yield %scan3A_361 : i32
    }
    %scan3A_161 = arith.constant 4 : i32
    %dma_start3A_162 = arith.constant 6 : i32
    %dma_start3A_163 = arith.constant 0 : i32
    %dma_start3A_164 = tpu.memref_slice %arg15[%dma_start3A_162, %dma_start3A_163] : memref<8x64xi32, #tpu.memory_space<vmem>> -> memref<1x64xi32, #tpu.memory_space<vmem>>
    %dma_start3A_165 = tpu.memref_squeeze %dma_start3A_164 : memref<1x64xi32, #tpu.memory_space<vmem>> -> memref<64xi32, #tpu.memory_space<vmem>>
    %dma_start3A_166 = arith.constant 0 : i32
    %dma_start3A_167 = arith.constant 0 : i32
    %dma_start3A_168 = tpu.memref_slice %arg4[%dma_start3A_166, %dma_start3A_167] : memref<1000000x128xf32, #tpu.memory_space<hbm>> -> memref<1000000x128xf32, #tpu.memory_space<hbm>>
    tpu.enqueue_indirect_dma source(%dma_start3A_168 : memref<1000000x128xf32, #tpu.memory_space<hbm>>) target(%arg9 : memref<64x128xf32, #tpu.memory_space<vmem>>) offsets(%dma_start3A_165 : memref<64xi32, #tpu.memory_space<vmem>>) semaphore(%arg28 : memref<!tpu.dma_semaphore, #tpu.memory_space<semaphore_mem>>)
    %dma_start3A_169 = arith.constant 6 : i32
    %dma_start3A_170 = arith.constant 0 : i32
    %dma_start3A_171 = tpu.memref_slice %arg16[%dma_start3A_169, %dma_start3A_170] : memref<8x64xi32, #tpu.memory_space<vmem>> -> memref<1x64xi32, #tpu.memory_space<vmem>>
    %dma_start3A_172 = tpu.memref_squeeze %dma_start3A_171 : memref<1x64xi32, #tpu.memory_space<vmem>> -> memref<64xi32, #tpu.memory_space<vmem>>
    %dma_start3A_173 = arith.constant 0 : i32
    %dma_start3A_174 = arith.constant 0 : i32
    %dma_start3A_175 = tpu.memref_slice %arg4[%dma_start3A_173, %dma_start3A_174] : memref<1000000x128xf32, #tpu.memory_space<hbm>> -> memref<1000000x128xf32, #tpu.memory_space<hbm>>
    tpu.enqueue_indirect_dma source(%dma_start3A_175 : memref<1000000x128xf32, #tpu.memory_space<hbm>>) target(%arg22 : memref<64x128xf32, #tpu.memory_space<vmem>>) offsets(%dma_start3A_172 : memref<64xi32, #tpu.memory_space<vmem>>) semaphore(%arg29 : memref<!tpu.dma_semaphore, #tpu.memory_space<semaphore_mem>>)
    %dma_wait3A_176 = arith.constant 1 : i32
    %dma_wait3A_177 = arith.constant 0 : i32
    %dma_wait3A_178 = tpu.memref_slice %arg15[%dma_wait3A_176, %dma_wait3A_177] : memref<8x64xi32, #tpu.memory_space<vmem>> -> memref<1x64xi32, #tpu.memory_space<vmem>>
    %dma_wait3A_179 = tpu.memref_squeeze %dma_wait3A_178 : memref<1x64xi32, #tpu.memory_space<vmem>> -> memref<64xi32, #tpu.memory_space<vmem>>
    %dma_wait3A_180 = arith.constant 0 : i32
    %dma_wait3A_181 = arith.constant 0 : i32
    %dma_wait3A_182 = tpu.memref_slice %arg4[%dma_wait3A_180, %dma_wait3A_181] : memref<1000000x128xf32, #tpu.memory_space<hbm>> -> memref<1000000x128xf32, #tpu.memory_space<hbm>>
    tpu.wait_indirect_dma semaphore(%arg30 : memref<!tpu.dma_semaphore, #tpu.memory_space<semaphore_mem>>) src(%dma_wait3A_182 : memref<1000000x128xf32, #tpu.memory_space<hbm>>) dst(%arg10 : memref<64x128xf32, #tpu.memory_space<vmem>>)
    %dma_wait3A_183 = arith.constant 1 : i32
    %dma_wait3A_184 = arith.constant 0 : i32
    %dma_wait3A_185 = tpu.memref_slice %arg16[%dma_wait3A_183, %dma_wait3A_184] : memref<8x64xi32, #tpu.memory_space<vmem>> -> memref<1x64xi32, #tpu.memory_space<vmem>>
    %dma_wait3A_186 = tpu.memref_squeeze %dma_wait3A_185 : memref<1x64xi32, #tpu.memory_space<vmem>> -> memref<64xi32, #tpu.memory_space<vmem>>
    %dma_wait3A_187 = arith.constant 0 : i32
    %dma_wait3A_188 = arith.constant 0 : i32
    %dma_wait3A_189 = tpu.memref_slice %arg4[%dma_wait3A_187, %dma_wait3A_188] : memref<1000000x128xf32, #tpu.memory_space<hbm>> -> memref<1000000x128xf32, #tpu.memory_space<hbm>>
    tpu.wait_indirect_dma semaphore(%arg31 : memref<!tpu.dma_semaphore, #tpu.memory_space<semaphore_mem>>) src(%dma_wait3A_189 : memref<1000000x128xf32, #tpu.memory_space<hbm>>) dst(%arg23 : memref<64x128xf32, #tpu.memory_space<vmem>>)
    %scan3A_190 = arith.constant 0 : i32
    %scan3A_191 = arith.constant 0 : i32
    %scan3A_192 = arith.constant 4 : i32
    %scan3A_193 = arith.addi %scan3A_191, %scan3A_192 : i32
    %scan3A_194 = arith.constant 1 : i32
    %scan3A_195 = scf.for %scan3A_337 = %scan3A_191 to %scan3A_193 step %scan3A_194 iter_args(%scan3A_338 = %scan3A_190) -> (i32)  : i32 {
      %broadcast_in_dim3A = arith.constant 0.000000e+00 : f32
      %broadcast_in_dim3A_339 = vector.broadcast %broadcast_in_dim3A : f32 to vector<16xf32>
      %scan3A_340 = arith.constant 0 : i32
      %scan3A_341 = arith.constant 16 : i32
      %scan3A_342 = arith.addi %scan3A_340, %scan3A_341 : i32
      %scan3A_343 = arith.constant 1 : i32
      %scan3A_344 = scf.for %scan3A_362 = %scan3A_340 to %scan3A_342 step %scan3A_343 iter_args(%scan3A_363 = %broadcast_in_dim3A_339) -> (vector<16xf32>)  : i32 {
        %mul3A_364 = arith.constant 16 : i32
        %mul3A_365 = arith.muli %scan3A_337, %mul3A_364 : i32
        %add3A_366 = arith.addi %mul3A_365, %scan3A_362 : i32
        %broadcast_in_dim3A_367 = arith.constant 0.000000e+00 : f32
        %broadcast_in_dim3A_368 = vector.broadcast %broadcast_in_dim3A_367 : f32 to vector<16xf32>
        %get3A_369 = arith.index_cast %add3A_366 : i32 to index
        %get3A_370 = arith.constant 0 : index
        %get3A_371 = tpu.vector_load %arg10[%get3A_369, %get3A_370] {strides = array<i32>} : memref<64x128xf32, #tpu.memory_space<vmem>>, vector<1x16xf32>,
        %get3A_372 = vector.shape_cast %get3A_371 : vector<1x16xf32> to vector<16xf32>
        %get3A_373 = arith.index_cast %add3A_366 : i32 to index
        %get3A_374 = arith.constant 0 : index
        %get3A_375 = tpu.vector_load %arg23[%get3A_373, %get3A_374] {strides = array<i32>} : memref<64x128xf32, #tpu.memory_space<vmem>>, vector<1x16xf32>,
        %get3A_376 = vector.shape_cast %get3A_375 : vector<1x16xf32> to vector<16xf32>
        %mul3A_377 = arith.mulf %get3A_372, %get3A_376 : vector<16xf32>
        %mul3A_378 = arith.mulf %mul3A_377, %get3A_106 : vector<16xf32>
        %add3A_379 = arith.addf %broadcast_in_dim3A_368, %mul3A_378 : vector<16xf32>
        %get3A_380 = arith.index_cast %add3A_366 : i32 to index
        %get3A_381 = arith.constant 16 : index
        %get3A_382 = tpu.vector_load %arg10[%get3A_380, %get3A_381] {strides = array<i32>} : memref<64x128xf32, #tpu.memory_space<vmem>>, vector<1x16xf32>,
        %get3A_383 = vector.shape_cast %get3A_382 : vector<1x16xf32> to vector<16xf32>
        %get3A_384 = arith.index_cast %add3A_366 : i32 to index
        %get3A_385 = arith.constant 16 : index
        %get3A_386 = tpu.vector_load %arg23[%get3A_384, %get3A_385] {strides = array<i32>} : memref<64x128xf32, #tpu.memory_space<vmem>>, vector<1x16xf32>,
        %get3A_387 = vector.shape_cast %get3A_386 : vector<1x16xf32> to vector<16xf32>
        %mul3A_388 = arith.mulf %get3A_383, %get3A_387 : vector<16xf32>
        %mul3A_389 = arith.mulf %mul3A_388, %get3A_109 : vector<16xf32>
        %add3A_390 = arith.addf %add3A_379, %mul3A_389 : vector<16xf32>
        %get3A_391 = arith.index_cast %add3A_366 : i32 to index
        %get3A_392 = arith.constant 32 : index
        %get3A_393 = tpu.vector_load %arg10[%get3A_391, %get3A_392] {strides = array<i32>} : memref<64x128xf32, #tpu.memory_space<vmem>>, vector<1x16xf32>,
        %get3A_394 = vector.shape_cast %get3A_393 : vector<1x16xf32> to vector<16xf32>
        %get3A_395 = arith.index_cast %add3A_366 : i32 to index
        %get3A_396 = arith.constant 32 : index
        %get3A_397 = tpu.vector_load %arg23[%get3A_395, %get3A_396] {strides = array<i32>} : memref<64x128xf32, #tpu.memory_space<vmem>>, vector<1x16xf32>,
        %get3A_398 = vector.shape_cast %get3A_397 : vector<1x16xf32> to vector<16xf32>
        %mul3A_399 = arith.mulf %get3A_394, %get3A_398 : vector<16xf32>
        %mul3A_400 = arith.mulf %mul3A_399, %get3A_112 : vector<16xf32>
        %add3A_401 = arith.addf %add3A_390, %mul3A_400 : vector<16xf32>
        %get3A_402 = arith.index_cast %add3A_366 : i32 to index
        %get3A_403 = arith.constant 48 : index
        %get3A_404 = tpu.vector_load %arg10[%get3A_402, %get3A_403] {strides = array<i32>} : memref<64x128xf32, #tpu.memory_space<vmem>>, vector<1x16xf32>,
        %get3A_405 = vector.shape_cast %get3A_404 : vector<1x16xf32> to vector<16xf32>
        %get3A_406 = arith.index_cast %add3A_366 : i32 to index
        %get3A_407 = arith.constant 48 : index
        %get3A_408 = tpu.vector_load %arg23[%get3A_406, %get3A_407] {strides = array<i32>} : memref<64x128xf32, #tpu.memory_space<vmem>>, vector<1x16xf32>,
        %get3A_409 = vector.shape_cast %get3A_408 : vector<1x16xf32> to vector<16xf32>
        %mul3A_410 = arith.mulf %get3A_405, %get3A_409 : vector<16xf32>
        %mul3A_411 = arith.mulf %mul3A_410, %get3A_115 : vector<16xf32>
        %add3A_412 = arith.addf %add3A_401, %mul3A_411 : vector<16xf32>
        %get3A_413 = arith.index_cast %add3A_366 : i32 to index
        %get3A_414 = arith.constant 64 : index
        %get3A_415 = tpu.vector_load %arg10[%get3A_413, %get3A_414] {strides = array<i32>} : memref<64x128xf32, #tpu.memory_space<vmem>>, vector<1x16xf32>,
        %get3A_416 = vector.shape_cast %get3A_415 : vector<1x16xf32> to vector<16xf32>
        %get3A_417 = arith.index_cast %add3A_366 : i32 to index
        %get3A_418 = arith.constant 64 : index
        %get3A_419 = tpu.vector_load %arg23[%get3A_417, %get3A_418] {strides = array<i32>} : memref<64x128xf32, #tpu.memory_space<vmem>>, vector<1x16xf32>,
        %get3A_420 = vector.shape_cast %get3A_419 : vector<1x16xf32> to vector<16xf32>
        %mul3A_421 = arith.mulf %get3A_416, %get3A_420 : vector<16xf32>
        %mul3A_422 = arith.mulf %mul3A_421, %get3A_118 : vector<16xf32>
        %add3A_423 = arith.addf %add3A_412, %mul3A_422 : vector<16xf32>
        %get3A_424 = arith.index_cast %add3A_366 : i32 to index
        %get3A_425 = arith.constant 80 : index
        %get3A_426 = tpu.vector_load %arg10[%get3A_424, %get3A_425] {strides = array<i32>} : memref<64x128xf32, #tpu.memory_space<vmem>>, vector<1x16xf32>,
        %get3A_427 = vector.shape_cast %get3A_426 : vector<1x16xf32> to vector<16xf32>
        %get3A_428 = arith.index_cast %add3A_366 : i32 to index
        %get3A_429 = arith.constant 80 : index
        %get3A_430 = tpu.vector_load %arg23[%get3A_428, %get3A_429] {strides = array<i32>} : memref<64x128xf32, #tpu.memory_space<vmem>>, vector<1x16xf32>,
        %get3A_431 = vector.shape_cast %get3A_430 : vector<1x16xf32> to vector<16xf32>
        %mul3A_432 = arith.mulf %get3A_427, %get3A_431 : vector<16xf32>
        %mul3A_433 = arith.mulf %mul3A_432, %get3A_121 : vector<16xf32>
        %add3A_434 = arith.addf %add3A_423, %mul3A_433 : vector<16xf32>
        %get3A_435 = arith.index_cast %add3A_366 : i32 to index
        %get3A_436 = arith.constant 96 : index
        %get3A_437 = tpu.vector_load %arg10[%get3A_435, %get3A_436] {strides = array<i32>} : memref<64x128xf32, #tpu.memory_space<vmem>>, vector<1x16xf32>,
        %get3A_438 = vector.shape_cast %get3A_437 : vector<1x16xf32> to vector<16xf32>
        %get3A_439 = arith.index_cast %add3A_366 : i32 to index
        %get3A_440 = arith.constant 96 : index
        %get3A_441 = tpu.vector_load %arg23[%get3A_439, %get3A_440] {strides = array<i32>} : memref<64x128xf32, #tpu.memory_space<vmem>>, vector<1x16xf32>,
        %get3A_442 = vector.shape_cast %get3A_441 : vector<1x16xf32> to vector<16xf32>
        %mul3A_443 = arith.mulf %get3A_438, %get3A_442 : vector<16xf32>
        %mul3A_444 = arith.mulf %mul3A_443, %get3A_124 : vector<16xf32>
        %add3A_445 = arith.addf %add3A_434, %mul3A_444 : vector<16xf32>
        %get3A_446 = arith.index_cast %add3A_366 : i32 to index
        %get3A_447 = arith.constant 112 : index
        %get3A_448 = tpu.vector_load %arg10[%get3A_446, %get3A_447] {strides = array<i32>} : memref<64x128xf32, #tpu.memory_space<vmem>>, vector<1x16xf32>,
        %get3A_449 = vector.shape_cast %get3A_448 : vector<1x16xf32> to vector<16xf32>
        %get3A_450 = arith.index_cast %add3A_366 : i32 to index
        %get3A_451 = arith.constant 112 : index
        %get3A_452 = tpu.vector_load %arg23[%get3A_450, %get3A_451] {strides = array<i32>} : memref<64x128xf32, #tpu.memory_space<vmem>>, vector<1x16xf32>,
        %get3A_453 = vector.shape_cast %get3A_452 : vector<1x16xf32> to vector<16xf32>
        %mul3A_454 = arith.mulf %get3A_449, %get3A_453 : vector<16xf32>
        %mul3A_455 = arith.mulf %mul3A_454, %get3A_127 : vector<16xf32>
        %add3A_456 = arith.addf %add3A_445, %mul3A_455 : vector<16xf32>
        %broadcast_in_dim3A_457 = vector.shape_cast %xor3A_132 : vector<16xi32> to vector<16x1xi32>
        %gather3A = vector.shape_cast %broadcast_in_dim3A_457 : vector<16x1xi32> to vector<16xi32>
        %gather3A_458 = tpu.dynamic_gather %add3A_456[%gather3A] in [0] : vector<16xf32>, vector<16xi32> -> vector<16xf32>
        %add3A_459 = arith.addf %add3A_456, %gather3A_458 : vector<16xf32>
        %broadcast_in_dim3A_460 = vector.shape_cast %xor3A_135 : vector<16xi32> to vector<16x1xi32>
        %gather3A_461 = vector.shape_cast %broadcast_in_dim3A_460 : vector<16x1xi32> to vector<16xi32>
        %gather3A_462 = tpu.dynamic_gather %add3A_459[%gather3A_461] in [0] : vector<16xf32>, vector<16xi32> -> vector<16xf32>
        %add3A_463 = arith.addf %add3A_459, %gather3A_462 : vector<16xf32>
        %broadcast_in_dim3A_464 = vector.shape_cast %xor3A_138 : vector<16xi32> to vector<16x1xi32>
        %gather3A_465 = vector.shape_cast %broadcast_in_dim3A_464 : vector<16x1xi32> to vector<16xi32>
        %gather3A_466 = tpu.dynamic_gather %add3A_463[%gather3A_465] in [0] : vector<16xf32>, vector<16xi32> -> vector<16xf32>
        %add3A_467 = arith.addf %add3A_463, %gather3A_466 : vector<16xf32>
        %broadcast_in_dim3A_468 = vector.shape_cast %xor3A_141 : vector<16xi32> to vector<16x1xi32>
        %gather3A_469 = vector.shape_cast %broadcast_in_dim3A_468 : vector<16x1xi32> to vector<16xi32>
        %gather3A_470 = tpu.dynamic_gather %add3A_467[%gather3A_469] in [0] : vector<16xf32>, vector<16xi32> -> vector<16xf32>
        %add3A_471 = arith.addf %add3A_467, %gather3A_470 : vector<16xf32>
        %eq3A = vector.broadcast %scan3A_362 : i32 to vector<16xi32>
        %eq3A_472 = arith.cmpi eq, %iota3A, %eq3A : vector<16xi32>
        %select_n3A = arith.select %eq3A_472, %add3A_471, %scan3A_363 : vector<16xi1>, vector<16xf32>
        scf.yield %select_n3A : vector<16xf32>
      }
      %scan3A_345 = arith.constant 16 : i32
      %add3A_346 = arith.addf %scan3A_344, %get3A_130 : vector<16xf32>
      %neg3A = arith.constant 0.000000e+00 : f32
      %neg3A_347 = vector.broadcast %neg3A : f32 to vector<16xf32>
      %neg3A_348 = arith.subf %neg3A_347, %add3A_346 : vector<16xf32>
      %exp3A = math.exp %neg3A_348 : vector<16xf32>
      %add3A_349 = arith.constant 1.000000e+00 : f32
      %add3A_350 = vector.broadcast %add3A_349 : f32 to vector<16xf32>
      %add3A_351 = arith.addf %add3A_350, %exp3A : vector<16xf32>
      %div3A = arith.constant 1.000000e+00 : f32
      %div3A_352 = vector.broadcast %div3A : f32 to vector<16xf32>
      %div3A_353 = arith.divf %div3A_352, %add3A_351 : vector<16xf32>
      %mul3A_354 = arith.constant 16 : i32
      %mul3A_355 = arith.muli %scan3A_337, %mul3A_354 : i32
      %add3A_356 = arith.constant 64 : i32
      %add3A_357 = arith.addi %add3A_356, %mul3A_355 : i32
      %swap3A = arith.index_cast %add3A_357 : i32 to index
      %swap3A_358 = tpu.vector_load %arg17[%swap3A] {strides = array<i32>} : memref<512xf32, #tpu.memory_space<vmem>>, vector<16xf32>,
      %swap3A_359 = vector.shape_cast %swap3A_358 : vector<16xf32> to vector<16xf32>
      %swap3A_360 = vector.shape_cast %div3A_353 : vector<16xf32> to vector<16xf32>
      tpu.vector_store %arg17[%swap3A], %swap3A_360 {strides = array<i32>} : memref<512xf32, #tpu.memory_space<vmem>>, vector<16xf32>,
      %scan3A_361 = arith.constant 0 : i32
      scf.yield %scan3A_361 : i32
    }
    %scan3A_196 = arith.constant 4 : i32
    %dma_start3A_197 = arith.constant 7 : i32
    %dma_start3A_198 = arith.constant 0 : i32
    %dma_start3A_199 = tpu.memref_slice %arg15[%dma_start3A_197, %dma_start3A_198] : memref<8x64xi32, #tpu.memory_space<vmem>> -> memref<1x64xi32, #tpu.memory_space<vmem>>
    %dma_start3A_200 = tpu.memref_squeeze %dma_start3A_199 : memref<1x64xi32, #tpu.memory_space<vmem>> -> memref<64xi32, #tpu.memory_space<vmem>>
    %dma_start3A_201 = arith.constant 0 : i32
    %dma_start3A_202 = arith.constant 0 : i32
    %dma_start3A_203 = tpu.memref_slice %arg4[%dma_start3A_201, %dma_start3A_202] : memref<1000000x128xf32, #tpu.memory_space<hbm>> -> memref<1000000x128xf32, #tpu.memory_space<hbm>>
    tpu.enqueue_indirect_dma source(%dma_start3A_203 : memref<1000000x128xf32, #tpu.memory_space<hbm>>) target(%arg10 : memref<64x128xf32, #tpu.memory_space<vmem>>) offsets(%dma_start3A_200 : memref<64xi32, #tpu.memory_space<vmem>>) semaphore(%arg30 : memref<!tpu.dma_semaphore, #tpu.memory_space<semaphore_mem>>)
    %dma_start3A_204 = arith.constant 7 : i32
    %dma_start3A_205 = arith.constant 0 : i32
    %dma_start3A_206 = tpu.memref_slice %arg16[%dma_start3A_204, %dma_start3A_205] : memref<8x64xi32, #tpu.memory_space<vmem>> -> memref<1x64xi32, #tpu.memory_space<vmem>>
    %dma_start3A_207 = tpu.memref_squeeze %dma_start3A_206 : memref<1x64xi32, #tpu.memory_space<vmem>> -> memref<64xi32, #tpu.memory_space<vmem>>
    %dma_start3A_208 = arith.constant 0 : i32
    %dma_start3A_209 = arith.constant 0 : i32
    %dma_start3A_210 = tpu.memref_slice %arg4[%dma_start3A_208, %dma_start3A_209] : memref<1000000x128xf32, #tpu.memory_space<hbm>> -> memref<1000000x128xf32, #tpu.memory_space<hbm>>
    tpu.enqueue_indirect_dma source(%dma_start3A_210 : memref<1000000x128xf32, #tpu.memory_space<hbm>>) target(%arg23 : memref<64x128xf32, #tpu.memory_space<vmem>>) offsets(%dma_start3A_207 : memref<64xi32, #tpu.memory_space<vmem>>) semaphore(%arg31 : memref<!tpu.dma_semaphore, #tpu.memory_space<semaphore_mem>>)
    %dma_wait3A_211 = arith.constant 2 : i32
    %dma_wait3A_212 = arith.constant 0 : i32
    %dma_wait3A_213 = tpu.memref_slice %arg15[%dma_wait3A_211, %dma_wait3A_212] : memref<8x64xi32, #tpu.memory_space<vmem>> -> memref<1x64xi32, #tpu.memory_space<vmem>>
    %dma_wait3A_214 = tpu.memref_squeeze %dma_wait3A_213 : memref<1x64xi32, #tpu.memory_space<vmem>> -> memref<64xi32, #tpu.memory_space<vmem>>
    %dma_wait3A_215 = arith.constant 0 : i32
    %dma_wait3A_216 = arith.constant 0 : i32
    %dma_wait3A_217 = tpu.memref_slice %arg4[%dma_wait3A_215, %dma_wait3A_216] : memref<1000000x128xf32, #tpu.memory_space<hbm>> -> memref<1000000x128xf32, #tpu.memory_space<hbm>>
    tpu.wait_indirect_dma semaphore(%arg32 : memref<!tpu.dma_semaphore, #tpu.memory_space<semaphore_mem>>) src(%dma_wait3A_217 : memref<1000000x128xf32, #tpu.memory_space<hbm>>) dst(%arg11 : memref<64x128xf32, #tpu.memory_space<vmem>>)
    %dma_wait3A_218 = arith.constant 2 : i32
    %dma_wait3A_219 = arith.constant 0 : i32
    %dma_wait3A_220 = tpu.memref_slice %arg16[%dma_wait3A_218, %dma_wait3A_219] : memref<8x64xi32, #tpu.memory_space<vmem>> -> memref<1x64xi32, #tpu.memory_space<vmem>>
    %dma_wait3A_221 = tpu.memref_squeeze %dma_wait3A_220 : memref<1x64xi32, #tpu.memory_space<vmem>> -> memref<64xi32, #tpu.memory_space<vmem>>
    %dma_wait3A_222 = arith.constant 0 : i32
    %dma_wait3A_223 = arith.constant 0 : i32
    %dma_wait3A_224 = tpu.memref_slice %arg4[%dma_wait3A_222, %dma_wait3A_223] : memref<1000000x128xf32, #tpu.memory_space<hbm>> -> memref<1000000x128xf32, #tpu.memory_space<hbm>>
    tpu.wait_indirect_dma semaphore(%arg33 : memref<!tpu.dma_semaphore, #tpu.memory_space<semaphore_mem>>) src(%dma_wait3A_224 : memref<1000000x128xf32, #tpu.memory_space<hbm>>) dst(%arg24 : memref<64x128xf32, #tpu.memory_space<vmem>>)
    %scan3A_225 = arith.constant 0 : i32
    %scan3A_226 = arith.constant 0 : i32
    %scan3A_227 = arith.constant 4 : i32
    %scan3A_228 = arith.addi %scan3A_226, %scan3A_227 : i32
    %scan3A_229 = arith.constant 1 : i32
    %scan3A_230 = scf.for %scan3A_337 = %scan3A_226 to %scan3A_228 step %scan3A_229 iter_args(%scan3A_338 = %scan3A_225) -> (i32)  : i32 {
      %broadcast_in_dim3A = arith.constant 0.000000e+00 : f32
      %broadcast_in_dim3A_339 = vector.broadcast %broadcast_in_dim3A : f32 to vector<16xf32>
      %scan3A_340 = arith.constant 0 : i32
      %scan3A_341 = arith.constant 16 : i32
      %scan3A_342 = arith.addi %scan3A_340, %scan3A_341 : i32
      %scan3A_343 = arith.constant 1 : i32
      %scan3A_344 = scf.for %scan3A_362 = %scan3A_340 to %scan3A_342 step %scan3A_343 iter_args(%scan3A_363 = %broadcast_in_dim3A_339) -> (vector<16xf32>)  : i32 {
        %mul3A_364 = arith.constant 16 : i32
        %mul3A_365 = arith.muli %scan3A_337, %mul3A_364 : i32
        %add3A_366 = arith.addi %mul3A_365, %scan3A_362 : i32
        %broadcast_in_dim3A_367 = arith.constant 0.000000e+00 : f32
        %broadcast_in_dim3A_368 = vector.broadcast %broadcast_in_dim3A_367 : f32 to vector<16xf32>
        %get3A_369 = arith.index_cast %add3A_366 : i32 to index
        %get3A_370 = arith.constant 0 : index
        %get3A_371 = tpu.vector_load %arg11[%get3A_369, %get3A_370] {strides = array<i32>} : memref<64x128xf32, #tpu.memory_space<vmem>>, vector<1x16xf32>,
        %get3A_372 = vector.shape_cast %get3A_371 : vector<1x16xf32> to vector<16xf32>
        %get3A_373 = arith.index_cast %add3A_366 : i32 to index
        %get3A_374 = arith.constant 0 : index
        %get3A_375 = tpu.vector_load %arg24[%get3A_373, %get3A_374] {strides = array<i32>} : memref<64x128xf32, #tpu.memory_space<vmem>>, vector<1x16xf32>,
        %get3A_376 = vector.shape_cast %get3A_375 : vector<1x16xf32> to vector<16xf32>
        %mul3A_377 = arith.mulf %get3A_372, %get3A_376 : vector<16xf32>
        %mul3A_378 = arith.mulf %mul3A_377, %get3A_106 : vector<16xf32>
        %add3A_379 = arith.addf %broadcast_in_dim3A_368, %mul3A_378 : vector<16xf32>
        %get3A_380 = arith.index_cast %add3A_366 : i32 to index
        %get3A_381 = arith.constant 16 : index
        %get3A_382 = tpu.vector_load %arg11[%get3A_380, %get3A_381] {strides = array<i32>} : memref<64x128xf32, #tpu.memory_space<vmem>>, vector<1x16xf32>,
        %get3A_383 = vector.shape_cast %get3A_382 : vector<1x16xf32> to vector<16xf32>
        %get3A_384 = arith.index_cast %add3A_366 : i32 to index
        %get3A_385 = arith.constant 16 : index
        %get3A_386 = tpu.vector_load %arg24[%get3A_384, %get3A_385] {strides = array<i32>} : memref<64x128xf32, #tpu.memory_space<vmem>>, vector<1x16xf32>,
        %get3A_387 = vector.shape_cast %get3A_386 : vector<1x16xf32> to vector<16xf32>
        %mul3A_388 = arith.mulf %get3A_383, %get3A_387 : vector<16xf32>
        %mul3A_389 = arith.mulf %mul3A_388, %get3A_109 : vector<16xf32>
        %add3A_390 = arith.addf %add3A_379, %mul3A_389 : vector<16xf32>
        %get3A_391 = arith.index_cast %add3A_366 : i32 to index
        %get3A_392 = arith.constant 32 : index
        %get3A_393 = tpu.vector_load %arg11[%get3A_391, %get3A_392] {strides = array<i32>} : memref<64x128xf32, #tpu.memory_space<vmem>>, vector<1x16xf32>,
        %get3A_394 = vector.shape_cast %get3A_393 : vector<1x16xf32> to vector<16xf32>
        %get3A_395 = arith.index_cast %add3A_366 : i32 to index
        %get3A_396 = arith.constant 32 : index
        %get3A_397 = tpu.vector_load %arg24[%get3A_395, %get3A_396] {strides = array<i32>} : memref<64x128xf32, #tpu.memory_space<vmem>>, vector<1x16xf32>,
        %get3A_398 = vector.shape_cast %get3A_397 : vector<1x16xf32> to vector<16xf32>
        %mul3A_399 = arith.mulf %get3A_394, %get3A_398 : vector<16xf32>
        %mul3A_400 = arith.mulf %mul3A_399, %get3A_112 : vector<16xf32>
        %add3A_401 = arith.addf %add3A_390, %mul3A_400 : vector<16xf32>
        %get3A_402 = arith.index_cast %add3A_366 : i32 to index
        %get3A_403 = arith.constant 48 : index
        %get3A_404 = tpu.vector_load %arg11[%get3A_402, %get3A_403] {strides = array<i32>} : memref<64x128xf32, #tpu.memory_space<vmem>>, vector<1x16xf32>,
        %get3A_405 = vector.shape_cast %get3A_404 : vector<1x16xf32> to vector<16xf32>
        %get3A_406 = arith.index_cast %add3A_366 : i32 to index
        %get3A_407 = arith.constant 48 : index
        %get3A_408 = tpu.vector_load %arg24[%get3A_406, %get3A_407] {strides = array<i32>} : memref<64x128xf32, #tpu.memory_space<vmem>>, vector<1x16xf32>,
        %get3A_409 = vector.shape_cast %get3A_408 : vector<1x16xf32> to vector<16xf32>
        %mul3A_410 = arith.mulf %get3A_405, %get3A_409 : vector<16xf32>
        %mul3A_411 = arith.mulf %mul3A_410, %get3A_115 : vector<16xf32>
        %add3A_412 = arith.addf %add3A_401, %mul3A_411 : vector<16xf32>
        %get3A_413 = arith.index_cast %add3A_366 : i32 to index
        %get3A_414 = arith.constant 64 : index
        %get3A_415 = tpu.vector_load %arg11[%get3A_413, %get3A_414] {strides = array<i32>} : memref<64x128xf32, #tpu.memory_space<vmem>>, vector<1x16xf32>,
        %get3A_416 = vector.shape_cast %get3A_415 : vector<1x16xf32> to vector<16xf32>
        %get3A_417 = arith.index_cast %add3A_366 : i32 to index
        %get3A_418 = arith.constant 64 : index
        %get3A_419 = tpu.vector_load %arg24[%get3A_417, %get3A_418] {strides = array<i32>} : memref<64x128xf32, #tpu.memory_space<vmem>>, vector<1x16xf32>,
        %get3A_420 = vector.shape_cast %get3A_419 : vector<1x16xf32> to vector<16xf32>
        %mul3A_421 = arith.mulf %get3A_416, %get3A_420 : vector<16xf32>
        %mul3A_422 = arith.mulf %mul3A_421, %get3A_118 : vector<16xf32>
        %add3A_423 = arith.addf %add3A_412, %mul3A_422 : vector<16xf32>
        %get3A_424 = arith.index_cast %add3A_366 : i32 to index
        %get3A_425 = arith.constant 80 : index
        %get3A_426 = tpu.vector_load %arg11[%get3A_424, %get3A_425] {strides = array<i32>} : memref<64x128xf32, #tpu.memory_space<vmem>>, vector<1x16xf32>,
        %get3A_427 = vector.shape_cast %get3A_426 : vector<1x16xf32> to vector<16xf32>
        %get3A_428 = arith.index_cast %add3A_366 : i32 to index
        %get3A_429 = arith.constant 80 : index
        %get3A_430 = tpu.vector_load %arg24[%get3A_428, %get3A_429] {strides = array<i32>} : memref<64x128xf32, #tpu.memory_space<vmem>>, vector<1x16xf32>,
        %get3A_431 = vector.shape_cast %get3A_430 : vector<1x16xf32> to vector<16xf32>
        %mul3A_432 = arith.mulf %get3A_427, %get3A_431 : vector<16xf32>
        %mul3A_433 = arith.mulf %mul3A_432, %get3A_121 : vector<16xf32>
        %add3A_434 = arith.addf %add3A_423, %mul3A_433 : vector<16xf32>
        %get3A_435 = arith.index_cast %add3A_366 : i32 to index
        %get3A_436 = arith.constant 96 : index
        %get3A_437 = tpu.vector_load %arg11[%get3A_435, %get3A_436] {strides = array<i32>} : memref<64x128xf32, #tpu.memory_space<vmem>>, vector<1x16xf32>,
        %get3A_438 = vector.shape_cast %get3A_437 : vector<1x16xf32> to vector<16xf32>
        %get3A_439 = arith.index_cast %add3A_366 : i32 to index
        %get3A_440 = arith.constant 96 : index
        %get3A_441 = tpu.vector_load %arg24[%get3A_439, %get3A_440] {strides = array<i32>} : memref<64x128xf32, #tpu.memory_space<vmem>>, vector<1x16xf32>,
        %get3A_442 = vector.shape_cast %get3A_441 : vector<1x16xf32> to vector<16xf32>
        %mul3A_443 = arith.mulf %get3A_438, %get3A_442 : vector<16xf32>
        %mul3A_444 = arith.mulf %mul3A_443, %get3A_124 : vector<16xf32>
        %add3A_445 = arith.addf %add3A_434, %mul3A_444 : vector<16xf32>
        %get3A_446 = arith.index_cast %add3A_366 : i32 to index
        %get3A_447 = arith.constant 112 : index
        %get3A_448 = tpu.vector_load %arg11[%get3A_446, %get3A_447] {strides = array<i32>} : memref<64x128xf32, #tpu.memory_space<vmem>>, vector<1x16xf32>,
        %get3A_449 = vector.shape_cast %get3A_448 : vector<1x16xf32> to vector<16xf32>
        %get3A_450 = arith.index_cast %add3A_366 : i32 to index
        %get3A_451 = arith.constant 112 : index
        %get3A_452 = tpu.vector_load %arg24[%get3A_450, %get3A_451] {strides = array<i32>} : memref<64x128xf32, #tpu.memory_space<vmem>>, vector<1x16xf32>,
        %get3A_453 = vector.shape_cast %get3A_452 : vector<1x16xf32> to vector<16xf32>
        %mul3A_454 = arith.mulf %get3A_449, %get3A_453 : vector<16xf32>
        %mul3A_455 = arith.mulf %mul3A_454, %get3A_127 : vector<16xf32>
        %add3A_456 = arith.addf %add3A_445, %mul3A_455 : vector<16xf32>
        %broadcast_in_dim3A_457 = vector.shape_cast %xor3A_132 : vector<16xi32> to vector<16x1xi32>
        %gather3A = vector.shape_cast %broadcast_in_dim3A_457 : vector<16x1xi32> to vector<16xi32>
        %gather3A_458 = tpu.dynamic_gather %add3A_456[%gather3A] in [0] : vector<16xf32>, vector<16xi32> -> vector<16xf32>
        %add3A_459 = arith.addf %add3A_456, %gather3A_458 : vector<16xf32>
        %broadcast_in_dim3A_460 = vector.shape_cast %xor3A_135 : vector<16xi32> to vector<16x1xi32>
        %gather3A_461 = vector.shape_cast %broadcast_in_dim3A_460 : vector<16x1xi32> to vector<16xi32>
        %gather3A_462 = tpu.dynamic_gather %add3A_459[%gather3A_461] in [0] : vector<16xf32>, vector<16xi32> -> vector<16xf32>
        %add3A_463 = arith.addf %add3A_459, %gather3A_462 : vector<16xf32>
        %broadcast_in_dim3A_464 = vector.shape_cast %xor3A_138 : vector<16xi32> to vector<16x1xi32>
        %gather3A_465 = vector.shape_cast %broadcast_in_dim3A_464 : vector<16x1xi32> to vector<16xi32>
        %gather3A_466 = tpu.dynamic_gather %add3A_463[%gather3A_465] in [0] : vector<16xf32>, vector<16xi32> -> vector<16xf32>
        %add3A_467 = arith.addf %add3A_463, %gather3A_466 : vector<16xf32>
        %broadcast_in_dim3A_468 = vector.shape_cast %xor3A_141 : vector<16xi32> to vector<16x1xi32>
        %gather3A_469 = vector.shape_cast %broadcast_in_dim3A_468 : vector<16x1xi32> to vector<16xi32>
        %gather3A_470 = tpu.dynamic_gather %add3A_467[%gather3A_469] in [0] : vector<16xf32>, vector<16xi32> -> vector<16xf32>
        %add3A_471 = arith.addf %add3A_467, %gather3A_470 : vector<16xf32>
        %eq3A = vector.broadcast %scan3A_362 : i32 to vector<16xi32>
        %eq3A_472 = arith.cmpi eq, %iota3A, %eq3A : vector<16xi32>
        %select_n3A = arith.select %eq3A_472, %add3A_471, %scan3A_363 : vector<16xi1>, vector<16xf32>
        scf.yield %select_n3A : vector<16xf32>
      }
      %scan3A_345 = arith.constant 16 : i32
      %add3A_346 = arith.addf %scan3A_344, %get3A_130 : vector<16xf32>
      %neg3A = arith.constant 0.000000e+00 : f32
      %neg3A_347 = vector.broadcast %neg3A : f32 to vector<16xf32>
      %neg3A_348 = arith.subf %neg3A_347, %add3A_346 : vector<16xf32>
      %exp3A = math.exp %neg3A_348 : vector<16xf32>
      %add3A_349 = arith.constant 1.000000e+00 : f32
      %add3A_350 = vector.broadcast %add3A_349 : f32 to vector<16xf32>
      %add3A_351 = arith.addf %add3A_350, %exp3A : vector<16xf32>
      %div3A = arith.constant 1.000000e+00 : f32
      %div3A_352 = vector.broadcast %div3A : f32 to vector<16xf32>
      %div3A_353 = arith.divf %div3A_352, %add3A_351 : vector<16xf32>
      %mul3A_354 = arith.constant 16 : i32
      %mul3A_355 = arith.muli %scan3A_337, %mul3A_354 : i32
      %add3A_356 = arith.constant 128 : i32
      %add3A_357 = arith.addi %add3A_356, %mul3A_355 : i32
      %swap3A = arith.index_cast %add3A_357 : i32 to index
      %swap3A_358 = tpu.vector_load %arg17[%swap3A] {strides = array<i32>} : memref<512xf32, #tpu.memory_space<vmem>>, vector<16xf32>,
      %swap3A_359 = vector.shape_cast %swap3A_358 : vector<16xf32> to vector<16xf32>
      %swap3A_360 = vector.shape_cast %div3A_353 : vector<16xf32> to vector<16xf32>
      tpu.vector_store %arg17[%swap3A], %swap3A_360 {strides = array<i32>} : memref<512xf32, #tpu.memory_space<vmem>>, vector<16xf32>,
      %scan3A_361 = arith.constant 0 : i32
      scf.yield %scan3A_361 : i32
    }
    %scan3A_231 = arith.constant 4 : i32
    %dma_wait3A_232 = arith.constant 3 : i32
    %dma_wait3A_233 = arith.constant 0 : i32
    %dma_wait3A_234 = tpu.memref_slice %arg15[%dma_wait3A_232, %dma_wait3A_233] : memref<8x64xi32, #tpu.memory_space<vmem>> -> memref<1x64xi32, #tpu.memory_space<vmem>>
    %dma_wait3A_235 = tpu.memref_squeeze %dma_wait3A_234 : memref<1x64xi32, #tpu.memory_space<vmem>> -> memref<64xi32, #tpu.memory_space<vmem>>
    %dma_wait3A_236 = arith.constant 0 : i32
    %dma_wait3A_237 = arith.constant 0 : i32
    %dma_wait3A_238 = tpu.memref_slice %arg4[%dma_wait3A_236, %dma_wait3A_237] : memref<1000000x128xf32, #tpu.memory_space<hbm>> -> memref<1000000x128xf32, #tpu.memory_space<hbm>>
    tpu.wait_indirect_dma semaphore(%arg34 : memref<!tpu.dma_semaphore, #tpu.memory_space<semaphore_mem>>) src(%dma_wait3A_238 : memref<1000000x128xf32, #tpu.memory_space<hbm>>) dst(%arg12 : memref<64x128xf32, #tpu.memory_space<vmem>>)
    %dma_wait3A_239 = arith.constant 3 : i32
    %dma_wait3A_240 = arith.constant 0 : i32
    %dma_wait3A_241 = tpu.memref_slice %arg16[%dma_wait3A_239, %dma_wait3A_240] : memref<8x64xi32, #tpu.memory_space<vmem>> -> memref<1x64xi32, #tpu.memory_space<vmem>>
    %dma_wait3A_242 = tpu.memref_squeeze %dma_wait3A_241 : memref<1x64xi32, #tpu.memory_space<vmem>> -> memref<64xi32, #tpu.memory_space<vmem>>
    %dma_wait3A_243 = arith.constant 0 : i32
    %dma_wait3A_244 = arith.constant 0 : i32
    %dma_wait3A_245 = tpu.memref_slice %arg4[%dma_wait3A_243, %dma_wait3A_244] : memref<1000000x128xf32, #tpu.memory_space<hbm>> -> memref<1000000x128xf32, #tpu.memory_space<hbm>>
    tpu.wait_indirect_dma semaphore(%arg35 : memref<!tpu.dma_semaphore, #tpu.memory_space<semaphore_mem>>) src(%dma_wait3A_245 : memref<1000000x128xf32, #tpu.memory_space<hbm>>) dst(%arg25 : memref<64x128xf32, #tpu.memory_space<vmem>>)
    %scan3A_246 = arith.constant 0 : i32
    %scan3A_247 = arith.constant 0 : i32
    %scan3A_248 = arith.constant 4 : i32
    %scan3A_249 = arith.addi %scan3A_247, %scan3A_248 : i32
    %scan3A_250 = arith.constant 1 : i32
    %scan3A_251 = scf.for %scan3A_337 = %scan3A_247 to %scan3A_249 step %scan3A_250 iter_args(%scan3A_338 = %scan3A_246) -> (i32)  : i32 {
      %broadcast_in_dim3A = arith.constant 0.000000e+00 : f32
      %broadcast_in_dim3A_339 = vector.broadcast %broadcast_in_dim3A : f32 to vector<16xf32>
      %scan3A_340 = arith.constant 0 : i32
      %scan3A_341 = arith.constant 16 : i32
      %scan3A_342 = arith.addi %scan3A_340, %scan3A_341 : i32
      %scan3A_343 = arith.constant 1 : i32
      %scan3A_344 = scf.for %scan3A_362 = %scan3A_340 to %scan3A_342 step %scan3A_343 iter_args(%scan3A_363 = %broadcast_in_dim3A_339) -> (vector<16xf32>)  : i32 {
        %mul3A_364 = arith.constant 16 : i32
        %mul3A_365 = arith.muli %scan3A_337, %mul3A_364 : i32
        %add3A_366 = arith.addi %mul3A_365, %scan3A_362 : i32
        %broadcast_in_dim3A_367 = arith.constant 0.000000e+00 : f32
        %broadcast_in_dim3A_368 = vector.broadcast %broadcast_in_dim3A_367 : f32 to vector<16xf32>
        %get3A_369 = arith.index_cast %add3A_366 : i32 to index
        %get3A_370 = arith.constant 0 : index
        %get3A_371 = tpu.vector_load %arg12[%get3A_369, %get3A_370] {strides = array<i32>} : memref<64x128xf32, #tpu.memory_space<vmem>>, vector<1x16xf32>,
        %get3A_372 = vector.shape_cast %get3A_371 : vector<1x16xf32> to vector<16xf32>
        %get3A_373 = arith.index_cast %add3A_366 : i32 to index
        %get3A_374 = arith.constant 0 : index
        %get3A_375 = tpu.vector_load %arg25[%get3A_373, %get3A_374] {strides = array<i32>} : memref<64x128xf32, #tpu.memory_space<vmem>>, vector<1x16xf32>,
        %get3A_376 = vector.shape_cast %get3A_375 : vector<1x16xf32> to vector<16xf32>
        %mul3A_377 = arith.mulf %get3A_372, %get3A_376 : vector<16xf32>
        %mul3A_378 = arith.mulf %mul3A_377, %get3A_106 : vector<16xf32>
        %add3A_379 = arith.addf %broadcast_in_dim3A_368, %mul3A_378 : vector<16xf32>
        %get3A_380 = arith.index_cast %add3A_366 : i32 to index
        %get3A_381 = arith.constant 16 : index
        %get3A_382 = tpu.vector_load %arg12[%get3A_380, %get3A_381] {strides = array<i32>} : memref<64x128xf32, #tpu.memory_space<vmem>>, vector<1x16xf32>,
        %get3A_383 = vector.shape_cast %get3A_382 : vector<1x16xf32> to vector<16xf32>
        %get3A_384 = arith.index_cast %add3A_366 : i32 to index
        %get3A_385 = arith.constant 16 : index
        %get3A_386 = tpu.vector_load %arg25[%get3A_384, %get3A_385] {strides = array<i32>} : memref<64x128xf32, #tpu.memory_space<vmem>>, vector<1x16xf32>,
        %get3A_387 = vector.shape_cast %get3A_386 : vector<1x16xf32> to vector<16xf32>
        %mul3A_388 = arith.mulf %get3A_383, %get3A_387 : vector<16xf32>
        %mul3A_389 = arith.mulf %mul3A_388, %get3A_109 : vector<16xf32>
        %add3A_390 = arith.addf %add3A_379, %mul3A_389 : vector<16xf32>
        %get3A_391 = arith.index_cast %add3A_366 : i32 to index
        %get3A_392 = arith.constant 32 : index
        %get3A_393 = tpu.vector_load %arg12[%get3A_391, %get3A_392] {strides = array<i32>} : memref<64x128xf32, #tpu.memory_space<vmem>>, vector<1x16xf32>,
        %get3A_394 = vector.shape_cast %get3A_393 : vector<1x16xf32> to vector<16xf32>
        %get3A_395 = arith.index_cast %add3A_366 : i32 to index
        %get3A_396 = arith.constant 32 : index
        %get3A_397 = tpu.vector_load %arg25[%get3A_395, %get3A_396] {strides = array<i32>} : memref<64x128xf32, #tpu.memory_space<vmem>>, vector<1x16xf32>,
        %get3A_398 = vector.shape_cast %get3A_397 : vector<1x16xf32> to vector<16xf32>
        %mul3A_399 = arith.mulf %get3A_394, %get3A_398 : vector<16xf32>
        %mul3A_400 = arith.mulf %mul3A_399, %get3A_112 : vector<16xf32>
        %add3A_401 = arith.addf %add3A_390, %mul3A_400 : vector<16xf32>
        %get3A_402 = arith.index_cast %add3A_366 : i32 to index
        %get3A_403 = arith.constant 48 : index
        %get3A_404 = tpu.vector_load %arg12[%get3A_402, %get3A_403] {strides = array<i32>} : memref<64x128xf32, #tpu.memory_space<vmem>>, vector<1x16xf32>,
        %get3A_405 = vector.shape_cast %get3A_404 : vector<1x16xf32> to vector<16xf32>
        %get3A_406 = arith.index_cast %add3A_366 : i32 to index
        %get3A_407 = arith.constant 48 : index
        %get3A_408 = tpu.vector_load %arg25[%get3A_406, %get3A_407] {strides = array<i32>} : memref<64x128xf32, #tpu.memory_space<vmem>>, vector<1x16xf32>,
        %get3A_409 = vector.shape_cast %get3A_408 : vector<1x16xf32> to vector<16xf32>
        %mul3A_410 = arith.mulf %get3A_405, %get3A_409 : vector<16xf32>
        %mul3A_411 = arith.mulf %mul3A_410, %get3A_115 : vector<16xf32>
        %add3A_412 = arith.addf %add3A_401, %mul3A_411 : vector<16xf32>
        %get3A_413 = arith.index_cast %add3A_366 : i32 to index
        %get3A_414 = arith.constant 64 : index
        %get3A_415 = tpu.vector_load %arg12[%get3A_413, %get3A_414] {strides = array<i32>} : memref<64x128xf32, #tpu.memory_space<vmem>>, vector<1x16xf32>,
        %get3A_416 = vector.shape_cast %get3A_415 : vector<1x16xf32> to vector<16xf32>
        %get3A_417 = arith.index_cast %add3A_366 : i32 to index
        %get3A_418 = arith.constant 64 : index
        %get3A_419 = tpu.vector_load %arg25[%get3A_417, %get3A_418] {strides = array<i32>} : memref<64x128xf32, #tpu.memory_space<vmem>>, vector<1x16xf32>,
        %get3A_420 = vector.shape_cast %get3A_419 : vector<1x16xf32> to vector<16xf32>
        %mul3A_421 = arith.mulf %get3A_416, %get3A_420 : vector<16xf32>
        %mul3A_422 = arith.mulf %mul3A_421, %get3A_118 : vector<16xf32>
        %add3A_423 = arith.addf %add3A_412, %mul3A_422 : vector<16xf32>
        %get3A_424 = arith.index_cast %add3A_366 : i32 to index
        %get3A_425 = arith.constant 80 : index
        %get3A_426 = tpu.vector_load %arg12[%get3A_424, %get3A_425] {strides = array<i32>} : memref<64x128xf32, #tpu.memory_space<vmem>>, vector<1x16xf32>,
        %get3A_427 = vector.shape_cast %get3A_426 : vector<1x16xf32> to vector<16xf32>
        %get3A_428 = arith.index_cast %add3A_366 : i32 to index
        %get3A_429 = arith.constant 80 : index
        %get3A_430 = tpu.vector_load %arg25[%get3A_428, %get3A_429] {strides = array<i32>} : memref<64x128xf32, #tpu.memory_space<vmem>>, vector<1x16xf32>,
        %get3A_431 = vector.shape_cast %get3A_430 : vector<1x16xf32> to vector<16xf32>
        %mul3A_432 = arith.mulf %get3A_427, %get3A_431 : vector<16xf32>
        %mul3A_433 = arith.mulf %mul3A_432, %get3A_121 : vector<16xf32>
        %add3A_434 = arith.addf %add3A_423, %mul3A_433 : vector<16xf32>
        %get3A_435 = arith.index_cast %add3A_366 : i32 to index
        %get3A_436 = arith.constant 96 : index
        %get3A_437 = tpu.vector_load %arg12[%get3A_435, %get3A_436] {strides = array<i32>} : memref<64x128xf32, #tpu.memory_space<vmem>>, vector<1x16xf32>,
        %get3A_438 = vector.shape_cast %get3A_437 : vector<1x16xf32> to vector<16xf32>
        %get3A_439 = arith.index_cast %add3A_366 : i32 to index
        %get3A_440 = arith.constant 96 : index
        %get3A_441 = tpu.vector_load %arg25[%get3A_439, %get3A_440] {strides = array<i32>} : memref<64x128xf32, #tpu.memory_space<vmem>>, vector<1x16xf32>,
        %get3A_442 = vector.shape_cast %get3A_441 : vector<1x16xf32> to vector<16xf32>
        %mul3A_443 = arith.mulf %get3A_438, %get3A_442 : vector<16xf32>
        %mul3A_444 = arith.mulf %mul3A_443, %get3A_124 : vector<16xf32>
        %add3A_445 = arith.addf %add3A_434, %mul3A_444 : vector<16xf32>
        %get3A_446 = arith.index_cast %add3A_366 : i32 to index
        %get3A_447 = arith.constant 112 : index
        %get3A_448 = tpu.vector_load %arg12[%get3A_446, %get3A_447] {strides = array<i32>} : memref<64x128xf32, #tpu.memory_space<vmem>>, vector<1x16xf32>,
        %get3A_449 = vector.shape_cast %get3A_448 : vector<1x16xf32> to vector<16xf32>
        %get3A_450 = arith.index_cast %add3A_366 : i32 to index
        %get3A_451 = arith.constant 112 : index
        %get3A_452 = tpu.vector_load %arg25[%get3A_450, %get3A_451] {strides = array<i32>} : memref<64x128xf32, #tpu.memory_space<vmem>>, vector<1x16xf32>,
        %get3A_453 = vector.shape_cast %get3A_452 : vector<1x16xf32> to vector<16xf32>
        %mul3A_454 = arith.mulf %get3A_449, %get3A_453 : vector<16xf32>
        %mul3A_455 = arith.mulf %mul3A_454, %get3A_127 : vector<16xf32>
        %add3A_456 = arith.addf %add3A_445, %mul3A_455 : vector<16xf32>
        %broadcast_in_dim3A_457 = vector.shape_cast %xor3A_132 : vector<16xi32> to vector<16x1xi32>
        %gather3A = vector.shape_cast %broadcast_in_dim3A_457 : vector<16x1xi32> to vector<16xi32>
        %gather3A_458 = tpu.dynamic_gather %add3A_456[%gather3A] in [0] : vector<16xf32>, vector<16xi32> -> vector<16xf32>
        %add3A_459 = arith.addf %add3A_456, %gather3A_458 : vector<16xf32>
        %broadcast_in_dim3A_460 = vector.shape_cast %xor3A_135 : vector<16xi32> to vector<16x1xi32>
        %gather3A_461 = vector.shape_cast %broadcast_in_dim3A_460 : vector<16x1xi32> to vector<16xi32>
        %gather3A_462 = tpu.dynamic_gather %add3A_459[%gather3A_461] in [0] : vector<16xf32>, vector<16xi32> -> vector<16xf32>
        %add3A_463 = arith.addf %add3A_459, %gather3A_462 : vector<16xf32>
        %broadcast_in_dim3A_464 = vector.shape_cast %xor3A_138 : vector<16xi32> to vector<16x1xi32>
        %gather3A_465 = vector.shape_cast %broadcast_in_dim3A_464 : vector<16x1xi32> to vector<16xi32>
        %gather3A_466 = tpu.dynamic_gather %add3A_463[%gather3A_465] in [0] : vector<16xf32>, vector<16xi32> -> vector<16xf32>
        %add3A_467 = arith.addf %add3A_463, %gather3A_466 : vector<16xf32>
        %broadcast_in_dim3A_468 = vector.shape_cast %xor3A_141 : vector<16xi32> to vector<16x1xi32>
        %gather3A_469 = vector.shape_cast %broadcast_in_dim3A_468 : vector<16x1xi32> to vector<16xi32>
        %gather3A_470 = tpu.dynamic_gather %add3A_467[%gather3A_469] in [0] : vector<16xf32>, vector<16xi32> -> vector<16xf32>
        %add3A_471 = arith.addf %add3A_467, %gather3A_470 : vector<16xf32>
        %eq3A = vector.broadcast %scan3A_362 : i32 to vector<16xi32>
        %eq3A_472 = arith.cmpi eq, %iota3A, %eq3A : vector<16xi32>
        %select_n3A = arith.select %eq3A_472, %add3A_471, %scan3A_363 : vector<16xi1>, vector<16xf32>
        scf.yield %select_n3A : vector<16xf32>
      }
      %scan3A_345 = arith.constant 16 : i32
      %add3A_346 = arith.addf %scan3A_344, %get3A_130 : vector<16xf32>
      %neg3A = arith.constant 0.000000e+00 : f32
      %neg3A_347 = vector.broadcast %neg3A : f32 to vector<16xf32>
      %neg3A_348 = arith.subf %neg3A_347, %add3A_346 : vector<16xf32>
      %exp3A = math.exp %neg3A_348 : vector<16xf32>
      %add3A_349 = arith.constant 1.000000e+00 : f32
      %add3A_350 = vector.broadcast %add3A_349 : f32 to vector<16xf32>
      %add3A_351 = arith.addf %add3A_350, %exp3A : vector<16xf32>
      %div3A = arith.constant 1.000000e+00 : f32
      %div3A_352 = vector.broadcast %div3A : f32 to vector<16xf32>
      %div3A_353 = arith.divf %div3A_352, %add3A_351 : vector<16xf32>
      %mul3A_354 = arith.constant 16 : i32
      %mul3A_355 = arith.muli %scan3A_337, %mul3A_354 : i32
      %add3A_356 = arith.constant 192 : i32
      %add3A_357 = arith.addi %add3A_356, %mul3A_355 : i32
      %swap3A = arith.index_cast %add3A_357 : i32 to index
      %swap3A_358 = tpu.vector_load %arg17[%swap3A] {strides = array<i32>} : memref<512xf32, #tpu.memory_space<vmem>>, vector<16xf32>,
      %swap3A_359 = vector.shape_cast %swap3A_358 : vector<16xf32> to vector<16xf32>
      %swap3A_360 = vector.shape_cast %div3A_353 : vector<16xf32> to vector<16xf32>
      tpu.vector_store %arg17[%swap3A], %swap3A_360 {strides = array<i32>} : memref<512xf32, #tpu.memory_space<vmem>>, vector<16xf32>,
      %scan3A_361 = arith.constant 0 : i32
      scf.yield %scan3A_361 : i32
    }
    %scan3A_252 = arith.constant 4 : i32
    %dma_wait3A_253 = arith.constant 4 : i32
    %dma_wait3A_254 = arith.constant 0 : i32
    %dma_wait3A_255 = tpu.memref_slice %arg15[%dma_wait3A_253, %dma_wait3A_254] : memref<8x64xi32, #tpu.memory_space<vmem>> -> memref<1x64xi32, #tpu.memory_space<vmem>>
    %dma_wait3A_256 = tpu.memref_squeeze %dma_wait3A_255 : memref<1x64xi32, #tpu.memory_space<vmem>> -> memref<64xi32, #tpu.memory_space<vmem>>
    %dma_wait3A_257 = arith.constant 0 : i32
    %dma_wait3A_258 = arith.constant 0 : i32
    %dma_wait3A_259 = tpu.memref_slice %arg4[%dma_wait3A_257, %dma_wait3A_258] : memref<1000000x128xf32, #tpu.memory_space<hbm>> -> memref<1000000x128xf32, #tpu.memory_space<hbm>>
    tpu.wait_indirect_dma semaphore(%arg36 : memref<!tpu.dma_semaphore, #tpu.memory_space<semaphore_mem>>) src(%dma_wait3A_259 : memref<1000000x128xf32, #tpu.memory_space<hbm>>) dst(%arg13 : memref<64x128xf32, #tpu.memory_space<vmem>>)
    %dma_wait3A_260 = arith.constant 4 : i32
    %dma_wait3A_261 = arith.constant 0 : i32
    %dma_wait3A_262 = tpu.memref_slice %arg16[%dma_wait3A_260, %dma_wait3A_261] : memref<8x64xi32, #tpu.memory_space<vmem>> -> memref<1x64xi32, #tpu.memory_space<vmem>>
    %dma_wait3A_263 = tpu.memref_squeeze %dma_wait3A_262 : memref<1x64xi32, #tpu.memory_space<vmem>> -> memref<64xi32, #tpu.memory_space<vmem>>
    %dma_wait3A_264 = arith.constant 0 : i32
    %dma_wait3A_265 = arith.constant 0 : i32
    %dma_wait3A_266 = tpu.memref_slice %arg4[%dma_wait3A_264, %dma_wait3A_265] : memref<1000000x128xf32, #tpu.memory_space<hbm>> -> memref<1000000x128xf32, #tpu.memory_space<hbm>>
    tpu.wait_indirect_dma semaphore(%arg37 : memref<!tpu.dma_semaphore, #tpu.memory_space<semaphore_mem>>) src(%dma_wait3A_266 : memref<1000000x128xf32, #tpu.memory_space<hbm>>) dst(%arg26 : memref<64x128xf32, #tpu.memory_space<vmem>>)
    %scan3A_267 = arith.constant 0 : i32
    %scan3A_268 = arith.constant 0 : i32
    %scan3A_269 = arith.constant 4 : i32
    %scan3A_270 = arith.addi %scan3A_268, %scan3A_269 : i32
    %scan3A_271 = arith.constant 1 : i32
    %scan3A_272 = scf.for %scan3A_337 = %scan3A_268 to %scan3A_270 step %scan3A_271 iter_args(%scan3A_338 = %scan3A_267) -> (i32)  : i32 {
      %broadcast_in_dim3A = arith.constant 0.000000e+00 : f32
      %broadcast_in_dim3A_339 = vector.broadcast %broadcast_in_dim3A : f32 to vector<16xf32>
      %scan3A_340 = arith.constant 0 : i32
      %scan3A_341 = arith.constant 16 : i32
      %scan3A_342 = arith.addi %scan3A_340, %scan3A_341 : i32
      %scan3A_343 = arith.constant 1 : i32
      %scan3A_344 = scf.for %scan3A_362 = %scan3A_340 to %scan3A_342 step %scan3A_343 iter_args(%scan3A_363 = %broadcast_in_dim3A_339) -> (vector<16xf32>)  : i32 {
        %mul3A_364 = arith.constant 16 : i32
        %mul3A_365 = arith.muli %scan3A_337, %mul3A_364 : i32
        %add3A_366 = arith.addi %mul3A_365, %scan3A_362 : i32
        %broadcast_in_dim3A_367 = arith.constant 0.000000e+00 : f32
        %broadcast_in_dim3A_368 = vector.broadcast %broadcast_in_dim3A_367 : f32 to vector<16xf32>
        %get3A_369 = arith.index_cast %add3A_366 : i32 to index
        %get3A_370 = arith.constant 0 : index
        %get3A_371 = tpu.vector_load %arg13[%get3A_369, %get3A_370] {strides = array<i32>} : memref<64x128xf32, #tpu.memory_space<vmem>>, vector<1x16xf32>,
        %get3A_372 = vector.shape_cast %get3A_371 : vector<1x16xf32> to vector<16xf32>
        %get3A_373 = arith.index_cast %add3A_366 : i32 to index
        %get3A_374 = arith.constant 0 : index
        %get3A_375 = tpu.vector_load %arg26[%get3A_373, %get3A_374] {strides = array<i32>} : memref<64x128xf32, #tpu.memory_space<vmem>>, vector<1x16xf32>,
        %get3A_376 = vector.shape_cast %get3A_375 : vector<1x16xf32> to vector<16xf32>
        %mul3A_377 = arith.mulf %get3A_372, %get3A_376 : vector<16xf32>
        %mul3A_378 = arith.mulf %mul3A_377, %get3A_106 : vector<16xf32>
        %add3A_379 = arith.addf %broadcast_in_dim3A_368, %mul3A_378 : vector<16xf32>
        %get3A_380 = arith.index_cast %add3A_366 : i32 to index
        %get3A_381 = arith.constant 16 : index
        %get3A_382 = tpu.vector_load %arg13[%get3A_380, %get3A_381] {strides = array<i32>} : memref<64x128xf32, #tpu.memory_space<vmem>>, vector<1x16xf32>,
        %get3A_383 = vector.shape_cast %get3A_382 : vector<1x16xf32> to vector<16xf32>
        %get3A_384 = arith.index_cast %add3A_366 : i32 to index
        %get3A_385 = arith.constant 16 : index
        %get3A_386 = tpu.vector_load %arg26[%get3A_384, %get3A_385] {strides = array<i32>} : memref<64x128xf32, #tpu.memory_space<vmem>>, vector<1x16xf32>,
        %get3A_387 = vector.shape_cast %get3A_386 : vector<1x16xf32> to vector<16xf32>
        %mul3A_388 = arith.mulf %get3A_383, %get3A_387 : vector<16xf32>
        %mul3A_389 = arith.mulf %mul3A_388, %get3A_109 : vector<16xf32>
        %add3A_390 = arith.addf %add3A_379, %mul3A_389 : vector<16xf32>
        %get3A_391 = arith.index_cast %add3A_366 : i32 to index
        %get3A_392 = arith.constant 32 : index
        %get3A_393 = tpu.vector_load %arg13[%get3A_391, %get3A_392] {strides = array<i32>} : memref<64x128xf32, #tpu.memory_space<vmem>>, vector<1x16xf32>,
        %get3A_394 = vector.shape_cast %get3A_393 : vector<1x16xf32> to vector<16xf32>
        %get3A_395 = arith.index_cast %add3A_366 : i32 to index
        %get3A_396 = arith.constant 32 : index
        %get3A_397 = tpu.vector_load %arg26[%get3A_395, %get3A_396] {strides = array<i32>} : memref<64x128xf32, #tpu.memory_space<vmem>>, vector<1x16xf32>,
        %get3A_398 = vector.shape_cast %get3A_397 : vector<1x16xf32> to vector<16xf32>
        %mul3A_399 = arith.mulf %get3A_394, %get3A_398 : vector<16xf32>
        %mul3A_400 = arith.mulf %mul3A_399, %get3A_112 : vector<16xf32>
        %add3A_401 = arith.addf %add3A_390, %mul3A_400 : vector<16xf32>
        %get3A_402 = arith.index_cast %add3A_366 : i32 to index
        %get3A_403 = arith.constant 48 : index
        %get3A_404 = tpu.vector_load %arg13[%get3A_402, %get3A_403] {strides = array<i32>} : memref<64x128xf32, #tpu.memory_space<vmem>>, vector<1x16xf32>,
        %get3A_405 = vector.shape_cast %get3A_404 : vector<1x16xf32> to vector<16xf32>
        %get3A_406 = arith.index_cast %add3A_366 : i32 to index
        %get3A_407 = arith.constant 48 : index
        %get3A_408 = tpu.vector_load %arg26[%get3A_406, %get3A_407] {strides = array<i32>} : memref<64x128xf32, #tpu.memory_space<vmem>>, vector<1x16xf32>,
        %get3A_409 = vector.shape_cast %get3A_408 : vector<1x16xf32> to vector<16xf32>
        %mul3A_410 = arith.mulf %get3A_405, %get3A_409 : vector<16xf32>
        %mul3A_411 = arith.mulf %mul3A_410, %get3A_115 : vector<16xf32>
        %add3A_412 = arith.addf %add3A_401, %mul3A_411 : vector<16xf32>
        %get3A_413 = arith.index_cast %add3A_366 : i32 to index
        %get3A_414 = arith.constant 64 : index
        %get3A_415 = tpu.vector_load %arg13[%get3A_413, %get3A_414] {strides = array<i32>} : memref<64x128xf32, #tpu.memory_space<vmem>>, vector<1x16xf32>,
        %get3A_416 = vector.shape_cast %get3A_415 : vector<1x16xf32> to vector<16xf32>
        %get3A_417 = arith.index_cast %add3A_366 : i32 to index
        %get3A_418 = arith.constant 64 : index
        %get3A_419 = tpu.vector_load %arg26[%get3A_417, %get3A_418] {strides = array<i32>} : memref<64x128xf32, #tpu.memory_space<vmem>>, vector<1x16xf32>,
        %get3A_420 = vector.shape_cast %get3A_419 : vector<1x16xf32> to vector<16xf32>
        %mul3A_421 = arith.mulf %get3A_416, %get3A_420 : vector<16xf32>
        %mul3A_422 = arith.mulf %mul3A_421, %get3A_118 : vector<16xf32>
        %add3A_423 = arith.addf %add3A_412, %mul3A_422 : vector<16xf32>
        %get3A_424 = arith.index_cast %add3A_366 : i32 to index
        %get3A_425 = arith.constant 80 : index
        %get3A_426 = tpu.vector_load %arg13[%get3A_424, %get3A_425] {strides = array<i32>} : memref<64x128xf32, #tpu.memory_space<vmem>>, vector<1x16xf32>,
        %get3A_427 = vector.shape_cast %get3A_426 : vector<1x16xf32> to vector<16xf32>
        %get3A_428 = arith.index_cast %add3A_366 : i32 to index
        %get3A_429 = arith.constant 80 : index
        %get3A_430 = tpu.vector_load %arg26[%get3A_428, %get3A_429] {strides = array<i32>} : memref<64x128xf32, #tpu.memory_space<vmem>>, vector<1x16xf32>,
        %get3A_431 = vector.shape_cast %get3A_430 : vector<1x16xf32> to vector<16xf32>
        %mul3A_432 = arith.mulf %get3A_427, %get3A_431 : vector<16xf32>
        %mul3A_433 = arith.mulf %mul3A_432, %get3A_121 : vector<16xf32>
        %add3A_434 = arith.addf %add3A_423, %mul3A_433 : vector<16xf32>
        %get3A_435 = arith.index_cast %add3A_366 : i32 to index
        %get3A_436 = arith.constant 96 : index
        %get3A_437 = tpu.vector_load %arg13[%get3A_435, %get3A_436] {strides = array<i32>} : memref<64x128xf32, #tpu.memory_space<vmem>>, vector<1x16xf32>,
        %get3A_438 = vector.shape_cast %get3A_437 : vector<1x16xf32> to vector<16xf32>
        %get3A_439 = arith.index_cast %add3A_366 : i32 to index
        %get3A_440 = arith.constant 96 : index
        %get3A_441 = tpu.vector_load %arg26[%get3A_439, %get3A_440] {strides = array<i32>} : memref<64x128xf32, #tpu.memory_space<vmem>>, vector<1x16xf32>,
        %get3A_442 = vector.shape_cast %get3A_441 : vector<1x16xf32> to vector<16xf32>
        %mul3A_443 = arith.mulf %get3A_438, %get3A_442 : vector<16xf32>
        %mul3A_444 = arith.mulf %mul3A_443, %get3A_124 : vector<16xf32>
        %add3A_445 = arith.addf %add3A_434, %mul3A_444 : vector<16xf32>
        %get3A_446 = arith.index_cast %add3A_366 : i32 to index
        %get3A_447 = arith.constant 112 : index
        %get3A_448 = tpu.vector_load %arg13[%get3A_446, %get3A_447] {strides = array<i32>} : memref<64x128xf32, #tpu.memory_space<vmem>>, vector<1x16xf32>,
        %get3A_449 = vector.shape_cast %get3A_448 : vector<1x16xf32> to vector<16xf32>
        %get3A_450 = arith.index_cast %add3A_366 : i32 to index
        %get3A_451 = arith.constant 112 : index
        %get3A_452 = tpu.vector_load %arg26[%get3A_450, %get3A_451] {strides = array<i32>} : memref<64x128xf32, #tpu.memory_space<vmem>>, vector<1x16xf32>,
        %get3A_453 = vector.shape_cast %get3A_452 : vector<1x16xf32> to vector<16xf32>
        %mul3A_454 = arith.mulf %get3A_449, %get3A_453 : vector<16xf32>
        %mul3A_455 = arith.mulf %mul3A_454, %get3A_127 : vector<16xf32>
        %add3A_456 = arith.addf %add3A_445, %mul3A_455 : vector<16xf32>
        %broadcast_in_dim3A_457 = vector.shape_cast %xor3A_132 : vector<16xi32> to vector<16x1xi32>
        %gather3A = vector.shape_cast %broadcast_in_dim3A_457 : vector<16x1xi32> to vector<16xi32>
        %gather3A_458 = tpu.dynamic_gather %add3A_456[%gather3A] in [0] : vector<16xf32>, vector<16xi32> -> vector<16xf32>
        %add3A_459 = arith.addf %add3A_456, %gather3A_458 : vector<16xf32>
        %broadcast_in_dim3A_460 = vector.shape_cast %xor3A_135 : vector<16xi32> to vector<16x1xi32>
        %gather3A_461 = vector.shape_cast %broadcast_in_dim3A_460 : vector<16x1xi32> to vector<16xi32>
        %gather3A_462 = tpu.dynamic_gather %add3A_459[%gather3A_461] in [0] : vector<16xf32>, vector<16xi32> -> vector<16xf32>
        %add3A_463 = arith.addf %add3A_459, %gather3A_462 : vector<16xf32>
        %broadcast_in_dim3A_464 = vector.shape_cast %xor3A_138 : vector<16xi32> to vector<16x1xi32>
        %gather3A_465 = vector.shape_cast %broadcast_in_dim3A_464 : vector<16x1xi32> to vector<16xi32>
        %gather3A_466 = tpu.dynamic_gather %add3A_463[%gather3A_465] in [0] : vector<16xf32>, vector<16xi32> -> vector<16xf32>
        %add3A_467 = arith.addf %add3A_463, %gather3A_466 : vector<16xf32>
        %broadcast_in_dim3A_468 = vector.shape_cast %xor3A_141 : vector<16xi32> to vector<16x1xi32>
        %gather3A_469 = vector.shape_cast %broadcast_in_dim3A_468 : vector<16x1xi32> to vector<16xi32>
        %gather3A_470 = tpu.dynamic_gather %add3A_467[%gather3A_469] in [0] : vector<16xf32>, vector<16xi32> -> vector<16xf32>
        %add3A_471 = arith.addf %add3A_467, %gather3A_470 : vector<16xf32>
        %eq3A = vector.broadcast %scan3A_362 : i32 to vector<16xi32>
        %eq3A_472 = arith.cmpi eq, %iota3A, %eq3A : vector<16xi32>
        %select_n3A = arith.select %eq3A_472, %add3A_471, %scan3A_363 : vector<16xi1>, vector<16xf32>
        scf.yield %select_n3A : vector<16xf32>
      }
      %scan3A_345 = arith.constant 16 : i32
      %add3A_346 = arith.addf %scan3A_344, %get3A_130 : vector<16xf32>
      %neg3A = arith.constant 0.000000e+00 : f32
      %neg3A_347 = vector.broadcast %neg3A : f32 to vector<16xf32>
      %neg3A_348 = arith.subf %neg3A_347, %add3A_346 : vector<16xf32>
      %exp3A = math.exp %neg3A_348 : vector<16xf32>
      %add3A_349 = arith.constant 1.000000e+00 : f32
      %add3A_350 = vector.broadcast %add3A_349 : f32 to vector<16xf32>
      %add3A_351 = arith.addf %add3A_350, %exp3A : vector<16xf32>
      %div3A = arith.constant 1.000000e+00 : f32
      %div3A_352 = vector.broadcast %div3A : f32 to vector<16xf32>
      %div3A_353 = arith.divf %div3A_352, %add3A_351 : vector<16xf32>
      %mul3A_354 = arith.constant 16 : i32
      %mul3A_355 = arith.muli %scan3A_337, %mul3A_354 : i32
      %add3A_356 = arith.constant 256 : i32
      %add3A_357 = arith.addi %add3A_356, %mul3A_355 : i32
      %swap3A = arith.index_cast %add3A_357 : i32 to index
      %swap3A_358 = tpu.vector_load %arg17[%swap3A] {strides = array<i32>} : memref<512xf32, #tpu.memory_space<vmem>>, vector<16xf32>,
      %swap3A_359 = vector.shape_cast %swap3A_358 : vector<16xf32> to vector<16xf32>
      %swap3A_360 = vector.shape_cast %div3A_353 : vector<16xf32> to vector<16xf32>
      tpu.vector_store %arg17[%swap3A], %swap3A_360 {strides = array<i32>} : memref<512xf32, #tpu.memory_space<vmem>>, vector<16xf32>,
      %scan3A_361 = arith.constant 0 : i32
      scf.yield %scan3A_361 : i32
    }
    %scan3A_273 = arith.constant 4 : i32
    %dma_wait3A_274 = arith.constant 5 : i32
    %dma_wait3A_275 = arith.constant 0 : i32
    %dma_wait3A_276 = tpu.memref_slice %arg15[%dma_wait3A_274, %dma_wait3A_275] : memref<8x64xi32, #tpu.memory_space<vmem>> -> memref<1x64xi32, #tpu.memory_space<vmem>>
    %dma_wait3A_277 = tpu.memref_squeeze %dma_wait3A_276 : memref<1x64xi32, #tpu.memory_space<vmem>> -> memref<64xi32, #tpu.memory_space<vmem>>
    %dma_wait3A_278 = arith.constant 0 : i32
    %dma_wait3A_279 = arith.constant 0 : i32
    %dma_wait3A_280 = tpu.memref_slice %arg4[%dma_wait3A_278, %dma_wait3A_279] : memref<1000000x128xf32, #tpu.memory_space<hbm>> -> memref<1000000x128xf32, #tpu.memory_space<hbm>>
    tpu.wait_indirect_dma semaphore(%arg38 : memref<!tpu.dma_semaphore, #tpu.memory_space<semaphore_mem>>) src(%dma_wait3A_280 : memref<1000000x128xf32, #tpu.memory_space<hbm>>) dst(%arg14 : memref<64x128xf32, #tpu.memory_space<vmem>>)
    %dma_wait3A_281 = arith.constant 5 : i32
    %dma_wait3A_282 = arith.constant 0 : i32
    %dma_wait3A_283 = tpu.memref_slice %arg16[%dma_wait3A_281, %dma_wait3A_282] : memref<8x64xi32, #tpu.memory_space<vmem>> -> memref<1x64xi32, #tpu.memory_space<vmem>>
    %dma_wait3A_284 = tpu.memref_squeeze %dma_wait3A_283 : memref<1x64xi32, #tpu.memory_space<vmem>> -> memref<64xi32, #tpu.memory_space<vmem>>
    %dma_wait3A_285 = arith.constant 0 : i32
    %dma_wait3A_286 = arith.constant 0 : i32
    %dma_wait3A_287 = tpu.memref_slice %arg4[%dma_wait3A_285, %dma_wait3A_286] : memref<1000000x128xf32, #tpu.memory_space<hbm>> -> memref<1000000x128xf32, #tpu.memory_space<hbm>>
    tpu.wait_indirect_dma semaphore(%arg39 : memref<!tpu.dma_semaphore, #tpu.memory_space<semaphore_mem>>) src(%dma_wait3A_287 : memref<1000000x128xf32, #tpu.memory_space<hbm>>) dst(%arg27 : memref<64x128xf32, #tpu.memory_space<vmem>>)
    %scan3A_288 = arith.constant 0 : i32
    %scan3A_289 = arith.constant 0 : i32
    %scan3A_290 = arith.constant 4 : i32
    %scan3A_291 = arith.addi %scan3A_289, %scan3A_290 : i32
    %scan3A_292 = arith.constant 1 : i32
    %scan3A_293 = scf.for %scan3A_337 = %scan3A_289 to %scan3A_291 step %scan3A_292 iter_args(%scan3A_338 = %scan3A_288) -> (i32)  : i32 {
      %broadcast_in_dim3A = arith.constant 0.000000e+00 : f32
      %broadcast_in_dim3A_339 = vector.broadcast %broadcast_in_dim3A : f32 to vector<16xf32>
      %scan3A_340 = arith.constant 0 : i32
      %scan3A_341 = arith.constant 16 : i32
      %scan3A_342 = arith.addi %scan3A_340, %scan3A_341 : i32
      %scan3A_343 = arith.constant 1 : i32
      %scan3A_344 = scf.for %scan3A_362 = %scan3A_340 to %scan3A_342 step %scan3A_343 iter_args(%scan3A_363 = %broadcast_in_dim3A_339) -> (vector<16xf32>)  : i32 {
        %mul3A_364 = arith.constant 16 : i32
        %mul3A_365 = arith.muli %scan3A_337, %mul3A_364 : i32
        %add3A_366 = arith.addi %mul3A_365, %scan3A_362 : i32
        %broadcast_in_dim3A_367 = arith.constant 0.000000e+00 : f32
        %broadcast_in_dim3A_368 = vector.broadcast %broadcast_in_dim3A_367 : f32 to vector<16xf32>
        %get3A_369 = arith.index_cast %add3A_366 : i32 to index
        %get3A_370 = arith.constant 0 : index
        %get3A_371 = tpu.vector_load %arg14[%get3A_369, %get3A_370] {strides = array<i32>} : memref<64x128xf32, #tpu.memory_space<vmem>>, vector<1x16xf32>,
        %get3A_372 = vector.shape_cast %get3A_371 : vector<1x16xf32> to vector<16xf32>
        %get3A_373 = arith.index_cast %add3A_366 : i32 to index
        %get3A_374 = arith.constant 0 : index
        %get3A_375 = tpu.vector_load %arg27[%get3A_373, %get3A_374] {strides = array<i32>} : memref<64x128xf32, #tpu.memory_space<vmem>>, vector<1x16xf32>,
        %get3A_376 = vector.shape_cast %get3A_375 : vector<1x16xf32> to vector<16xf32>
        %mul3A_377 = arith.mulf %get3A_372, %get3A_376 : vector<16xf32>
        %mul3A_378 = arith.mulf %mul3A_377, %get3A_106 : vector<16xf32>
        %add3A_379 = arith.addf %broadcast_in_dim3A_368, %mul3A_378 : vector<16xf32>
        %get3A_380 = arith.index_cast %add3A_366 : i32 to index
        %get3A_381 = arith.constant 16 : index
        %get3A_382 = tpu.vector_load %arg14[%get3A_380, %get3A_381] {strides = array<i32>} : memref<64x128xf32, #tpu.memory_space<vmem>>, vector<1x16xf32>,
        %get3A_383 = vector.shape_cast %get3A_382 : vector<1x16xf32> to vector<16xf32>
        %get3A_384 = arith.index_cast %add3A_366 : i32 to index
        %get3A_385 = arith.constant 16 : index
        %get3A_386 = tpu.vector_load %arg27[%get3A_384, %get3A_385] {strides = array<i32>} : memref<64x128xf32, #tpu.memory_space<vmem>>, vector<1x16xf32>,
        %get3A_387 = vector.shape_cast %get3A_386 : vector<1x16xf32> to vector<16xf32>
        %mul3A_388 = arith.mulf %get3A_383, %get3A_387 : vector<16xf32>
        %mul3A_389 = arith.mulf %mul3A_388, %get3A_109 : vector<16xf32>
        %add3A_390 = arith.addf %add3A_379, %mul3A_389 : vector<16xf32>
        %get3A_391 = arith.index_cast %add3A_366 : i32 to index
        %get3A_392 = arith.constant 32 : index
        %get3A_393 = tpu.vector_load %arg14[%get3A_391, %get3A_392] {strides = array<i32>} : memref<64x128xf32, #tpu.memory_space<vmem>>, vector<1x16xf32>,
        %get3A_394 = vector.shape_cast %get3A_393 : vector<1x16xf32> to vector<16xf32>
        %get3A_395 = arith.index_cast %add3A_366 : i32 to index
        %get3A_396 = arith.constant 32 : index
        %get3A_397 = tpu.vector_load %arg27[%get3A_395, %get3A_396] {strides = array<i32>} : memref<64x128xf32, #tpu.memory_space<vmem>>, vector<1x16xf32>,
        %get3A_398 = vector.shape_cast %get3A_397 : vector<1x16xf32> to vector<16xf32>
        %mul3A_399 = arith.mulf %get3A_394, %get3A_398 : vector<16xf32>
        %mul3A_400 = arith.mulf %mul3A_399, %get3A_112 : vector<16xf32>
        %add3A_401 = arith.addf %add3A_390, %mul3A_400 : vector<16xf32>
        %get3A_402 = arith.index_cast %add3A_366 : i32 to index
        %get3A_403 = arith.constant 48 : index
        %get3A_404 = tpu.vector_load %arg14[%get3A_402, %get3A_403] {strides = array<i32>} : memref<64x128xf32, #tpu.memory_space<vmem>>, vector<1x16xf32>,
        %get3A_405 = vector.shape_cast %get3A_404 : vector<1x16xf32> to vector<16xf32>
        %get3A_406 = arith.index_cast %add3A_366 : i32 to index
        %get3A_407 = arith.constant 48 : index
        %get3A_408 = tpu.vector_load %arg27[%get3A_406, %get3A_407] {strides = array<i32>} : memref<64x128xf32, #tpu.memory_space<vmem>>, vector<1x16xf32>,
        %get3A_409 = vector.shape_cast %get3A_408 : vector<1x16xf32> to vector<16xf32>
        %mul3A_410 = arith.mulf %get3A_405, %get3A_409 : vector<16xf32>
        %mul3A_411 = arith.mulf %mul3A_410, %get3A_115 : vector<16xf32>
        %add3A_412 = arith.addf %add3A_401, %mul3A_411 : vector<16xf32>
        %get3A_413 = arith.index_cast %add3A_366 : i32 to index
        %get3A_414 = arith.constant 64 : index
        %get3A_415 = tpu.vector_load %arg14[%get3A_413, %get3A_414] {strides = array<i32>} : memref<64x128xf32, #tpu.memory_space<vmem>>, vector<1x16xf32>,
        %get3A_416 = vector.shape_cast %get3A_415 : vector<1x16xf32> to vector<16xf32>
        %get3A_417 = arith.index_cast %add3A_366 : i32 to index
        %get3A_418 = arith.constant 64 : index
        %get3A_419 = tpu.vector_load %arg27[%get3A_417, %get3A_418] {strides = array<i32>} : memref<64x128xf32, #tpu.memory_space<vmem>>, vector<1x16xf32>,
        %get3A_420 = vector.shape_cast %get3A_419 : vector<1x16xf32> to vector<16xf32>
        %mul3A_421 = arith.mulf %get3A_416, %get3A_420 : vector<16xf32>
        %mul3A_422 = arith.mulf %mul3A_421, %get3A_118 : vector<16xf32>
        %add3A_423 = arith.addf %add3A_412, %mul3A_422 : vector<16xf32>
        %get3A_424 = arith.index_cast %add3A_366 : i32 to index
        %get3A_425 = arith.constant 80 : index
        %get3A_426 = tpu.vector_load %arg14[%get3A_424, %get3A_425] {strides = array<i32>} : memref<64x128xf32, #tpu.memory_space<vmem>>, vector<1x16xf32>,
        %get3A_427 = vector.shape_cast %get3A_426 : vector<1x16xf32> to vector<16xf32>
        %get3A_428 = arith.index_cast %add3A_366 : i32 to index
        %get3A_429 = arith.constant 80 : index
        %get3A_430 = tpu.vector_load %arg27[%get3A_428, %get3A_429] {strides = array<i32>} : memref<64x128xf32, #tpu.memory_space<vmem>>, vector<1x16xf32>,
        %get3A_431 = vector.shape_cast %get3A_430 : vector<1x16xf32> to vector<16xf32>
        %mul3A_432 = arith.mulf %get3A_427, %get3A_431 : vector<16xf32>
        %mul3A_433 = arith.mulf %mul3A_432, %get3A_121 : vector<16xf32>
        %add3A_434 = arith.addf %add3A_423, %mul3A_433 : vector<16xf32>
        %get3A_435 = arith.index_cast %add3A_366 : i32 to index
        %get3A_436 = arith.constant 96 : index
        %get3A_437 = tpu.vector_load %arg14[%get3A_435, %get3A_436] {strides = array<i32>} : memref<64x128xf32, #tpu.memory_space<vmem>>, vector<1x16xf32>,
        %get3A_438 = vector.shape_cast %get3A_437 : vector<1x16xf32> to vector<16xf32>
        %get3A_439 = arith.index_cast %add3A_366 : i32 to index
        %get3A_440 = arith.constant 96 : index
        %get3A_441 = tpu.vector_load %arg27[%get3A_439, %get3A_440] {strides = array<i32>} : memref<64x128xf32, #tpu.memory_space<vmem>>, vector<1x16xf32>,
        %get3A_442 = vector.shape_cast %get3A_441 : vector<1x16xf32> to vector<16xf32>
        %mul3A_443 = arith.mulf %get3A_438, %get3A_442 : vector<16xf32>
        %mul3A_444 = arith.mulf %mul3A_443, %get3A_124 : vector<16xf32>
        %add3A_445 = arith.addf %add3A_434, %mul3A_444 : vector<16xf32>
        %get3A_446 = arith.index_cast %add3A_366 : i32 to index
        %get3A_447 = arith.constant 112 : index
        %get3A_448 = tpu.vector_load %arg14[%get3A_446, %get3A_447] {strides = array<i32>} : memref<64x128xf32, #tpu.memory_space<vmem>>, vector<1x16xf32>,
        %get3A_449 = vector.shape_cast %get3A_448 : vector<1x16xf32> to vector<16xf32>
        %get3A_450 = arith.index_cast %add3A_366 : i32 to index
        %get3A_451 = arith.constant 112 : index
        %get3A_452 = tpu.vector_load %arg27[%get3A_450, %get3A_451] {strides = array<i32>} : memref<64x128xf32, #tpu.memory_space<vmem>>, vector<1x16xf32>,
        %get3A_453 = vector.shape_cast %get3A_452 : vector<1x16xf32> to vector<16xf32>
        %mul3A_454 = arith.mulf %get3A_449, %get3A_453 : vector<16xf32>
        %mul3A_455 = arith.mulf %mul3A_454, %get3A_127 : vector<16xf32>
        %add3A_456 = arith.addf %add3A_445, %mul3A_455 : vector<16xf32>
        %broadcast_in_dim3A_457 = vector.shape_cast %xor3A_132 : vector<16xi32> to vector<16x1xi32>
        %gather3A = vector.shape_cast %broadcast_in_dim3A_457 : vector<16x1xi32> to vector<16xi32>
        %gather3A_458 = tpu.dynamic_gather %add3A_456[%gather3A] in [0] : vector<16xf32>, vector<16xi32> -> vector<16xf32>
        %add3A_459 = arith.addf %add3A_456, %gather3A_458 : vector<16xf32>
        %broadcast_in_dim3A_460 = vector.shape_cast %xor3A_135 : vector<16xi32> to vector<16x1xi32>
        %gather3A_461 = vector.shape_cast %broadcast_in_dim3A_460 : vector<16x1xi32> to vector<16xi32>
        %gather3A_462 = tpu.dynamic_gather %add3A_459[%gather3A_461] in [0] : vector<16xf32>, vector<16xi32> -> vector<16xf32>
        %add3A_463 = arith.addf %add3A_459, %gather3A_462 : vector<16xf32>
        %broadcast_in_dim3A_464 = vector.shape_cast %xor3A_138 : vector<16xi32> to vector<16x1xi32>
        %gather3A_465 = vector.shape_cast %broadcast_in_dim3A_464 : vector<16x1xi32> to vector<16xi32>
        %gather3A_466 = tpu.dynamic_gather %add3A_463[%gather3A_465] in [0] : vector<16xf32>, vector<16xi32> -> vector<16xf32>
        %add3A_467 = arith.addf %add3A_463, %gather3A_466 : vector<16xf32>
        %broadcast_in_dim3A_468 = vector.shape_cast %xor3A_141 : vector<16xi32> to vector<16x1xi32>
        %gather3A_469 = vector.shape_cast %broadcast_in_dim3A_468 : vector<16x1xi32> to vector<16xi32>
        %gather3A_470 = tpu.dynamic_gather %add3A_467[%gather3A_469] in [0] : vector<16xf32>, vector<16xi32> -> vector<16xf32>
        %add3A_471 = arith.addf %add3A_467, %gather3A_470 : vector<16xf32>
        %eq3A = vector.broadcast %scan3A_362 : i32 to vector<16xi32>
        %eq3A_472 = arith.cmpi eq, %iota3A, %eq3A : vector<16xi32>
        %select_n3A = arith.select %eq3A_472, %add3A_471, %scan3A_363 : vector<16xi1>, vector<16xf32>
        scf.yield %select_n3A : vector<16xf32>
      }
      %scan3A_345 = arith.constant 16 : i32
      %add3A_346 = arith.addf %scan3A_344, %get3A_130 : vector<16xf32>
      %neg3A = arith.constant 0.000000e+00 : f32
      %neg3A_347 = vector.broadcast %neg3A : f32 to vector<16xf32>
      %neg3A_348 = arith.subf %neg3A_347, %add3A_346 : vector<16xf32>
      %exp3A = math.exp %neg3A_348 : vector<16xf32>
      %add3A_349 = arith.constant 1.000000e+00 : f32
      %add3A_350 = vector.broadcast %add3A_349 : f32 to vector<16xf32>
      %add3A_351 = arith.addf %add3A_350, %exp3A : vector<16xf32>
      %div3A = arith.constant 1.000000e+00 : f32
      %div3A_352 = vector.broadcast %div3A : f32 to vector<16xf32>
      %div3A_353 = arith.divf %div3A_352, %add3A_351 : vector<16xf32>
      %mul3A_354 = arith.constant 16 : i32
      %mul3A_355 = arith.muli %scan3A_337, %mul3A_354 : i32
      %add3A_356 = arith.constant 320 : i32
      %add3A_357 = arith.addi %add3A_356, %mul3A_355 : i32
      %swap3A = arith.index_cast %add3A_357 : i32 to index
      %swap3A_358 = tpu.vector_load %arg17[%swap3A] {strides = array<i32>} : memref<512xf32, #tpu.memory_space<vmem>>, vector<16xf32>,
      %swap3A_359 = vector.shape_cast %swap3A_358 : vector<16xf32> to vector<16xf32>
      %swap3A_360 = vector.shape_cast %div3A_353 : vector<16xf32> to vector<16xf32>
      tpu.vector_store %arg17[%swap3A], %swap3A_360 {strides = array<i32>} : memref<512xf32, #tpu.memory_space<vmem>>, vector<16xf32>,
      %scan3A_361 = arith.constant 0 : i32
      scf.yield %scan3A_361 : i32
    }
    %scan3A_294 = arith.constant 4 : i32
    %dma_wait3A_295 = arith.constant 6 : i32
    %dma_wait3A_296 = arith.constant 0 : i32
    %dma_wait3A_297 = tpu.memref_slice %arg15[%dma_wait3A_295, %dma_wait3A_296] : memref<8x64xi32, #tpu.memory_space<vmem>> -> memref<1x64xi32, #tpu.memory_space<vmem>>
    %dma_wait3A_298 = tpu.memref_squeeze %dma_wait3A_297 : memref<1x64xi32, #tpu.memory_space<vmem>> -> memref<64xi32, #tpu.memory_space<vmem>>
    %dma_wait3A_299 = arith.constant 0 : i32
    %dma_wait3A_300 = arith.constant 0 : i32
    %dma_wait3A_301 = tpu.memref_slice %arg4[%dma_wait3A_299, %dma_wait3A_300] : memref<1000000x128xf32, #tpu.memory_space<hbm>> -> memref<1000000x128xf32, #tpu.memory_space<hbm>>
    tpu.wait_indirect_dma semaphore(%arg28 : memref<!tpu.dma_semaphore, #tpu.memory_space<semaphore_mem>>) src(%dma_wait3A_301 : memref<1000000x128xf32, #tpu.memory_space<hbm>>) dst(%arg9 : memref<64x128xf32, #tpu.memory_space<vmem>>)
    %dma_wait3A_302 = arith.constant 6 : i32
    %dma_wait3A_303 = arith.constant 0 : i32
    %dma_wait3A_304 = tpu.memref_slice %arg16[%dma_wait3A_302, %dma_wait3A_303] : memref<8x64xi32, #tpu.memory_space<vmem>> -> memref<1x64xi32, #tpu.memory_space<vmem>>
    %dma_wait3A_305 = tpu.memref_squeeze %dma_wait3A_304 : memref<1x64xi32, #tpu.memory_space<vmem>> -> memref<64xi32, #tpu.memory_space<vmem>>
    %dma_wait3A_306 = arith.constant 0 : i32
    %dma_wait3A_307 = arith.constant 0 : i32
    %dma_wait3A_308 = tpu.memref_slice %arg4[%dma_wait3A_306, %dma_wait3A_307] : memref<1000000x128xf32, #tpu.memory_space<hbm>> -> memref<1000000x128xf32, #tpu.memory_space<hbm>>
    tpu.wait_indirect_dma semaphore(%arg29 : memref<!tpu.dma_semaphore, #tpu.memory_space<semaphore_mem>>) src(%dma_wait3A_308 : memref<1000000x128xf32, #tpu.memory_space<hbm>>) dst(%arg22 : memref<64x128xf32, #tpu.memory_space<vmem>>)
    %scan3A_309 = arith.constant 0 : i32
    %scan3A_310 = arith.constant 0 : i32
    %scan3A_311 = arith.constant 4 : i32
    %scan3A_312 = arith.addi %scan3A_310, %scan3A_311 : i32
    %scan3A_313 = arith.constant 1 : i32
    %scan3A_314 = scf.for %scan3A_337 = %scan3A_310 to %scan3A_312 step %scan3A_313 iter_args(%scan3A_338 = %scan3A_309) -> (i32)  : i32 {
      %broadcast_in_dim3A = arith.constant 0.000000e+00 : f32
      %broadcast_in_dim3A_339 = vector.broadcast %broadcast_in_dim3A : f32 to vector<16xf32>
      %scan3A_340 = arith.constant 0 : i32
      %scan3A_341 = arith.constant 16 : i32
      %scan3A_342 = arith.addi %scan3A_340, %scan3A_341 : i32
      %scan3A_343 = arith.constant 1 : i32
      %scan3A_344 = scf.for %scan3A_362 = %scan3A_340 to %scan3A_342 step %scan3A_343 iter_args(%scan3A_363 = %broadcast_in_dim3A_339) -> (vector<16xf32>)  : i32 {
        %mul3A_364 = arith.constant 16 : i32
        %mul3A_365 = arith.muli %scan3A_337, %mul3A_364 : i32
        %add3A_366 = arith.addi %mul3A_365, %scan3A_362 : i32
        %broadcast_in_dim3A_367 = arith.constant 0.000000e+00 : f32
        %broadcast_in_dim3A_368 = vector.broadcast %broadcast_in_dim3A_367 : f32 to vector<16xf32>
        %get3A_369 = arith.index_cast %add3A_366 : i32 to index
        %get3A_370 = arith.constant 0 : index
        %get3A_371 = tpu.vector_load %arg9[%get3A_369, %get3A_370] {strides = array<i32>} : memref<64x128xf32, #tpu.memory_space<vmem>>, vector<1x16xf32>,
        %get3A_372 = vector.shape_cast %get3A_371 : vector<1x16xf32> to vector<16xf32>
        %get3A_373 = arith.index_cast %add3A_366 : i32 to index
        %get3A_374 = arith.constant 0 : index
        %get3A_375 = tpu.vector_load %arg22[%get3A_373, %get3A_374] {strides = array<i32>} : memref<64x128xf32, #tpu.memory_space<vmem>>, vector<1x16xf32>,
        %get3A_376 = vector.shape_cast %get3A_375 : vector<1x16xf32> to vector<16xf32>
        %mul3A_377 = arith.mulf %get3A_372, %get3A_376 : vector<16xf32>
        %mul3A_378 = arith.mulf %mul3A_377, %get3A_106 : vector<16xf32>
        %add3A_379 = arith.addf %broadcast_in_dim3A_368, %mul3A_378 : vector<16xf32>
        %get3A_380 = arith.index_cast %add3A_366 : i32 to index
        %get3A_381 = arith.constant 16 : index
        %get3A_382 = tpu.vector_load %arg9[%get3A_380, %get3A_381] {strides = array<i32>} : memref<64x128xf32, #tpu.memory_space<vmem>>, vector<1x16xf32>,
        %get3A_383 = vector.shape_cast %get3A_382 : vector<1x16xf32> to vector<16xf32>
        %get3A_384 = arith.index_cast %add3A_366 : i32 to index
        %get3A_385 = arith.constant 16 : index
        %get3A_386 = tpu.vector_load %arg22[%get3A_384, %get3A_385] {strides = array<i32>} : memref<64x128xf32, #tpu.memory_space<vmem>>, vector<1x16xf32>,
        %get3A_387 = vector.shape_cast %get3A_386 : vector<1x16xf32> to vector<16xf32>
        %mul3A_388 = arith.mulf %get3A_383, %get3A_387 : vector<16xf32>
        %mul3A_389 = arith.mulf %mul3A_388, %get3A_109 : vector<16xf32>
        %add3A_390 = arith.addf %add3A_379, %mul3A_389 : vector<16xf32>
        %get3A_391 = arith.index_cast %add3A_366 : i32 to index
        %get3A_392 = arith.constant 32 : index
        %get3A_393 = tpu.vector_load %arg9[%get3A_391, %get3A_392] {strides = array<i32>} : memref<64x128xf32, #tpu.memory_space<vmem>>, vector<1x16xf32>,
        %get3A_394 = vector.shape_cast %get3A_393 : vector<1x16xf32> to vector<16xf32>
        %get3A_395 = arith.index_cast %add3A_366 : i32 to index
        %get3A_396 = arith.constant 32 : index
        %get3A_397 = tpu.vector_load %arg22[%get3A_395, %get3A_396] {strides = array<i32>} : memref<64x128xf32, #tpu.memory_space<vmem>>, vector<1x16xf32>,
        %get3A_398 = vector.shape_cast %get3A_397 : vector<1x16xf32> to vector<16xf32>
        %mul3A_399 = arith.mulf %get3A_394, %get3A_398 : vector<16xf32>
        %mul3A_400 = arith.mulf %mul3A_399, %get3A_112 : vector<16xf32>
        %add3A_401 = arith.addf %add3A_390, %mul3A_400 : vector<16xf32>
        %get3A_402 = arith.index_cast %add3A_366 : i32 to index
        %get3A_403 = arith.constant 48 : index
        %get3A_404 = tpu.vector_load %arg9[%get3A_402, %get3A_403] {strides = array<i32>} : memref<64x128xf32, #tpu.memory_space<vmem>>, vector<1x16xf32>,
        %get3A_405 = vector.shape_cast %get3A_404 : vector<1x16xf32> to vector<16xf32>
        %get3A_406 = arith.index_cast %add3A_366 : i32 to index
        %get3A_407 = arith.constant 48 : index
        %get3A_408 = tpu.vector_load %arg22[%get3A_406, %get3A_407] {strides = array<i32>} : memref<64x128xf32, #tpu.memory_space<vmem>>, vector<1x16xf32>,
        %get3A_409 = vector.shape_cast %get3A_408 : vector<1x16xf32> to vector<16xf32>
        %mul3A_410 = arith.mulf %get3A_405, %get3A_409 : vector<16xf32>
        %mul3A_411 = arith.mulf %mul3A_410, %get3A_115 : vector<16xf32>
        %add3A_412 = arith.addf %add3A_401, %mul3A_411 : vector<16xf32>
        %get3A_413 = arith.index_cast %add3A_366 : i32 to index
        %get3A_414 = arith.constant 64 : index
        %get3A_415 = tpu.vector_load %arg9[%get3A_413, %get3A_414] {strides = array<i32>} : memref<64x128xf32, #tpu.memory_space<vmem>>, vector<1x16xf32>,
        %get3A_416 = vector.shape_cast %get3A_415 : vector<1x16xf32> to vector<16xf32>
        %get3A_417 = arith.index_cast %add3A_366 : i32 to index
        %get3A_418 = arith.constant 64 : index
        %get3A_419 = tpu.vector_load %arg22[%get3A_417, %get3A_418] {strides = array<i32>} : memref<64x128xf32, #tpu.memory_space<vmem>>, vector<1x16xf32>,
        %get3A_420 = vector.shape_cast %get3A_419 : vector<1x16xf32> to vector<16xf32>
        %mul3A_421 = arith.mulf %get3A_416, %get3A_420 : vector<16xf32>
        %mul3A_422 = arith.mulf %mul3A_421, %get3A_118 : vector<16xf32>
        %add3A_423 = arith.addf %add3A_412, %mul3A_422 : vector<16xf32>
        %get3A_424 = arith.index_cast %add3A_366 : i32 to index
        %get3A_425 = arith.constant 80 : index
        %get3A_426 = tpu.vector_load %arg9[%get3A_424, %get3A_425] {strides = array<i32>} : memref<64x128xf32, #tpu.memory_space<vmem>>, vector<1x16xf32>,
        %get3A_427 = vector.shape_cast %get3A_426 : vector<1x16xf32> to vector<16xf32>
        %get3A_428 = arith.index_cast %add3A_366 : i32 to index
        %get3A_429 = arith.constant 80 : index
        %get3A_430 = tpu.vector_load %arg22[%get3A_428, %get3A_429] {strides = array<i32>} : memref<64x128xf32, #tpu.memory_space<vmem>>, vector<1x16xf32>,
        %get3A_431 = vector.shape_cast %get3A_430 : vector<1x16xf32> to vector<16xf32>
        %mul3A_432 = arith.mulf %get3A_427, %get3A_431 : vector<16xf32>
        %mul3A_433 = arith.mulf %mul3A_432, %get3A_121 : vector<16xf32>
        %add3A_434 = arith.addf %add3A_423, %mul3A_433 : vector<16xf32>
        %get3A_435 = arith.index_cast %add3A_366 : i32 to index
        %get3A_436 = arith.constant 96 : index
        %get3A_437 = tpu.vector_load %arg9[%get3A_435, %get3A_436] {strides = array<i32>} : memref<64x128xf32, #tpu.memory_space<vmem>>, vector<1x16xf32>,
        %get3A_438 = vector.shape_cast %get3A_437 : vector<1x16xf32> to vector<16xf32>
        %get3A_439 = arith.index_cast %add3A_366 : i32 to index
        %get3A_440 = arith.constant 96 : index
        %get3A_441 = tpu.vector_load %arg22[%get3A_439, %get3A_440] {strides = array<i32>} : memref<64x128xf32, #tpu.memory_space<vmem>>, vector<1x16xf32>,
        %get3A_442 = vector.shape_cast %get3A_441 : vector<1x16xf32> to vector<16xf32>
        %mul3A_443 = arith.mulf %get3A_438, %get3A_442 : vector<16xf32>
        %mul3A_444 = arith.mulf %mul3A_443, %get3A_124 : vector<16xf32>
        %add3A_445 = arith.addf %add3A_434, %mul3A_444 : vector<16xf32>
        %get3A_446 = arith.index_cast %add3A_366 : i32 to index
        %get3A_447 = arith.constant 112 : index
        %get3A_448 = tpu.vector_load %arg9[%get3A_446, %get3A_447] {strides = array<i32>} : memref<64x128xf32, #tpu.memory_space<vmem>>, vector<1x16xf32>,
        %get3A_449 = vector.shape_cast %get3A_448 : vector<1x16xf32> to vector<16xf32>
        %get3A_450 = arith.index_cast %add3A_366 : i32 to index
        %get3A_451 = arith.constant 112 : index
        %get3A_452 = tpu.vector_load %arg22[%get3A_450, %get3A_451] {strides = array<i32>} : memref<64x128xf32, #tpu.memory_space<vmem>>, vector<1x16xf32>,
        %get3A_453 = vector.shape_cast %get3A_452 : vector<1x16xf32> to vector<16xf32>
        %mul3A_454 = arith.mulf %get3A_449, %get3A_453 : vector<16xf32>
        %mul3A_455 = arith.mulf %mul3A_454, %get3A_127 : vector<16xf32>
        %add3A_456 = arith.addf %add3A_445, %mul3A_455 : vector<16xf32>
        %broadcast_in_dim3A_457 = vector.shape_cast %xor3A_132 : vector<16xi32> to vector<16x1xi32>
        %gather3A = vector.shape_cast %broadcast_in_dim3A_457 : vector<16x1xi32> to vector<16xi32>
        %gather3A_458 = tpu.dynamic_gather %add3A_456[%gather3A] in [0] : vector<16xf32>, vector<16xi32> -> vector<16xf32>
        %add3A_459 = arith.addf %add3A_456, %gather3A_458 : vector<16xf32>
        %broadcast_in_dim3A_460 = vector.shape_cast %xor3A_135 : vector<16xi32> to vector<16x1xi32>
        %gather3A_461 = vector.shape_cast %broadcast_in_dim3A_460 : vector<16x1xi32> to vector<16xi32>
        %gather3A_462 = tpu.dynamic_gather %add3A_459[%gather3A_461] in [0] : vector<16xf32>, vector<16xi32> -> vector<16xf32>
        %add3A_463 = arith.addf %add3A_459, %gather3A_462 : vector<16xf32>
        %broadcast_in_dim3A_464 = vector.shape_cast %xor3A_138 : vector<16xi32> to vector<16x1xi32>
        %gather3A_465 = vector.shape_cast %broadcast_in_dim3A_464 : vector<16x1xi32> to vector<16xi32>
        %gather3A_466 = tpu.dynamic_gather %add3A_463[%gather3A_465] in [0] : vector<16xf32>, vector<16xi32> -> vector<16xf32>
        %add3A_467 = arith.addf %add3A_463, %gather3A_466 : vector<16xf32>
        %broadcast_in_dim3A_468 = vector.shape_cast %xor3A_141 : vector<16xi32> to vector<16x1xi32>
        %gather3A_469 = vector.shape_cast %broadcast_in_dim3A_468 : vector<16x1xi32> to vector<16xi32>
        %gather3A_470 = tpu.dynamic_gather %add3A_467[%gather3A_469] in [0] : vector<16xf32>, vector<16xi32> -> vector<16xf32>
        %add3A_471 = arith.addf %add3A_467, %gather3A_470 : vector<16xf32>
        %eq3A = vector.broadcast %scan3A_362 : i32 to vector<16xi32>
        %eq3A_472 = arith.cmpi eq, %iota3A, %eq3A : vector<16xi32>
        %select_n3A = arith.select %eq3A_472, %add3A_471, %scan3A_363 : vector<16xi1>, vector<16xf32>
        scf.yield %select_n3A : vector<16xf32>
      }
      %scan3A_345 = arith.constant 16 : i32
      %add3A_346 = arith.addf %scan3A_344, %get3A_130 : vector<16xf32>
      %neg3A = arith.constant 0.000000e+00 : f32
      %neg3A_347 = vector.broadcast %neg3A : f32 to vector<16xf32>
      %neg3A_348 = arith.subf %neg3A_347, %add3A_346 : vector<16xf32>
      %exp3A = math.exp %neg3A_348 : vector<16xf32>
      %add3A_349 = arith.constant 1.000000e+00 : f32
      %add3A_350 = vector.broadcast %add3A_349 : f32 to vector<16xf32>
      %add3A_351 = arith.addf %add3A_350, %exp3A : vector<16xf32>
      %div3A = arith.constant 1.000000e+00 : f32
      %div3A_352 = vector.broadcast %div3A : f32 to vector<16xf32>
      %div3A_353 = arith.divf %div3A_352, %add3A_351 : vector<16xf32>
      %mul3A_354 = arith.constant 16 : i32
      %mul3A_355 = arith.muli %scan3A_337, %mul3A_354 : i32
      %add3A_356 = arith.constant 384 : i32
      %add3A_357 = arith.addi %add3A_356, %mul3A_355 : i32
      %swap3A = arith.index_cast %add3A_357 : i32 to index
      %swap3A_358 = tpu.vector_load %arg17[%swap3A] {strides = array<i32>} : memref<512xf32, #tpu.memory_space<vmem>>, vector<16xf32>,
      %swap3A_359 = vector.shape_cast %swap3A_358 : vector<16xf32> to vector<16xf32>
      %swap3A_360 = vector.shape_cast %div3A_353 : vector<16xf32> to vector<16xf32>
      tpu.vector_store %arg17[%swap3A], %swap3A_360 {strides = array<i32>} : memref<512xf32, #tpu.memory_space<vmem>>, vector<16xf32>,
      %scan3A_361 = arith.constant 0 : i32
      scf.yield %scan3A_361 : i32
    }
    %scan3A_315 = arith.constant 4 : i32
    %dma_wait3A_316 = arith.constant 7 : i32
    %dma_wait3A_317 = arith.constant 0 : i32
    %dma_wait3A_318 = tpu.memref_slice %arg15[%dma_wait3A_316, %dma_wait3A_317] : memref<8x64xi32, #tpu.memory_space<vmem>> -> memref<1x64xi32, #tpu.memory_space<vmem>>
    %dma_wait3A_319 = tpu.memref_squeeze %dma_wait3A_318 : memref<1x64xi32, #tpu.memory_space<vmem>> -> memref<64xi32, #tpu.memory_space<vmem>>
    %dma_wait3A_320 = arith.constant 0 : i32
    %dma_wait3A_321 = arith.constant 0 : i32
    %dma_wait3A_322 = tpu.memref_slice %arg4[%dma_wait3A_320, %dma_wait3A_321] : memref<1000000x128xf32, #tpu.memory_space<hbm>> -> memref<1000000x128xf32, #tpu.memory_space<hbm>>
    tpu.wait_indirect_dma semaphore(%arg30 : memref<!tpu.dma_semaphore, #tpu.memory_space<semaphore_mem>>) src(%dma_wait3A_322 : memref<1000000x128xf32, #tpu.memory_space<hbm>>) dst(%arg10 : memref<64x128xf32, #tpu.memory_space<vmem>>)
    %dma_wait3A_323 = arith.constant 7 : i32
    %dma_wait3A_324 = arith.constant 0 : i32
    %dma_wait3A_325 = tpu.memref_slice %arg16[%dma_wait3A_323, %dma_wait3A_324] : memref<8x64xi32, #tpu.memory_space<vmem>> -> memref<1x64xi32, #tpu.memory_space<vmem>>
    %dma_wait3A_326 = tpu.memref_squeeze %dma_wait3A_325 : memref<1x64xi32, #tpu.memory_space<vmem>> -> memref<64xi32, #tpu.memory_space<vmem>>
    %dma_wait3A_327 = arith.constant 0 : i32
    %dma_wait3A_328 = arith.constant 0 : i32
    %dma_wait3A_329 = tpu.memref_slice %arg4[%dma_wait3A_327, %dma_wait3A_328] : memref<1000000x128xf32, #tpu.memory_space<hbm>> -> memref<1000000x128xf32, #tpu.memory_space<hbm>>
    tpu.wait_indirect_dma semaphore(%arg31 : memref<!tpu.dma_semaphore, #tpu.memory_space<semaphore_mem>>) src(%dma_wait3A_329 : memref<1000000x128xf32, #tpu.memory_space<hbm>>) dst(%arg23 : memref<64x128xf32, #tpu.memory_space<vmem>>)
    %scan3A_330 = arith.constant 0 : i32
    %scan3A_331 = arith.constant 0 : i32
    %scan3A_332 = arith.constant 4 : i32
    %scan3A_333 = arith.addi %scan3A_331, %scan3A_332 : i32
    %scan3A_334 = arith.constant 1 : i32
    %scan3A_335 = scf.for %scan3A_337 = %scan3A_331 to %scan3A_333 step %scan3A_334 iter_args(%scan3A_338 = %scan3A_330) -> (i32)  : i32 {
      %broadcast_in_dim3A = arith.constant 0.000000e+00 : f32
      %broadcast_in_dim3A_339 = vector.broadcast %broadcast_in_dim3A : f32 to vector<16xf32>
      %scan3A_340 = arith.constant 0 : i32
      %scan3A_341 = arith.constant 16 : i32
      %scan3A_342 = arith.addi %scan3A_340, %scan3A_341 : i32
      %scan3A_343 = arith.constant 1 : i32
      %scan3A_344 = scf.for %scan3A_362 = %scan3A_340 to %scan3A_342 step %scan3A_343 iter_args(%scan3A_363 = %broadcast_in_dim3A_339) -> (vector<16xf32>)  : i32 {
        %mul3A_364 = arith.constant 16 : i32
        %mul3A_365 = arith.muli %scan3A_337, %mul3A_364 : i32
        %add3A_366 = arith.addi %mul3A_365, %scan3A_362 : i32
        %broadcast_in_dim3A_367 = arith.constant 0.000000e+00 : f32
        %broadcast_in_dim3A_368 = vector.broadcast %broadcast_in_dim3A_367 : f32 to vector<16xf32>
        %get3A_369 = arith.index_cast %add3A_366 : i32 to index
        %get3A_370 = arith.constant 0 : index
        %get3A_371 = tpu.vector_load %arg10[%get3A_369, %get3A_370] {strides = array<i32>} : memref<64x128xf32, #tpu.memory_space<vmem>>, vector<1x16xf32>,
        %get3A_372 = vector.shape_cast %get3A_371 : vector<1x16xf32> to vector<16xf32>
        %get3A_373 = arith.index_cast %add3A_366 : i32 to index
        %get3A_374 = arith.constant 0 : index
        %get3A_375 = tpu.vector_load %arg23[%get3A_373, %get3A_374] {strides = array<i32>} : memref<64x128xf32, #tpu.memory_space<vmem>>, vector<1x16xf32>,
        %get3A_376 = vector.shape_cast %get3A_375 : vector<1x16xf32> to vector<16xf32>
        %mul3A_377 = arith.mulf %get3A_372, %get3A_376 : vector<16xf32>
        %mul3A_378 = arith.mulf %mul3A_377, %get3A_106 : vector<16xf32>
        %add3A_379 = arith.addf %broadcast_in_dim3A_368, %mul3A_378 : vector<16xf32>
        %get3A_380 = arith.index_cast %add3A_366 : i32 to index
        %get3A_381 = arith.constant 16 : index
        %get3A_382 = tpu.vector_load %arg10[%get3A_380, %get3A_381] {strides = array<i32>} : memref<64x128xf32, #tpu.memory_space<vmem>>, vector<1x16xf32>,
        %get3A_383 = vector.shape_cast %get3A_382 : vector<1x16xf32> to vector<16xf32>
        %get3A_384 = arith.index_cast %add3A_366 : i32 to index
        %get3A_385 = arith.constant 16 : index
        %get3A_386 = tpu.vector_load %arg23[%get3A_384, %get3A_385] {strides = array<i32>} : memref<64x128xf32, #tpu.memory_space<vmem>>, vector<1x16xf32>,
        %get3A_387 = vector.shape_cast %get3A_386 : vector<1x16xf32> to vector<16xf32>
        %mul3A_388 = arith.mulf %get3A_383, %get3A_387 : vector<16xf32>
        %mul3A_389 = arith.mulf %mul3A_388, %get3A_109 : vector<16xf32>
        %add3A_390 = arith.addf %add3A_379, %mul3A_389 : vector<16xf32>
        %get3A_391 = arith.index_cast %add3A_366 : i32 to index
        %get3A_392 = arith.constant 32 : index
        %get3A_393 = tpu.vector_load %arg10[%get3A_391, %get3A_392] {strides = array<i32>} : memref<64x128xf32, #tpu.memory_space<vmem>>, vector<1x16xf32>,
        %get3A_394 = vector.shape_cast %get3A_393 : vector<1x16xf32> to vector<16xf32>
        %get3A_395 = arith.index_cast %add3A_366 : i32 to index
        %get3A_396 = arith.constant 32 : index
        %get3A_397 = tpu.vector_load %arg23[%get3A_395, %get3A_396] {strides = array<i32>} : memref<64x128xf32, #tpu.memory_space<vmem>>, vector<1x16xf32>,
        %get3A_398 = vector.shape_cast %get3A_397 : vector<1x16xf32> to vector<16xf32>
        %mul3A_399 = arith.mulf %get3A_394, %get3A_398 : vector<16xf32>
        %mul3A_400 = arith.mulf %mul3A_399, %get3A_112 : vector<16xf32>
        %add3A_401 = arith.addf %add3A_390, %mul3A_400 : vector<16xf32>
        %get3A_402 = arith.index_cast %add3A_366 : i32 to index
        %get3A_403 = arith.constant 48 : index
        %get3A_404 = tpu.vector_load %arg10[%get3A_402, %get3A_403] {strides = array<i32>} : memref<64x128xf32, #tpu.memory_space<vmem>>, vector<1x16xf32>,
        %get3A_405 = vector.shape_cast %get3A_404 : vector<1x16xf32> to vector<16xf32>
        %get3A_406 = arith.index_cast %add3A_366 : i32 to index
        %get3A_407 = arith.constant 48 : index
        %get3A_408 = tpu.vector_load %arg23[%get3A_406, %get3A_407] {strides = array<i32>} : memref<64x128xf32, #tpu.memory_space<vmem>>, vector<1x16xf32>,
        %get3A_409 = vector.shape_cast %get3A_408 : vector<1x16xf32> to vector<16xf32>
        %mul3A_410 = arith.mulf %get3A_405, %get3A_409 : vector<16xf32>
        %mul3A_411 = arith.mulf %mul3A_410, %get3A_115 : vector<16xf32>
        %add3A_412 = arith.addf %add3A_401, %mul3A_411 : vector<16xf32>
        %get3A_413 = arith.index_cast %add3A_366 : i32 to index
        %get3A_414 = arith.constant 64 : index
        %get3A_415 = tpu.vector_load %arg10[%get3A_413, %get3A_414] {strides = array<i32>} : memref<64x128xf32, #tpu.memory_space<vmem>>, vector<1x16xf32>,
        %get3A_416 = vector.shape_cast %get3A_415 : vector<1x16xf32> to vector<16xf32>
        %get3A_417 = arith.index_cast %add3A_366 : i32 to index
        %get3A_418 = arith.constant 64 : index
        %get3A_419 = tpu.vector_load %arg23[%get3A_417, %get3A_418] {strides = array<i32>} : memref<64x128xf32, #tpu.memory_space<vmem>>, vector<1x16xf32>,
        %get3A_420 = vector.shape_cast %get3A_419 : vector<1x16xf32> to vector<16xf32>
        %mul3A_421 = arith.mulf %get3A_416, %get3A_420 : vector<16xf32>
        %mul3A_422 = arith.mulf %mul3A_421, %get3A_118 : vector<16xf32>
        %add3A_423 = arith.addf %add3A_412, %mul3A_422 : vector<16xf32>
        %get3A_424 = arith.index_cast %add3A_366 : i32 to index
        %get3A_425 = arith.constant 80 : index
        %get3A_426 = tpu.vector_load %arg10[%get3A_424, %get3A_425] {strides = array<i32>} : memref<64x128xf32, #tpu.memory_space<vmem>>, vector<1x16xf32>,
        %get3A_427 = vector.shape_cast %get3A_426 : vector<1x16xf32> to vector<16xf32>
        %get3A_428 = arith.index_cast %add3A_366 : i32 to index
        %get3A_429 = arith.constant 80 : index
        %get3A_430 = tpu.vector_load %arg23[%get3A_428, %get3A_429] {strides = array<i32>} : memref<64x128xf32, #tpu.memory_space<vmem>>, vector<1x16xf32>,
        %get3A_431 = vector.shape_cast %get3A_430 : vector<1x16xf32> to vector<16xf32>
        %mul3A_432 = arith.mulf %get3A_427, %get3A_431 : vector<16xf32>
        %mul3A_433 = arith.mulf %mul3A_432, %get3A_121 : vector<16xf32>
        %add3A_434 = arith.addf %add3A_423, %mul3A_433 : vector<16xf32>
        %get3A_435 = arith.index_cast %add3A_366 : i32 to index
        %get3A_436 = arith.constant 96 : index
        %get3A_437 = tpu.vector_load %arg10[%get3A_435, %get3A_436] {strides = array<i32>} : memref<64x128xf32, #tpu.memory_space<vmem>>, vector<1x16xf32>,
        %get3A_438 = vector.shape_cast %get3A_437 : vector<1x16xf32> to vector<16xf32>
        %get3A_439 = arith.index_cast %add3A_366 : i32 to index
        %get3A_440 = arith.constant 96 : index
        %get3A_441 = tpu.vector_load %arg23[%get3A_439, %get3A_440] {strides = array<i32>} : memref<64x128xf32, #tpu.memory_space<vmem>>, vector<1x16xf32>,
        %get3A_442 = vector.shape_cast %get3A_441 : vector<1x16xf32> to vector<16xf32>
        %mul3A_443 = arith.mulf %get3A_438, %get3A_442 : vector<16xf32>
        %mul3A_444 = arith.mulf %mul3A_443, %get3A_124 : vector<16xf32>
        %add3A_445 = arith.addf %add3A_434, %mul3A_444 : vector<16xf32>
        %get3A_446 = arith.index_cast %add3A_366 : i32 to index
        %get3A_447 = arith.constant 112 : index
        %get3A_448 = tpu.vector_load %arg10[%get3A_446, %get3A_447] {strides = array<i32>} : memref<64x128xf32, #tpu.memory_space<vmem>>, vector<1x16xf32>,
        %get3A_449 = vector.shape_cast %get3A_448 : vector<1x16xf32> to vector<16xf32>
        %get3A_450 = arith.index_cast %add3A_366 : i32 to index
        %get3A_451 = arith.constant 112 : index
        %get3A_452 = tpu.vector_load %arg23[%get3A_450, %get3A_451] {strides = array<i32>} : memref<64x128xf32, #tpu.memory_space<vmem>>, vector<1x16xf32>,
        %get3A_453 = vector.shape_cast %get3A_452 : vector<1x16xf32> to vector<16xf32>
        %mul3A_454 = arith.mulf %get3A_449, %get3A_453 : vector<16xf32>
        %mul3A_455 = arith.mulf %mul3A_454, %get3A_127 : vector<16xf32>
        %add3A_456 = arith.addf %add3A_445, %mul3A_455 : vector<16xf32>
        %broadcast_in_dim3A_457 = vector.shape_cast %xor3A_132 : vector<16xi32> to vector<16x1xi32>
        %gather3A = vector.shape_cast %broadcast_in_dim3A_457 : vector<16x1xi32> to vector<16xi32>
        %gather3A_458 = tpu.dynamic_gather %add3A_456[%gather3A] in [0] : vector<16xf32>, vector<16xi32> -> vector<16xf32>
        %add3A_459 = arith.addf %add3A_456, %gather3A_458 : vector<16xf32>
        %broadcast_in_dim3A_460 = vector.shape_cast %xor3A_135 : vector<16xi32> to vector<16x1xi32>
        %gather3A_461 = vector.shape_cast %broadcast_in_dim3A_460 : vector<16x1xi32> to vector<16xi32>
        %gather3A_462 = tpu.dynamic_gather %add3A_459[%gather3A_461] in [0] : vector<16xf32>, vector<16xi32> -> vector<16xf32>
        %add3A_463 = arith.addf %add3A_459, %gather3A_462 : vector<16xf32>
        %broadcast_in_dim3A_464 = vector.shape_cast %xor3A_138 : vector<16xi32> to vector<16x1xi32>
        %gather3A_465 = vector.shape_cast %broadcast_in_dim3A_464 : vector<16x1xi32> to vector<16xi32>
        %gather3A_466 = tpu.dynamic_gather %add3A_463[%gather3A_465] in [0] : vector<16xf32>, vector<16xi32> -> vector<16xf32>
        %add3A_467 = arith.addf %add3A_463, %gather3A_466 : vector<16xf32>
        %broadcast_in_dim3A_468 = vector.shape_cast %xor3A_141 : vector<16xi32> to vector<16x1xi32>
        %gather3A_469 = vector.shape_cast %broadcast_in_dim3A_468 : vector<16x1xi32> to vector<16xi32>
        %gather3A_470 = tpu.dynamic_gather %add3A_467[%gather3A_469] in [0] : vector<16xf32>, vector<16xi32> -> vector<16xf32>
        %add3A_471 = arith.addf %add3A_467, %gather3A_470 : vector<16xf32>
        %eq3A = vector.broadcast %scan3A_362 : i32 to vector<16xi32>
        %eq3A_472 = arith.cmpi eq, %iota3A, %eq3A : vector<16xi32>
        %select_n3A = arith.select %eq3A_472, %add3A_471, %scan3A_363 : vector<16xi1>, vector<16xf32>
        scf.yield %select_n3A : vector<16xf32>
      }
      %scan3A_345 = arith.constant 16 : i32
      %add3A_346 = arith.addf %scan3A_344, %get3A_130 : vector<16xf32>
      %neg3A = arith.constant 0.000000e+00 : f32
      %neg3A_347 = vector.broadcast %neg3A : f32 to vector<16xf32>
      %neg3A_348 = arith.subf %neg3A_347, %add3A_346 : vector<16xf32>
      %exp3A = math.exp %neg3A_348 : vector<16xf32>
      %add3A_349 = arith.constant 1.000000e+00 : f32
      %add3A_350 = vector.broadcast %add3A_349 : f32 to vector<16xf32>
      %add3A_351 = arith.addf %add3A_350, %exp3A : vector<16xf32>
      %div3A = arith.constant 1.000000e+00 : f32
      %div3A_352 = vector.broadcast %div3A : f32 to vector<16xf32>
      %div3A_353 = arith.divf %div3A_352, %add3A_351 : vector<16xf32>
      %mul3A_354 = arith.constant 16 : i32
      %mul3A_355 = arith.muli %scan3A_337, %mul3A_354 : i32
      %add3A_356 = arith.constant 448 : i32
      %add3A_357 = arith.addi %add3A_356, %mul3A_355 : i32
      %swap3A = arith.index_cast %add3A_357 : i32 to index
      %swap3A_358 = tpu.vector_load %arg17[%swap3A] {strides = array<i32>} : memref<512xf32, #tpu.memory_space<vmem>>, vector<16xf32>,
      %swap3A_359 = vector.shape_cast %swap3A_358 : vector<16xf32> to vector<16xf32>
      %swap3A_360 = vector.shape_cast %div3A_353 : vector<16xf32> to vector<16xf32>
      tpu.vector_store %arg17[%swap3A], %swap3A_360 {strides = array<i32>} : memref<512xf32, #tpu.memory_space<vmem>>, vector<16xf32>,
      %scan3A_361 = arith.constant 0 : i32
      scf.yield %scan3A_361 : i32
    }
    %scan3A_336 = arith.constant 4 : i32
    "tpu.region"() ({
      %run_scoped3A = tpu.sem_alloc : memref<!tpu.dma_semaphore, #tpu.memory_space<semaphore_mem>>
      %dma_start3A_337 = tpu.memref_slice %arg7[%mul3A_2] : memref<16384xf32, #tpu.memory_space<hbm>> -> memref<512xf32, #tpu.memory_space<hbm>>
      %dma_start3A_338 = tpu.memref_slice %arg7[%mul3A_2] : memref<16384xf32, #tpu.memory_space<hbm>> -> memref<512xf32, #tpu.memory_space<hbm>>
      tpu.enqueue_dma source(%arg17 : memref<512xf32, #tpu.memory_space<vmem>>) target(%dma_start3A_338 : memref<512xf32, #tpu.memory_space<hbm>>) target_semaphore(%run_scoped3A : memref<!tpu.dma_semaphore, #tpu.memory_space<semaphore_mem>>)
      %dma_wait3A_339 = tpu.memref_slice %arg7[%mul3A_2] : memref<16384xf32, #tpu.memory_space<hbm>> -> memref<512xf32, #tpu.memory_space<hbm>>
      %dma_wait3A_340 = tpu.memref_slice %arg7[%mul3A_2] : memref<16384xf32, #tpu.memory_space<hbm>> -> memref<512xf32, #tpu.memory_space<hbm>>
      tpu.wait_dma2 semaphore(%run_scoped3A : memref<!tpu.dma_semaphore, #tpu.memory_space<semaphore_mem>>) src(%arg17 : memref<512xf32, #tpu.memory_space<vmem>>) dst(%dma_wait3A_340 : memref<512xf32, #tpu.memory_space<hbm>>)
      tpu.yield
    }) : () -> ()
    return
  }
}

</mosaic_0001>

<sc_bundles>
// kernel: _word2vec_sc.3.cloned.1.call-start
scs
__scs_entry_jumppad:
0x0: {  	(pc) =	sbr.rel $0x88, $3  }
0x1: {  	(tag) =	ssettag $0x0;
	lr =	simm.s32 $0x1  }
0x2: {  	[smem:$0x3F9C] =	sst lr;
	_ =	strace $0xD0000000  }
0x3: {  	_ = 	snop  }
0x4: {  	_ = 	snop  }
0x5: {  	_ = 	snop  }
0x6: {  	_ = 	snop  }
0x7: {  	_ = 	snop  }
__scs_overlays_trampoline_lowered:
0x8: {  	[smem:$0x3FAB] =	sst s0  }
0x9: {  	[smem:$0x3FAC] =	sst s1  }
0xa: {  	[smem:$0x3FAD] =	sst s2  }
0xb: {  	[smem:$0x3FAE] =	sst s3  }
0xc: {  	[smem:$0x3FAF] =	sst s4  }
0xd: {  	[smem:$0x3FB0] =	sst s5  }
0xe: {  	[smem:$0x3FB1] =	sst s6  }
0xf: {  	[smem:$0x3FB2] =	sst s7  }
0x10: {  	[smem:$0x3FB3] =	sst s8  }
0x11: {  	[smem:$0x3FB4] =	sst s9;
	s0 =	simm.s32 @!p0 $0x0  }
0x12: {  	s1 =	sld [smem:$0x3F9A];
	s0 =	simm.s32 @p0 $0x1  }
0x13: {  	[smem:$0x3FB5] =	sst s0;
	s0 =	simm.s32 @!p1 $0x0  }
0x14: {  	s2 =	sld [smem:$0x3F99];
	s0 =	simm.s32 @p1 $0x1  }
0x15: {  	[smem:$0x3FB6] =	sst s0;
	s0 =	simm.s32 @!p2 $0x0  }
0x16: {  	s3 =	sld [smem:$0x3FDB];
	s0 =	simm.s32 @p2 $0x1  }
0x17: {  	s4 =	simm.s32 $0x1BF5;
	[smem:$0x3FB8] =	sst s0  }
0x18: {  	s0 =	sld [smem:$0x3F9B];
	_ =	swait.ge [sflag:s4], $0x0  }
0x19: {  	s7 =	sld [smem:$0x3F9C]  }
0x1a: {  	s8 =	sadd.s32 $0xFFFFE003, lr  }
0x1b: {  	s9 =	sadd.s32 $0xFFFFFEF7, lr;
	s5 =	simm.s32 $0xFFFFFFFF;
	p2 =	slt.u32 s8, $0xFFFFF086  }
0x1c: {  	p1 =	slt.u32 s9, $0xF7A;
	s5 =	simm.s32 @!p2 $0x0  }
0x1d: {  	s5 =	simm.s32 @p1 $0x1;
	p0 =	seq.s32 s7, s2  }
0x1e: {  	s7 =	smul.u32 @!p0 $0xF7A, s2;
	p2 =	seq.s32 @!p0 s5, $0x0  }
0x1f: {  	s9 =	smul.u32 $0xF7A, s1;
	s8 =	simm.s32 @!p0 $0x1BF5;
	p2 =	por !p2, p0  }
0x20: {  	[sflag:s8] =	ssyncset.s32 @!p0 $0xFFFFF086;
	s6 =	sadd.s32 @!p0 s3, s7;
	s7 =	simm.s32 @!p0 $0x108  }
0x21: {  	s3 =	sadd.s32 s3, s9;
	s6 =	sadd.s32 @!p0 $0x88, s6;
	s7 =	simm.s32 @p2 $0x1082  }
0x22: {  	[simem:s7], [sflag:s8] =	dma.local @!p0 [hbm:s6], $0xF7A  }
0x23: {  	s9 =	sor.u32 $0xD0000000, s2;
	s6 =	simm.s32 $0x108;
	_ =	swait.ge @!p0 [sflag:s8], $0x0  }
0x24: {  	s3 =	sadd.s32 $0x88, s3;
	s6 =	simm.s32 @!p1 $0x1082;
	[sflag:s4] =	ssyncset.s32 $0xFFFFF086  }
0x25: {  	[simem:s6], [sflag:s4] =	dma.local [hbm:s3], $0xF7A  }
0x26: {  	[smem:$0x3F9C] =	sst s1;
	(tag) =	ssettag s2;
	_ =	strace s9  }
0x27: {  	s1 =	sld [smem:$0x3FAC]  }
0x28: {  	s2 =	sld [smem:$0x3FAD]  }
0x29: {  	s4 =	sld [smem:$0x3FAF]  }
0x2a: {  	p0 =	seq.s32 s5, $0x0;
	s5 =	sld [smem:$0x3FB0]  }
0x2b: {  	s6 =	sld [smem:$0x3FB1]  }
0x2c: {  	s7 =	sld [smem:$0x3FB2]  }
0x2d: {  	s3 =	simm.s32 $0x108;
	s8 =	sld [smem:$0x3FB3]  }
0x2e: {  	s3 =	simm.s32 @!p0 $0x1082;
	s9 =	sld [smem:$0x3FB4]  }
0x2f: {  	lr =	sadd.s32 s0, s3;
	s0 =	sld [smem:$0x3FAB]  }
0x30: {  	s3 =	sld [smem:$0x3FAE]  }
0x31: {  	[smem:$0x3FB7] =	sst s10  }
0x32: {  	s10 =	sld [smem:$0x3FB5];
	_ =	sdelay $0x3  }
0x33: {  	p0 =	seq.s32 s10, $0x1;
	s10 =	sld [smem:$0x3FB7];
	_ =	sdelay $0x3  }
0x34: {  	[smem:$0x3FB7] =	sst s10  }
0x35: {  	s10 =	sld [smem:$0x3FB6];
	_ =	sdelay $0x3  }
0x36: {  	p1 =	seq.s32 s10, $0x1;
	s10 =	sld [smem:$0x3FB7];
	_ =	sdelay $0x3  }
0x37: {  	[smem:$0x3FB7] =	sst s10  }
0x38: {  	s10 =	sld [smem:$0x3FB8]  }
0x39: {  	_ = 	snop;
	(pc) =	sbr.ind lr, $3  }
0x3a: {  	_ = 	snop  }
0x3b: {  	_ = 	snop  }
0x3c: {  	p2 =	seq.s32 s10, $0x1;
	s10 =	sld [smem:$0x3FB7]  }
0x3d: {  	_ =	shalt  }
0x3e: {  	_ =	shalt  }
0x3f: {  	_ =	shalt  }
0x40: {  	_ =	shalt  }
0x41: {  	_ =	shalt  }
0x42: {  	_ =	shalt  }
0x43: {  	_ =	shalt  }
0x44: {  	_ =	shalt  }
0x45: {  	_ =	shalt  }
0x46: {  	_ =	shalt  }
0x47: {  	_ =	shalt  }
0x48: {  	_ =	shalt  }
0x49: {  	_ =	shalt  }
0x4a: {  	_ =	shalt  }
0x4b: {  	_ =	shalt  }
0x4c: {  	_ =	shalt  }
0x4d: {  	_ =	shalt  }
0x4e: {  	_ =	shalt  }
0x4f: {  	_ =	shalt  }
0x50: {  	_ =	shalt  }
0x51: {  	_ =	shalt  }
0x52: {  	_ =	shalt  }
0x53: {  	_ =	shalt  }
0x54: {  	_ =	shalt  }
0x55: {  	_ =	shalt  }
0x56: {  	_ =	shalt  }
0x57: {  	_ =	shalt  }
0x58: {  	_ =	shalt  }
0x59: {  	_ =	shalt  }
0x5a: {  	_ =	shalt  }
0x5b: {  	_ =	shalt  }
0x5c: {  	_ =	shalt  }
0x5d: {  	_ =	shalt  }
0x5e: {  	_ =	shalt  }
0x5f: {  	_ =	shalt  }
0x60: {  	_ =	shalt  }
0x61: {  	_ =	shalt  }
0x62: {  	_ =	shalt  }
0x63: {  	_ =	shalt  }
0x64: {  	_ =	shalt  }
0x65: {  	_ =	shalt  }
0x66: {  	_ =	shalt  }
0x67: {  	_ =	shalt  }
0x68: {  	_ =	shalt  }
0x69: {  	_ =	shalt  }
0x6a: {  	_ =	shalt  }
0x6b: {  	_ =	shalt  }
0x6c: {  	_ =	shalt  }
0x6d: {  	_ =	shalt  }
0x6e: {  	_ =	shalt  }
0x6f: {  	_ =	shalt  }
0x70: {  	_ =	shalt  }
0x71: {  	_ =	shalt  }
0x72: {  	_ =	shalt  }
0x73: {  	_ =	shalt  }
0x74: {  	_ =	shalt  }
0x75: {  	_ =	shalt  }
0x76: {  	_ =	shalt  }
0x77: {  	_ =	shalt  }
0x78: {  	_ =	shalt  }
0x79: {  	_ =	shalt  }
0x7a: {  	_ =	shalt  }
0x7b: {  	_ =	shalt  }
0x7c: {  	_ =	shalt  }
0x7d: {  	_ =	shalt  }
0x7e: {  	_ =	shalt  }
0x7f: {  	_ =	shalt  }
0x80: {  	_ =	shalt  }
0x81: {  	_ =	shalt  }
0x82: {  	_ =	shalt  }
0x83: {  	_ =	shalt  }
0x84: {  	_ =	shalt  }
0x85: {  	_ =	shalt  }
0x86: {  	_ =	shalt  }
0x87: {  	_ =	shalt  }
.Lfunc_end0:
.L_simem_size_0:
called_computation_lowered:
.L_overlay_start_0:
0x88: {  	s2 =	sld [smem:$0x3FD9]  }
0x89: {  	s3 =	sld [smem:$0x3FFE];
	_ =	sdelay $0x1  }
0x8a: {  	s1 =	srdreg.scid  }
0x8b: {  	s0 =	sand.u32 $0x1, s1  }
0x8c: {  	s17 =	sshll.u32 s0, $0xA;
	s2 =	sadd.s32 s3, s2  }
0x8d: {  	s2 =	sadd.s32 s2, s17  }
0x8e: {  	[smem:$0x3FC3] =	sst s2  }
0x8f: {  	_ = 	snop  }
0x90: {  	s2 =	sld [smem:$0x3FC7]  }
0x91: {  	s18 =	sld [smem:$0x3FC6]  }
0x92: {  	s4 =	sld [smem:$0x3FC5]  }
0x93: {  	s5 =	sld [smem:$0x3FD0];
	(tm) =	ssettm $0x1  }
0x94: {  	s6 =	sld [smem:$0x3FFB];
	_ =	sdelay $0x3  }
0x95: {  	_ =	strace s6  }
0x96: {  	s6 =	sld [smem:$0x3FFC];
	_ =	sdelay $0x3  }
0x97: {  	_ =	strace s6  }
0x98: {  	s6 =	sld [smem:$0x3FFD];
	_ =	sdelay $0x3  }
0x99: {  	_ =	strace s6  }
0x9a: {  	_ =	strace $0x8FFFFFFF  }
0x9b: {  	s19 =	sld [smem:$0x3FDB];
	_ =	sdelay $0x1  }
0x9c: {  	s7 =	simm.s32 $_scs_section_size  }
0x9d: {  	s8 =	simm.s32 $_size__tile_overlayer_lowered;
	s9 =	simm.s32 $_tile_overlayer_lowered  }
0x9e: {  	s22 =	simm.s32 $0x1BFF;
	s21 =	sshll.u32 s9, $0x1;
	s6 =	sadd.s32 s7, s19  }
0x9f: {  	s10 =	simm.s32 $0x0;
	s20 =	sshll.u32 s8, $0x1;
	s8 =	sadd.s32 s21, s6  }
0xa0: {  	[timem:s10], [sflag:s22] =	dma.local [hbm:s8], s20  }
0xa1: {  	_ =	swait.ge [sflag:s22], s20  }
0xa2: {  	s7 =	ssub.s32 $0x0, s20;
	[sflag:s22] =	ssyncset.done $0x0  }
0xa3: {  	[sflag:s22] =	ssyncadd.s32 s7;
	_ =	sdelay $0x1  }
0xa4: {  	s23 =	simm.s32 $0x1B8B  }
0xa5: {  	_ =	swait.ge [sflag:s23], $0x1  }
0xa6: {  	[sflag:s23] =	ssyncset.done $0x0  }
0xa7: {  	s25 =	simm.s32 $0x1B8E;
	s24 =	sld [smem:$0x3FFE];
	[sflag:s23] =	ssyncadd.s32 $0xFFFFFFFF  }
0xa8: {  	s26 =	simm.s32 $execute0_lowered;
	[smem:$0x3FD2] =	sst s25  }
0xa9: {  	s8 =	sshll.u32 s26, $0x1;
	_ =	strace $0x80000046;
	[dreg:$0x1] =	wrdreg $0xFFFFFFFF  }
0xaa: {  	s28 =	simm.s32 $_size_execute0_lowered;
	s6 =	sadd.s32 s6, s8;
	[dreg:$0x0] =	wrdreg $0x0  }
0xab: {  	s8 =	sshll.u32 s28, $0x1;
	[dreg:$0x2] =	wrdreg s6  }
0xac: {  	[dreg:$0x3] =	wrdreg s8  }
0xad: {  	[dreg:$0x4] =	wrdreg $0xC0  }
0xae: {  	_ =	task [dreg:s10], $0x5FFFF  }
0xaf: {  	[dreg:$0x1] =	wrdreg $0xFFFFFFFF  }
0xb0: {  	[dreg:$0x0] =	wrdreg $0x60  }
0xb1: {  	[dreg:$0x2] =	wrdreg s24  }
0xb2: {  	[dreg:$0x3] =	wrdreg s2  }
0xb3: {  	[dreg:$0x4] =	wrdreg s18  }
0xb4: {  	[dreg:$0x5] =	wrdreg s4  }
0xb5: {  	[dreg:$0x6] =	wrdreg s5  }
0xb6: {  	[dreg:$0x7] =	wrdreg $0x9  }
0xb7: {  	_ =	task.clear_ibuf [dreg:s10], $0x8FFFF;
	_ =	strace $0x90000046  }
0xb8: {  	s29 =	simm.s32 $0x9;
	_ =	strace $0x80000048  }
0xb9: {  	_ =	swait.ge [sflag:s29], $0x1  }
0xba: {  	[sflag:s29] =	ssyncadd.s32 $0xFFFFFFFF  }
0xbb: {  	_ =	strace $0x90000048  }
0xbc: {  	_ =	sfence  }
0xbd: {  	s30 =	sld [smem:$0x0];
	_ =	sdelay $0x2  }
0xbe: {  	s31 =	sshll.u32 s1, $0xD;
	s1 =	sshrl.u32 s1, $0x2  }
0xbf: {  	s3 =	sand.u32 $0x4000, s31;
	s1 =	sadd.s32 s1, s30  }
0xc0: {  	s0 =	sor.u32 s3, s0;
	s1 =	sshll.u32 s1, $0x11  }
0xc1: {  	s0 =	sor.u32 s1, s0  }
0xc2: {  	s0 =	sadd.s32 $0x8F2B, s0  }
0xc3: {  	[sflag:s0] =	ssyncadd.remote.s32 $0x1  }
0xc4: {  	_ =	sfence.sel $0xFFFF  }
0xc5: {  	[dreg:$0x0] =	wrdreg $0xFFFFFFFF;
	(pc) =	sbr.abs _section_cstart, $3  }
0xc6: {  	[dreg:$0x1] =	wrdreg $0xFFFFFFFF  }
0xc7: {  	_ =	task.clear_ibuf [dreg:s10], $0x2FFFF;
	_ =	strace $0x9FFFFFFF  }
0xc8: {  	(tm) =	ssettm $0x7FFFFFFF  }
0xc9: {  	_ =	shalt  }
tec
execute0_lowered:
.L_overlay_start_1:
0x0: {  	(tag) =	ssettag $0x1  }
0x1: {  	s0 =	rddreg [dreg:$0x0]  }
0x2: {  	s1 =	rddreg [dreg:$0x1]  }
0x3: {  	s2 =	rddreg [dreg:$0x4];
	s3 =	srdreg.scid  }
0x4: {  	s4 =	stileid.u32;
	s5 =	simm.s32 $0x0;
	s13 =	simm.s32 $0x1  }
0x5: {  	s14 =	simm.s32 $0x2;
	s15 =	simm.s32 $0x40;
	v0 =	vimm.s32 $0xFEDCBA98;
	s22 =	simm.s32 $0x3  }
0x6: {  	v1 =	vimm.s32 $0x76543210;
	v2 =	vimm.s32 $0xBA98FEDC;
	v3 =	vimm.s32 $0x32107654;
	s23 =	simm.s32 $0x4;
	s24 =	simm.s32 $0x5;
	s25 =	simm.s32 $0x6  }
0x7: {  	v4 =	vimm.s32 $0xDCFE98BA;
	v5 =	vimm.s32 $0x54761032;
	s29 =	simm.s32 $0x7;
	s30 =	simm.s32 $0x8;
	s12 =	simm.s32 $0xC  }
0x8: {  	v6 =	vimm.s32 $0xEFCDAB89;
	v7 =	vimm.s32 $0x67452301;
	s18 =	simm.s32 $0xD;
	s20 =	simm.s32 $0xE;
	s28 =	simm.s32 $0x10  }
0x9: {  	s31 =	simm.s32 $0x0;
	s3 =	sand.u32 $0x1, s3;
	s4 =	sshll.u32 s4, $0x1;
	v0 =	vunpack.c.l.s4.s8 v0;
	v1 =	vunpack.c.l.s4.s8 v1;
	v2 =	vunpack.c.l.s4.s8 v2  }
0xa: {  	[smem:$0x7FF] =	sst s5;
	v3 =	vunpack.c.l.s4.s8 v3;
	v4 =	vunpack.c.l.s4.s8 v4;
	v5 =	vunpack.c.l.s4.s8 v5;
	s4 =	sor.u32 s3, s4;
	s3 =	ssub.s32 $0x2, s3  }
0xb: {  	v6 =	vunpack.c.l.s4.s8 v6;
	v7 =	vunpack.c.l.s4.s8 v7;
	_ =	strace $0x80000047;
	s6 =	sshll.u32 s4, $0x7;
	s7 =	sshrl.u32 s3, $0x1;
	v0 =	vunpack.c.0.s8.s32 v0  }
0xc: {  	s26 =	sshll.u32 s4, $0x6;
	v1 =	vunpack.c.0.s8.s32 v1;
	v2 =	vunpack.c.0.s8.s32 v2;
	v3 =	vunpack.c.0.s8.s32 v3;
	s4 =	simm.s32 $0xB;
	s0 =	sadd.s32 s6, s0  }
0xd: {  	v4 =	vunpack.c.0.s8.s32 v4;
	v5 =	vunpack.c.0.s8.s32 v5;
	s3 =	ssub.s32 s3, s7;
	s6 =	sadd.s32 $0x400, s0;
	s0 =	sadd.s32 $0x1400, s0;
	v0 =	vand.u32 $0xF, v0  }
0xe: {  	v6 =	vunpack.c.0.s8.s32 v6;
	v7 =	vunpack.c.0.s8.s32 v7;
	s9 =	smax.u32 s3, $0x1;
	s3 =	simm.s32 $0xA;
	[dreg:$0x6] =	wrdreg s6;
	v0 =	vcombine.low v0, v1  }
0xf: {  	[dreg:$0x7] =	wrdreg s0;
	s0 =	sadd.s32 s2, s26;
	s2 =	simm.s32 $0x9;
	v1 =	vcombine.low v3, v2;
	v2 =	vcombine.low v5, v4  }
0x10: {  	s26 =	simm.s32 $0xF;
	v3 =	vcombine.low v7, v6;
	v4 =	vlaneseq.u32;
	[dreg:$0x8] =	wrdreg s0;
	s0 =	simm.s32 $0x11  }
.LBB2_1:
0x11: {  	s6 =	rddreg [dreg:$0x6];
	s7 =	simm.s32 $0xC080  }
0x12: {  	[tilespmem:s7], [sflag:$0x1] =	stream.linear.gather [hbm4b:s6+s5], $0x400, $0x38;
	[tilespmem:$0x18B00] =	vst v63  }
0x13: {  	s17 =	rddreg [dreg:$0x7];
	s8 =	simm.s32 $0xC480  }
0x14: {  	[tilespmem:s8], [sflag:$0x2] =	stream.linear.gather [hbm4b:s17+s5], $0x400, $0x38;
	[tilespmem:$0x18B00] =	vst v63  }
0x15: {  	s19 =	rddreg [dreg:$0x2];
	s10 =	simm.s32 $0x18A80  }
0x16: {  	[tilespmem:s10], [sflag:$0x3] =	stream.linear.gather [hbm4b:s19+s5], $0x80, $0x38;
	[tilespmem:$0x18B00] =	vst v63  }
0x17: {  	s21 =	rddreg [dreg:$0x3]  }
0x18: {  	[tilespmem:s5], [sflag:$0x4] =	stream.linear.gather [hbm4b:s21+s5], $0x80, $0x38;
	[tilespmem:$0x18B00] =	vst v63  }
0x19: {  	_ =	swait.ge [sflag:s13], $0x400  }
0x1a: {  	[sflag:s13] =	ssyncset.done $0x0  }
0x1b: {  	[sflag:s13] =	ssyncadd.s32 $0xFFFFFC00  }
0x1c: {  	_ =	swait.ge [sflag:s14], $0x400  }
0x1d: {  	[sflag:s14] =	ssyncset.done $0x0  }
0x1e: {  	s10 =	simm.s32 $0x80;
	[sflag:s14] =	ssyncadd.s32 $0xFFFFFC00  }
0x1f: {  	[tilespmem:s10], [sflag:$0x5] =	stream.indirect.gather [hbm4b:s1+s15], $0x80, s7, s15, $0xb8;
	[tilespmem:$0x18B00] =	vst v63  }
0x20: {  	s11 =	simm.s32 $0xCA80  }
0x21: {  	[tilespmem:s11], [sflag:$0x6] =	stream.indirect.gather [hbm4b:s1+s15], $0x80, s8, s15, $0xb8;
	[tilespmem:$0x18B00] =	vst v63  }
0x22: {  	s16 =	simm.s32 $0xC100;
	s17 =	simm.s32 $0x2080  }
0x23: {  	[tilespmem:s17], [sflag:$0x7] =	stream.indirect.gather [hbm4b:s1+s15], $0x80, s16, s15, $0xb8;
	[tilespmem:$0x18B00] =	vst v63  }
0x24: {  	s19 =	simm.s32 $0xC500;
	s21 =	simm.s32 $0xEA80  }
0x25: {  	[tilespmem:s21], [sflag:$0x8] =	stream.indirect.gather [hbm4b:s1+s15], $0x80, s19, s15, $0xb8;
	[tilespmem:$0x18B00] =	vst v63  }
0x26: {  	s7 =	simm.s32 $0xC180;
	s8 =	simm.s32 $0x4080  }
0x27: {  	[tilespmem:s8], [sflag:$0x9] =	stream.indirect.gather [hbm4b:s1+s15], $0x80, s7, s15, $0xb8;
	[tilespmem:$0x18B00] =	vst v63  }
0x28: {  	s10 =	simm.s32 $0xC580;
	s11 =	simm.s32 $0x10A80  }
0x29: {  	[tilespmem:s11], [sflag:$0xA] =	stream.indirect.gather [hbm4b:s1+s15], $0x80, s10, s15, $0xb8;
	[tilespmem:$0x18B00] =	vst v63  }
0x2a: {  	s16 =	simm.s32 $0xC200;
	s17 =	simm.s32 $0x6080  }
0x2b: {  	[tilespmem:s17], [sflag:$0xB] =	stream.indirect.gather [hbm4b:s1+s15], $0x80, s16, s15, $0xb8;
	[tilespmem:$0x18B00] =	vst v63  }
0x2c: {  	s19 =	simm.s32 $0xC600;
	s21 =	simm.s32 $0x12A80  }
0x2d: {  	[tilespmem:s21], [sflag:$0xC] =	stream.indirect.gather [hbm4b:s1+s15], $0x80, s19, s15, $0xb8;
	[tilespmem:$0x18B00] =	vst v63  }
0x2e: {  	s7 =	simm.s32 $0xC280;
	s8 =	simm.s32 $0x8080  }
0x2f: {  	[tilespmem:s8], [sflag:$0xD] =	stream.indirect.gather [hbm4b:s1+s15], $0x80, s7, s15, $0xb8;
	[tilespmem:$0x18B00] =	vst v63  }
0x30: {  	s10 =	simm.s32 $0xC680;
	s11 =	simm.s32 $0x14A80  }
0x31: {  	[tilespmem:s11], [sflag:$0xE] =	stream.indirect.gather [hbm4b:s1+s15], $0x80, s10, s15, $0xb8;
	[tilespmem:$0x18B00] =	vst v63  }
0x32: {  	s16 =	simm.s32 $0xC300;
	s17 =	simm.s32 $0xA080  }
0x33: {  	[tilespmem:s17], [sflag:$0xF] =	stream.indirect.gather [hbm4b:s1+s15], $0x80, s16, s15, $0xb8;
	[tilespmem:$0x18B00] =	vst v63  }
0x34: {  	s19 =	simm.s32 $0xC700;
	s21 =	simm.s32 $0x16A80  }
0x35: {  	[tilespmem:s21], [sflag:$0x10] =	stream.indirect.gather [hbm4b:s1+s15], $0x80, s19, s15, $0xb8;
	[tilespmem:$0x18B00] =	vst v63  }
0x36: {  	_ =	swait.ge [sflag:s22], $0x80  }
0x37: {  	[sflag:s22] =	ssyncset.done $0x0  }
0x38: {  	[sflag:s22] =	ssyncadd.s32 $0xFFFFFF80  }
0x39: {  	_ =	swait.ge [sflag:s23], $0x80  }
0x3a: {  	[sflag:s23] =	ssyncset.done $0x0  }
0x3b: {  	[sflag:s23] =	ssyncadd.s32 $0xFFFFFF80  }
0x3c: {  	v5 =	vld [tilespmem:$0x18A80]  }
0x3d: {  	v6 =	vld [tilespmem:$0x18A90]  }
0x3e: {  	v7 =	vld [tilespmem:$0x18AA0]  }
0x3f: {  	v8 =	vld [tilespmem:$0x18AB0]  }
0x40: {  	v9 =	vld [tilespmem:$0x18AC0]  }
0x41: {  	v10 =	vld [tilespmem:$0x18AD0]  }
0x42: {  	v11 =	vld [tilespmem:$0x18AE0]  }
0x43: {  	v12 =	vld [tilespmem:$0x18AF0]  }
0x44: {  	v13 =	vld [tilespmem:$0x0];
	_ =	swait.ge [sflag:s24], $0x2000  }
0x45: {  	[sflag:s24] =	ssyncset.done $0x0  }
0x46: {  	[sflag:s24] =	ssyncadd.s32 $0xFFFFE000  }
0x47: {  	_ =	swait.ge [sflag:s25], $0x2000  }
0x48: {  	s10 =	simm.s32 $0xC0;
	[sflag:s25] =	ssyncset.done $0x0  }
0x49: {  	s11 =	simm.s32 $0xCAC0;
	s16 =	simm.s32 $0x0;
	[sflag:s25] =	ssyncadd.s32 $0xFFFFE000  }
.LBB2_2:
0x4a: {  	v14 =	vld [tilespmem:s10+$0xFFFFFFC0]  }
0x4b: {  	v15 =	vld [tilespmem:s11+$0xFFFFFFC0]  }
0x4c: {  	v16 =	vld [tilespmem:s10+$0xFFFFFFD0]  }
0x4d: {  	v17 =	vld [tilespmem:s11+$0xFFFFFFD0]  }
0x4e: {  	v18 =	vld [tilespmem:s10+$0xFFFFFFE0]  }
0x4f: {  	v19 =	vld [tilespmem:s11+$0xFFFFFFE0]  }
0x50: {  	v20 =	vld [tilespmem:s10+$0xFFFFFFF0]  }
0x51: {  	v21 =	vld [tilespmem:s11+$0xFFFFFFF0];
	v14 =	vmul.f32 v15, v14  }
0x52: {  	v22 =	vld [tilespmem:s11+$0x0]  }
0x53: {  	v23 =	vld [tilespmem:s11+$0x10];
	v16 =	vmul.f32 v17, v16;
	v14 =	vmul.f32 v14, v5  }
0x54: {  	v15 =	vld [tilespmem:s10+$0x0]  }
0x55: {  	v24 =	vld [tilespmem:s11+$0x20];
	v18 =	vmul.f32 v19, v18;
	v16 =	vmul.f32 v16, v6;
	v14 =	vadd.f32 $0.0e+00, v14  }
0x56: {  	v17 =	vld [tilespmem:s10+$0x10]  }
0x57: {  	v19 =	vld [tilespmem:s10+$0x20];
	v20 =	vmul.f32 v21, v20;
	v14 =	vadd.f32 v16, v14;
	v16 =	vmul.f32 v18, v7  }
0x58: {  	s7 =	sadd.s32 $0x80, s11;
	v21 =	vld [tilespmem:s11+$0x30]  }
0x59: {  	v15 =	vmul.f32 v22, v15;
	v22 =	vld [tilespmem:s7+$0xFFFFFFC0];
	v14 =	vadd.f32 v16, v14;
	v16 =	vmul.f32 v20, v8  }
0x5a: {  	v18 =	vld [tilespmem:s10+$0x30]  }
0x5b: {  	s6 =	sadd.s32 $0x80, s10;
	v17 =	vmul.f32 v23, v17;
	v23 =	vld [tilespmem:s7+$0xFFFFFFD0];
	v15 =	vmul.f32 v15, v9;
	v14 =	vadd.f32 v16, v14  }
0x5c: {  	v20 =	vld [tilespmem:s6+$0xFFFFFFC0]  }
0x5d: {  	v19 =	vmul.f32 v24, v19;
	v16 =	vld [tilespmem:s6+$0xFFFFFFD0];
	v14 =	vadd.f32 v15, v14;
	v15 =	vmul.f32 v17, v10  }
0x5e: {  	v24 =	vld [tilespmem:s7+$0xFFFFFFE0]  }
0x5f: {  	v18 =	vmul.f32 v21, v18;
	v21 =	vld [tilespmem:s7+$0xFFFFFFF0];
	v14 =	vadd.f32 v15, v14;
	v15 =	vmul.f32 v19, v11  }
0x60: {  	v17 =	vld [tilespmem:s6+$0xFFFFFFE0]  }
0x61: {  	v20 =	vmul.f32 v22, v20;
	v19 =	vld [tilespmem:s6+$0xFFFFFFF0];
	v14 =	vadd.f32 v15, v14;
	v15 =	vmul.f32 v18, v12  }
0x62: {  	v22 =	vld [tilespmem:s7+$0x0];
	v16 =	vmul.f32 v23, v16  }
0x63: {  	v20 =	vmul.f32 v20, v5;
	v23 =	vld [tilespmem:s6+$0x10];
	v14 =	vadd.f32 v15, v14  }
0x64: {  	v18 =	vld [tilespmem:s6+$0x0];
	v15 =	vmul.f32 v16, v6  }
0x65: {  	v16 =	vmul.f32 v24, v17;
	v17 =	vadd.f32 $0.0e+00, v20;
	v20 =	vld [tilespmem:s7+$0x10];
	v24 =	vperm.xlane v14, v0  }
0x66: {  	v25 =	vld [tilespmem:s6+$0x20];
	v19 =	vmul.f32 v21, v19  }
0x67: {  	v26 =	vld [tilespmem:s7+$0x20];
	v17 =	vadd.f32 v15, v17;
	v16 =	vmul.f32 v16, v7;
	v24 =	vadd.f32 v14, v24  }
0x68: {  	v15 =	vld [tilespmem:s6+$0x30];
	v19 =	vmul.f32 v19, v8  }
0x69: {  	s6 =	sadd.s32 $0x80, s6;
	v22 =	vmul.f32 v22, v18;
	v16 =	vadd.f32 v16, v17;
	v17 =	vld [tilespmem:s7+$0x30];
	v27 =	vperm.xlane v24, v1  }
0x6a: {  	v21 =	vld [tilespmem:s6+$0xFFFFFFC0];
	s7 =	sadd.s32 $0x80, s7;
	v18 =	vmul.f32 v20, v23  }
0x6b: {  	s21 =	simm.s32 $0x0;
	v23 =	vld [tilespmem:s7+$0xFFFFFFC0];
	v22 =	vmul.f32 v22, v9;
	v20 =	vadd.f32 v19, v16;
	v16 =	vadd.f32 v24, v27  }
0x6c: {  	s19 =	simm.s32 $0x1;
	s17 =	simm.s32 $0x2;
	s8 =	simm.s32 $0x3;
	v14 =	vimm.f32 $0.0e+00;
	v19 =	vmul.f32 v26, v25;
	v24 =	vld [tilespmem:s6+$0xFFFFFFD0]  }
.LBB2_3:
0x6d: {  	p0 =	sne.s32 s8, $0xF;
	v25 =	vld [tilespmem:s7+$0xFFFFFFD0];
	v20 =	vadd.f32 v22, v20;
	v18 =	vmul.f32 v18, v10;
	v22 =	vperm.xlane v16, v2  }
0x6e: {  	v26 =	vld [tilespmem:s6+$0xFFFFFFE0];
	v15 =	vmul.f32 v17, v15  }
0x6f: {  	v19 =	vmul.f32 v19, v11;
	v17 =	vld [tilespmem:s7+$0xFFFFFFE0];
	v18 =	vadd.f32 v18, v20;
	v16 =	vadd.f32 v16, v22  }
0x70: {  	v20 =	vmul.f32 v23, v21;
	v21 =	vld [tilespmem:s6+$0xFFFFFFF0]  }
0x71: {  	v15 =	vmul.f32 v15, v12;
	v22 =	vld [tilespmem:s7+$0xFFFFFFF0];
	v18 =	vadd.f32 v19, v18;
	v19 =	vperm.xlane v16, v3  }
0x72: {  	v23 =	vmul.f32 v25, v24;
	v24 =	vld [tilespmem:s6+$0x0];
	v25 =	vmov s21;
	s21 =	smov.u32 s19;
	s19 =	smov.u32 s17;
	s17 =	smov.u32 s8  }
0x73: {  	v20 =	vmul.f32 v20, v5;
	v27 =	vld [tilespmem:s7+$0x0];
	v15 =	vadd.f32 v15, v18;
	v16 =	vadd.f32 v16, v19  }
0x74: {  	vm0 =	veq.s32 v25, v4;
	v18 =	vmul.f32 v23, v6;
	v17 =	vmul.f32 v17, v26;
	v19 =	vld [tilespmem:s6+$0x10]  }
0x75: {  	v20 =	vadd.f32 $0.0e+00, v20;
	v23 =	vld [tilespmem:s7+$0x10];
	v25 =	vperm.xlane v15, v0;
	v14 =	vsel vm0, v16, v14  }
0x76: {  	v16 =	vmul.f32 v22, v21;
	v26 =	vld [tilespmem:s6+$0x20]  }
0x77: {  	v18 =	vadd.f32 v18, v20;
	v17 =	vmul.f32 v17, v7;
	v28 =	vld [tilespmem:s7+$0x20];
	v25 =	vadd.f32 v15, v25  }
.Ltmp0:
0x78: {  	v22 =	vmul.f32 v27, v24;
	v15 =	vld [tilespmem:s6+$0x30];
	(pc) =	sbr.rel @p0 .LBB2_3-.Ltmp0, $4  }
0x79: {  	v20 =	vadd.f32 v17, v18;
	v16 =	vmul.f32 v16, v8;
	s6 =	sadd.s32 $0x80, s6;
	v17 =	vld [tilespmem:s7+$0x30];
	v24 =	vperm.xlane v25, v1  }
0x7a: {  	s7 =	sadd.s32 $0x80, s7;
	v21 =	vld [tilespmem:s6+$0xFFFFFFC0];
	v18 =	vmul.f32 v23, v19  }
0x7b: {  	v20 =	vadd.f32 v16, v20;
	v22 =	vmul.f32 v22, v9;
	v23 =	vld [tilespmem:s7+$0xFFFFFFC0];
	v16 =	vadd.f32 v25, v24  }
0x7c: {  	s8 =	sadd.s32 $0x1, s8;
	v24 =	vld [tilespmem:s6+$0xFFFFFFD0];
	v19 =	vmul.f32 v28, v26  }
0x7d: {  	v25 =	vld [tilespmem:s7+$0xFFFFFFD0]  }
0x7e: {  	v26 =	vld [tilespmem:s6+$0xFFFFFFE0]  }
0x7f: {  	v27 =	vld [tilespmem:s7+$0xFFFFFFE0]  }
0x80: {  	v39 =	vld [tilespmem:s6+$0xFFFFFFF0];
	v21 =	vmul.f32 v23, v21  }
0x81: {  	v28 =	vld [tilespmem:s7+$0xFFFFFFF0]  }
0x82: {  	v40 =	vld [tilespmem:s6+$0x0];
	v24 =	vmul.f32 v25, v24;
	v21 =	vmul.f32 v21, v5  }
0x83: {  	v29 =	vld [tilespmem:s7+$0x0]  }
0x84: {  	v41 =	vld [tilespmem:s6+$0x10];
	v26 =	vmul.f32 v27, v26;
	v24 =	vmul.f32 v24, v6;
	v21 =	vadd.f32 $0.0e+00, v21  }
0x85: {  	v30 =	vld [tilespmem:s7+$0x10]  }
0x86: {  	v42 =	vld [tilespmem:s6+$0x20];
	v23 =	vmul.f32 v28, v39;
	v43 =	vmul.f32 v26, v7;
	v21 =	vadd.f32 v24, v21  }
0x87: {  	v44 =	vld [tilespmem:s7+$0x20]  }
0x88: {  	v45 =	vld [tilespmem:s6+$0x30];
	v25 =	vmul.f32 v29, v40;
	v23 =	vmul.f32 v23, v8;
	v21 =	vadd.f32 v43, v21  }
0x89: {  	v46 =	vld [tilespmem:s7+$0x30]  }
0x8a: {  	v27 =	vmul.f32 v30, v41;
	v47 =	vmul.f32 v25, v9;
	v21 =	vadd.f32 v23, v21  }
0x8b: {  	v20 =	vadd.f32 v22, v20;
	v18 =	vmul.f32 v18, v10  }
0x8c: {  	v48 =	vmul.f32 v44, v42;
	v49 =	vmul.f32 v27, v10;
	v21 =	vadd.f32 v47, v21  }
0x8d: {  	v15 =	vmul.f32 v17, v15;
	v51 =	vmul.f32 v19, v11;
	v50 =	vadd.f32 v18, v20  }
0x8e: {  	v52 =	vmul.f32 v46, v45;
	v54 =	vmul.f32 v48, v11;
	v53 =	vadd.f32 v49, v21  }
0x8f: {  	v15 =	vmul.f32 v15, v12;
	v17 =	vadd.f32 v51, v50  }
0x90: {  	v19 =	vmul.f32 v52, v12;
	v55 =	vadd.f32 v54, v53  }
0x91: {  	v15 =	vadd.f32 v15, v17  }
0x92: {  	v56 =	vadd.f32 v19, v55  }
0x93: {  	v57 =	vperm.xlane v15, v0  }
0x94: {  	v19 =	vperm.xlane v56, v0  }
0x95: {  	v15 =	vadd.f32 v15, v57  }
0x96: {  	v17 =	vadd.f32 v56, v19  }
0x97: {  	v18 =	vperm.xlane v15, v1  }
0x98: {  	v19 =	vperm.xlane v17, v1  }
0x99: {  	v15 =	vadd.f32 v15, v18  }
0x9a: {  	v58 =	vperm.xlane v16, v2;
	v17 =	vadd.f32 v17, v19  }
0x9b: {  	v18 =	vperm.xlane v15, v2  }
0x9c: {  	v16 =	vadd.f32 v16, v58;
	v19 =	vperm.xlane v17, v2  }
0x9d: {  	v15 =	vadd.f32 v15, v18  }
0x9e: {  	v20 =	vperm.xlane v16, v3;
	v17 =	vadd.f32 v17, v19  }
0x9f: {  	v59 =	vmov s21;
	v60 =	vperm.xlane v15, v3  }
0xa0: {  	v62 =	vmov s19;
	v16 =	vadd.f32 v16, v20;
	v61 =	vperm.xlane v17, v3  }
0xa1: {  	v63 =	vmov s17;
	vm0 =	veq.s32 v59, v4;
	v15 =	vadd.f32 v15, v60  }
0xa2: {  	vm14 =	veq.s32 v62, v4;
	v14 =	vsel vm0, v16, v14;
	v17 =	vadd.f32 v17, v61  }
0xa3: {  	vm15 =	veq.s32 v63, v4;
	v14 =	vsel vm14, v15, v14  }
0xa4: {  	v14 =	vsel vm15, v17, v14  }
0xa5: {  	v14 =	vadd.f32 v14, v13;
	_ =	sdelay $0x1  }
0xa6: {  	v14 =	vsub.f32 $0.0e+00, v14;
	_ =	sdelay $0x1  }
0xa7: {  	v14 =	vmul.f32 $1.442695020e+00, v14;
	_ =	sdelay $0x1  }
0xa8: {  	(erf) = vpow2.f32 v14;
	_ =	sdelay $0x8  }
0xa9: {  	v14 =	vpop (erf)  }
0xaa: {  	v14 =	vadd.f32 $1.000000000e+00, v14;
	_ =	sdelay $0x1  }
0xab: {  	(erf) = vrcp.f32 v14;
	_ =	sdelay $0x3  }
0xac: {  	s21 =	sshll.u32 s16, $0x4;
	s16 =	sadd.s32 $0x1, s16  }
0xad: {  	p0 =	sne.s32 s16, $0x4  }
.Ltmp1:
0xae: {  	_ = 	snop;
	(pc) =	sbr.rel @p0 .LBB2_2-.Ltmp1, $3  }
0xaf: {  	_ =	sdelay $0x1  }
0xb0: {  	s6 =	sand.u32 $0x3FFFFFF0, s21;
	v14 =	vpop (erf)  }
0xb1: {  	s10 =	sadd.s32 $0x800, s10;
	s11 =	sadd.s32 $0x800, s11;
	[tilespmem:s6+$0xC880] =	vst v14  }
0xb2: {  	s6 =	simm.s32 $0x80;
	s7 =	simm.s32 $0xC380  }
0xb3: {  	[tilespmem:s6], [sflag:$0x5] =	stream.indirect.gather [hbm4b:s1+s15], $0x80, s7, s15, $0xb8;
	[tilespmem:$0x18B00] =	vst v63  }
0xb4: {  	s19 =	simm.s32 $0xCA80;
	s21 =	simm.s32 $0xC780  }
0xb5: {  	[tilespmem:s19], [sflag:$0x6] =	stream.indirect.gather [hbm4b:s1+s15], $0x80, s21, s15, $0xb8;
	[tilespmem:$0x18B00] =	vst v63  }
0xb6: {  	_ =	swait.ge [sflag:s29], $0x2000  }
0xb7: {  	[sflag:s29] =	ssyncset.done $0x0  }
0xb8: {  	[sflag:s29] =	ssyncadd.s32 $0xFFFFE000  }
0xb9: {  	_ =	swait.ge [sflag:s30], $0x2000  }
0xba: {  	s10 =	simm.s32 $0x0;
	[sflag:s30] =	ssyncset.done $0x0  }
0xbb: {  	s11 =	simm.s32 $0x20C0;
	s16 =	simm.s32 $0xEAC0;
	[sflag:s30] =	ssyncadd.s32 $0xFFFFE000  }
.LBB2_6:
0xbc: {  	v14 =	vld [tilespmem:s11+$0xFFFFFFC0]  }
0xbd: {  	v15 =	vld [tilespmem:s16+$0xFFFFFFC0]  }
0xbe: {  	v16 =	vld [tilespmem:s11+$0xFFFFFFD0]  }
0xbf: {  	v17 =	vld [tilespmem:s16+$0xFFFFFFD0]  }
0xc0: {  	v18 =	vld [tilespmem:s11+$0xFFFFFFE0]  }
0xc1: {  	v19 =	vld [tilespmem:s16+$0xFFFFFFE0]  }
0xc2: {  	v20 =	vld [tilespmem:s11+$0xFFFFFFF0]  }
0xc3: {  	v21 =	vld [tilespmem:s16+$0xFFFFFFF0];
	v14 =	vmul.f32 v15, v14  }
0xc4: {  	v22 =	vld [tilespmem:s16+$0x0]  }
0xc5: {  	v23 =	vld [tilespmem:s16+$0x10];
	v16 =	vmul.f32 v17, v16;
	v14 =	vmul.f32 v14, v5  }
0xc6: {  	v15 =	vld [tilespmem:s11+$0x0]  }
0xc7: {  	v24 =	vld [tilespmem:s16+$0x20];
	v18 =	vmul.f32 v19, v18;
	v16 =	vmul.f32 v16, v6;
	v14 =	vadd.f32 $0.0e+00, v14  }
0xc8: {  	v17 =	vld [tilespmem:s11+$0x10]  }
0xc9: {  	v19 =	vld [tilespmem:s11+$0x20];
	v20 =	vmul.f32 v21, v20;
	v14 =	vadd.f32 v16, v14;
	v16 =	vmul.f32 v18, v7  }
0xca: {  	s7 =	sadd.s32 $0x80, s16;
	v21 =	vld [tilespmem:s16+$0x30]  }
0xcb: {  	v15 =	vmul.f32 v22, v15;
	v22 =	vld [tilespmem:s7+$0xFFFFFFC0];
	v14 =	vadd.f32 v16, v14;
	v16 =	vmul.f32 v20, v8  }
0xcc: {  	v18 =	vld [tilespmem:s11+$0x30]  }
0xcd: {  	s6 =	sadd.s32 $0x80, s11;
	v17 =	vmul.f32 v23, v17;
	v23 =	vld [tilespmem:s7+$0xFFFFFFD0];
	v15 =	vmul.f32 v15, v9;
	v14 =	vadd.f32 v16, v14  }
0xce: {  	v20 =	vld [tilespmem:s6+$0xFFFFFFC0]  }
0xcf: {  	v19 =	vmul.f32 v24, v19;
	v16 =	vld [tilespmem:s6+$0xFFFFFFD0];
	v14 =	vadd.f32 v15, v14;
	v15 =	vmul.f32 v17, v10  }
0xd0: {  	v24 =	vld [tilespmem:s7+$0xFFFFFFE0]  }
0xd1: {  	v18 =	vmul.f32 v21, v18;
	v21 =	vld [tilespmem:s7+$0xFFFFFFF0];
	v14 =	vadd.f32 v15, v14;
	v15 =	vmul.f32 v19, v11  }
0xd2: {  	v17 =	vld [tilespmem:s6+$0xFFFFFFE0]  }
0xd3: {  	v20 =	vmul.f32 v22, v20;
	v19 =	vld [tilespmem:s6+$0xFFFFFFF0];
	v14 =	vadd.f32 v15, v14;
	v15 =	vmul.f32 v18, v12  }
0xd4: {  	v22 =	vld [tilespmem:s7+$0x0];
	v16 =	vmul.f32 v23, v16  }
0xd5: {  	v20 =	vmul.f32 v20, v5;
	v23 =	vld [tilespmem:s6+$0x10];
	v14 =	vadd.f32 v15, v14  }
0xd6: {  	v18 =	vld [tilespmem:s6+$0x0];
	v15 =	vmul.f32 v16, v6  }
0xd7: {  	v16 =	vmul.f32 v24, v17;
	v17 =	vadd.f32 $0.0e+00, v20;
	v20 =	vld [tilespmem:s7+$0x10];
	v24 =	vperm.xlane v14, v0  }
0xd8: {  	v25 =	vld [tilespmem:s6+$0x20];
	v19 =	vmul.f32 v21, v19  }
0xd9: {  	v26 =	vld [tilespmem:s7+$0x20];
	v17 =	vadd.f32 v15, v17;
	v16 =	vmul.f32 v16, v7;
	v27 =	vadd.f32 v14, v24  }
0xda: {  	v15 =	vld [tilespmem:s6+$0x30];
	v19 =	vmul.f32 v19, v8  }
0xdb: {  	s6 =	sadd.s32 $0x80, s6;
	v22 =	vmul.f32 v22, v18;
	v16 =	vadd.f32 v16, v17;
	v17 =	vld [tilespmem:s7+$0x30];
	v28 =	vperm.xlane v27, v1  }
0xdc: {  	v21 =	vld [tilespmem:s6+$0xFFFFFFC0];
	s7 =	sadd.s32 $0x80, s7;
	v18 =	vmul.f32 v20, v23  }
0xdd: {  	s17 =	simm.s32 $0x1;
	v24 =	vld [tilespmem:s7+$0xFFFFFFC0];
	v22 =	vmul.f32 v22, v9;
	v20 =	vadd.f32 v19, v16;
	v16 =	vadd.f32 v27, v28  }
0xde: {  	s19 =	simm.s32 $0x2;
	s8 =	simm.s32 $0x3;
	s21 =	simm.s32 $0x0;
	v14 =	vimm.f32 $0.0e+00;
	v23 =	vld [tilespmem:s6+$0xFFFFFFD0];
	v19 =	vmul.f32 v26, v25  }
.LBB2_7:
0xdf: {  	p0 =	sne.s32 s8, $0xF;
	v25 =	vld [tilespmem:s7+$0xFFFFFFD0];
	v20 =	vadd.f32 v22, v20;
	v18 =	vmul.f32 v18, v10;
	v22 =	vperm.xlane v16, v2  }
0xe0: {  	v26 =	vld [tilespmem:s6+$0xFFFFFFE0];
	v15 =	vmul.f32 v17, v15  }
0xe1: {  	v19 =	vmul.f32 v19, v11;
	v17 =	vld [tilespmem:s7+$0xFFFFFFE0];
	v18 =	vadd.f32 v18, v20;
	v16 =	vadd.f32 v16, v22  }
0xe2: {  	v20 =	vmul.f32 v24, v21;
	v21 =	vld [tilespmem:s6+$0xFFFFFFF0]  }
0xe3: {  	v15 =	vmul.f32 v15, v12;
	v22 =	vld [tilespmem:s7+$0xFFFFFFF0];
	v18 =	vadd.f32 v19, v18;
	v19 =	vperm.xlane v16, v3  }
0xe4: {  	v23 =	vmul.f32 v25, v23;
	v24 =	vld [tilespmem:s6+$0x0];
	v25 =	vmov s21;
	s21 =	smov.u32 s17;
	s17 =	smov.u32 s19;
	s19 =	smov.u32 s8  }
0xe5: {  	v20 =	vmul.f32 v20, v5;
	v27 =	vld [tilespmem:s7+$0x0];
	v15 =	vadd.f32 v15, v18;
	v16 =	vadd.f32 v16, v19  }
0xe6: {  	vm0 =	veq.s32 v25, v4;
	v18 =	vmul.f32 v23, v6;
	v17 =	vmul.f32 v17, v26;
	v19 =	vld [tilespmem:s6+$0x10]  }
0xe7: {  	v20 =	vadd.f32 $0.0e+00, v20;
	v23 =	vld [tilespmem:s7+$0x10];
	v25 =	vperm.xlane v15, v0;
	v14 =	vsel vm0, v16, v14  }
0xe8: {  	v16 =	vmul.f32 v22, v21;
	v26 =	vld [tilespmem:s6+$0x20]  }
0xe9: {  	v18 =	vadd.f32 v18, v20;
	v17 =	vmul.f32 v17, v7;
	v28 =	vld [tilespmem:s7+$0x20];
	v25 =	vadd.f32 v15, v25  }
.Ltmp2:
0xea: {  	v22 =	vmul.f32 v27, v24;
	v15 =	vld [tilespmem:s6+$0x30];
	(pc) =	sbr.rel @p0 .LBB2_7-.Ltmp2, $4  }
0xeb: {  	v20 =	vadd.f32 v17, v18;
	v16 =	vmul.f32 v16, v8;
	s6 =	sadd.s32 $0x80, s6;
	v17 =	vld [tilespmem:s7+$0x30];
	v27 =	vperm.xlane v25, v1  }
0xec: {  	s7 =	sadd.s32 $0x80, s7;
	v21 =	vld [tilespmem:s6+$0xFFFFFFC0];
	v18 =	vmul.f32 v23, v19  }
0xed: {  	v20 =	vadd.f32 v16, v20;
	v22 =	vmul.f32 v22, v9;
	v24 =	vld [tilespmem:s7+$0xFFFFFFC0];
	v16 =	vadd.f32 v25, v27  }
0xee: {  	s8 =	sadd.s32 $0x1, s8;
	v23 =	vld [tilespmem:s6+$0xFFFFFFD0];
	v19 =	vmul.f32 v28, v26  }
0xef: {  	v25 =	vld [tilespmem:s7+$0xFFFFFFD0]  }
0xf0: {  	v26 =	vld [tilespmem:s6+$0xFFFFFFE0]  }
0xf1: {  	v27 =	vld [tilespmem:s7+$0xFFFFFFE0]  }
0xf2: {  	v38 =	vld [tilespmem:s6+$0xFFFFFFF0];
	v21 =	vmul.f32 v24, v21  }
0xf3: {  	v28 =	vld [tilespmem:s7+$0xFFFFFFF0]  }
0xf4: {  	v39 =	vld [tilespmem:s6+$0x0];
	v23 =	vmul.f32 v25, v23;
	v21 =	vmul.f32 v21, v5  }
0xf5: {  	v29 =	vld [tilespmem:s7+$0x0]  }
0xf6: {  	v40 =	vld [tilespmem:s6+$0x10];
	v26 =	vmul.f32 v27, v26;
	v23 =	vmul.f32 v23, v6;
	v21 =	vadd.f32 $0.0e+00, v21  }
0xf7: {  	v30 =	vld [tilespmem:s7+$0x10]  }
0xf8: {  	v41 =	vld [tilespmem:s6+$0x20];
	v24 =	vmul.f32 v28, v38;
	v42 =	vmul.f32 v26, v7;
	v21 =	vadd.f32 v23, v21  }
0xf9: {  	v43 =	vld [tilespmem:s7+$0x20]  }
0xfa: {  	v44 =	vld [tilespmem:s6+$0x30];
	v25 =	vmul.f32 v29, v39;
	v45 =	vmul.f32 v24, v8;
	v21 =	vadd.f32 v42, v21  }
0xfb: {  	v46 =	vld [tilespmem:s7+$0x30]  }
0xfc: {  	v27 =	vmul.f32 v30, v40;
	v47 =	vmul.f32 v25, v9;
	v21 =	vadd.f32 v45, v21  }
0xfd: {  	v20 =	vadd.f32 v22, v20;
	v18 =	vmul.f32 v18, v10  }
0xfe: {  	v48 =	vmul.f32 v43, v41;
	v49 =	vmul.f32 v27, v10;
	v21 =	vadd.f32 v47, v21  }
0xff: {  	v15 =	vmul.f32 v17, v15;
	v51 =	vmul.f32 v19, v11;
	v50 =	vadd.f32 v18, v20  }
0x100: {  	v52 =	vmul.f32 v46, v44;
	v54 =	vmul.f32 v48, v11;
	v53 =	vadd.f32 v49, v21  }
0x101: {  	v15 =	vmul.f32 v15, v12;
	v17 =	vadd.f32 v51, v50  }
0x102: {  	v19 =	vmul.f32 v52, v12;
	v55 =	vadd.f32 v54, v53  }
0x103: {  	v15 =	vadd.f32 v15, v17  }
0x104: {  	v56 =	vadd.f32 v19, v55  }
0x105: {  	v57 =	vperm.xlane v15, v0  }
0x106: {  	v19 =	vperm.xlane v56, v0  }
0x107: {  	v15 =	vadd.f32 v15, v57  }
0x108: {  	v17 =	vadd.f32 v56, v19  }
0x109: {  	v18 =	vperm.xlane v15, v1  }
0x10a: {  	v19 =	vperm.xlane v17, v1  }
0x10b: {  	v15 =	vadd.f32 v15, v18  }
0x10c: {  	v58 =	vperm.xlane v16, v2;
	v17 =	vadd.f32 v17, v19  }
0x10d: {  	v18 =	vperm.xlane v15, v2  }
0x10e: {  	v16 =	vadd.f32 v16, v58;
	v19 =	vperm.xlane v17, v2  }
0x10f: {  	v15 =	vadd.f32 v15, v18  }
0x110: {  	v20 =	vperm.xlane v16, v3;
	v17 =	vadd.f32 v17, v19  }
0x111: {  	v59 =	vmov s21;
	v60 =	vperm.xlane v15, v3  }
0x112: {  	v62 =	vmov s17;
	v16 =	vadd.f32 v16, v20;
	v61 =	vperm.xlane v17, v3  }
0x113: {  	v63 =	vmov s19;
	vm0 =	veq.s32 v59, v4;
	v15 =	vadd.f32 v15, v60  }
0x114: {  	vm14 =	veq.s32 v62, v4;
	v14 =	vsel vm0, v16, v14;
	v17 =	vadd.f32 v17, v61  }
0x115: {  	vm15 =	veq.s32 v63, v4;
	v14 =	vsel vm14, v15, v14  }
0x116: {  	v14 =	vsel vm15, v17, v14  }
0x117: {  	v14 =	vadd.f32 v14, v13;
	_ =	sdelay $0x1  }
0x118: {  	v14 =	vsub.f32 $0.0e+00, v14;
	_ =	sdelay $0x1  }
0x119: {  	v14 =	vmul.f32 $1.442695020e+00, v14;
	_ =	sdelay $0x1  }
0x11a: {  	(erf) = vpow2.f32 v14;
	_ =	sdelay $0x8  }
0x11b: {  	v14 =	vpop (erf)  }
0x11c: {  	v14 =	vadd.f32 $1.000000000e+00, v14;
	_ =	sdelay $0x1  }
0x11d: {  	(erf) = vrcp.f32 v14;
	_ =	sdelay $0x3  }
0x11e: {  	s21 =	sshll.u32 s10, $0x4;
	s10 =	sadd.s32 $0x1, s10  }
0x11f: {  	p0 =	sne.s32 s10, $0x4  }
.Ltmp3:
0x120: {  	_ = 	snop;
	(pc) =	sbr.rel @p0 .LBB2_6-.Ltmp3, $3  }
0x121: {  	_ =	sdelay $0x1  }
0x122: {  	s6 =	sand.u32 $0x3FFFFFF0, s21;
	v14 =	vpop (erf)  }
0x123: {  	s11 =	sadd.s32 $0x800, s11;
	s16 =	sadd.s32 $0x800, s16;
	[tilespmem:s6+$0xC8C0] =	vst v14  }
0x124: {  	s6 =	simm.s32 $0x2080;
	s7 =	simm.s32 $0xC400  }
0x125: {  	[tilespmem:s6], [sflag:$0x7] =	stream.indirect.gather [hbm4b:s1+s15], $0x80, s7, s15, $0xb8;
	[tilespmem:$0x18B00] =	vst v63  }
0x126: {  	s19 =	simm.s32 $0xEA80;
	s21 =	simm.s32 $0xC800  }
0x127: {  	[tilespmem:s19], [sflag:$0x8] =	stream.indirect.gather [hbm4b:s1+s15], $0x80, s21, s15, $0xb8;
	[tilespmem:$0x18B00] =	vst v63  }
0x128: {  	_ =	swait.ge [sflag:s2], $0x2000  }
0x129: {  	[sflag:s2] =	ssyncset.done $0x0  }
0x12a: {  	[sflag:s2] =	ssyncadd.s32 $0xFFFFE000  }
0x12b: {  	_ =	swait.ge [sflag:s3], $0x2000  }
0x12c: {  	s10 =	simm.s32 $0x0;
	[sflag:s3] =	ssyncset.done $0x0  }
0x12d: {  	s11 =	simm.s32 $0x40C0;
	s16 =	simm.s32 $0x10AC0;
	[sflag:s3] =	ssyncadd.s32 $0xFFFFE000  }
.LBB2_10:
0x12e: {  	v14 =	vld [tilespmem:s11+$0xFFFFFFC0]  }
0x12f: {  	v15 =	vld [tilespmem:s16+$0xFFFFFFC0]  }
0x130: {  	v16 =	vld [tilespmem:s11+$0xFFFFFFD0]  }
0x131: {  	v17 =	vld [tilespmem:s16+$0xFFFFFFD0]  }
0x132: {  	v18 =	vld [tilespmem:s11+$0xFFFFFFE0]  }
0x133: {  	v19 =	vld [tilespmem:s16+$0xFFFFFFE0]  }
0x134: {  	v20 =	vld [tilespmem:s11+$0xFFFFFFF0]  }
0x135: {  	v21 =	vld [tilespmem:s16+$0xFFFFFFF0];
	v14 =	vmul.f32 v15, v14  }
0x136: {  	v22 =	vld [tilespmem:s16+$0x0]  }
0x137: {  	v23 =	vld [tilespmem:s16+$0x10];
	v16 =	vmul.f32 v17, v16;
	v14 =	vmul.f32 v14, v5  }
0x138: {  	v15 =	vld [tilespmem:s11+$0x0]  }
0x139: {  	v24 =	vld [tilespmem:s16+$0x20];
	v18 =	vmul.f32 v19, v18;
	v16 =	vmul.f32 v16, v6;
	v14 =	vadd.f32 $0.0e+00, v14  }
0x13a: {  	v17 =	vld [tilespmem:s11+$0x10]  }
0x13b: {  	v19 =	vld [tilespmem:s11+$0x20];
	v20 =	vmul.f32 v21, v20;
	v14 =	vadd.f32 v16, v14;
	v16 =	vmul.f32 v18, v7  }
0x13c: {  	s7 =	sadd.s32 $0x80, s16;
	v21 =	vld [tilespmem:s16+$0x30]  }
0x13d: {  	v15 =	vmul.f32 v22, v15;
	v22 =	vld [tilespmem:s7+$0xFFFFFFC0];
	v14 =	vadd.f32 v16, v14;
	v16 =	vmul.f32 v20, v8  }
0x13e: {  	v18 =	vld [tilespmem:s11+$0x30]  }
0x13f: {  	s6 =	sadd.s32 $0x80, s11;
	v17 =	vmul.f32 v23, v17;
	v23 =	vld [tilespmem:s7+$0xFFFFFFD0];
	v15 =	vmul.f32 v15, v9;
	v14 =	vadd.f32 v16, v14  }
0x140: {  	v20 =	vld [tilespmem:s6+$0xFFFFFFC0]  }
0x141: {  	v19 =	vmul.f32 v24, v19;
	v16 =	vld [tilespmem:s6+$0xFFFFFFD0];
	v14 =	vadd.f32 v15, v14;
	v15 =	vmul.f32 v17, v10  }
0x142: {  	v24 =	vld [tilespmem:s7+$0xFFFFFFE0]  }
0x143: {  	v18 =	vmul.f32 v21, v18;
	v21 =	vld [tilespmem:s7+$0xFFFFFFF0];
	v14 =	vadd.f32 v15, v14;
	v15 =	vmul.f32 v19, v11  }
0x144: {  	v17 =	vld [tilespmem:s6+$0xFFFFFFE0]  }
0x145: {  	v20 =	vmul.f32 v22, v20;
	v19 =	vld [tilespmem:s6+$0xFFFFFFF0];
	v14 =	vadd.f32 v15, v14;
	v15 =	vmul.f32 v18, v12  }
0x146: {  	v22 =	vld [tilespmem:s7+$0x0];
	v16 =	vmul.f32 v23, v16  }
0x147: {  	v20 =	vmul.f32 v20, v5;
	v23 =	vld [tilespmem:s6+$0x10];
	v14 =	vadd.f32 v15, v14  }
0x148: {  	v18 =	vld [tilespmem:s6+$0x0];
	v15 =	vmul.f32 v16, v6  }
0x149: {  	v16 =	vmul.f32 v24, v17;
	v17 =	vadd.f32 $0.0e+00, v20;
	v20 =	vld [tilespmem:s7+$0x10];
	v24 =	vperm.xlane v14, v0  }
0x14a: {  	v25 =	vld [tilespmem:s6+$0x20];
	v19 =	vmul.f32 v21, v19  }
0x14b: {  	v26 =	vld [tilespmem:s7+$0x20];
	v17 =	vadd.f32 v15, v17;
	v16 =	vmul.f32 v16, v7;
	v27 =	vadd.f32 v14, v24  }
0x14c: {  	v15 =	vld [tilespmem:s6+$0x30];
	v19 =	vmul.f32 v19, v8  }
0x14d: {  	s6 =	sadd.s32 $0x80, s6;
	v22 =	vmul.f32 v22, v18;
	v16 =	vadd.f32 v16, v17;
	v17 =	vld [tilespmem:s7+$0x30];
	v28 =	vperm.xlane v27, v1  }
0x14e: {  	v21 =	vld [tilespmem:s6+$0xFFFFFFC0];
	s7 =	sadd.s32 $0x80, s7;
	v18 =	vmul.f32 v20, v23  }
0x14f: {  	s17 =	simm.s32 $0x1;
	v24 =	vld [tilespmem:s7+$0xFFFFFFC0];
	v22 =	vmul.f32 v22, v9;
	v20 =	vadd.f32 v19, v16;
	v16 =	vadd.f32 v27, v28  }
0x150: {  	s19 =	simm.s32 $0x2;
	s8 =	simm.s32 $0x3;
	s21 =	simm.s32 $0x0;
	v14 =	vimm.f32 $0.0e+00;
	v23 =	vld [tilespmem:s6+$0xFFFFFFD0];
	v19 =	vmul.f32 v26, v25  }
.LBB2_11:
0x151: {  	p0 =	sne.s32 s8, $0xF;
	v25 =	vld [tilespmem:s7+$0xFFFFFFD0];
	v20 =	vadd.f32 v22, v20;
	v18 =	vmul.f32 v18, v10;
	v22 =	vperm.xlane v16, v2  }
0x152: {  	v26 =	vld [tilespmem:s6+$0xFFFFFFE0];
	v15 =	vmul.f32 v17, v15  }
0x153: {  	v19 =	vmul.f32 v19, v11;
	v17 =	vld [tilespmem:s7+$0xFFFFFFE0];
	v18 =	vadd.f32 v18, v20;
	v16 =	vadd.f32 v16, v22  }
0x154: {  	v20 =	vmul.f32 v24, v21;
	v21 =	vld [tilespmem:s6+$0xFFFFFFF0]  }
0x155: {  	v15 =	vmul.f32 v15, v12;
	v22 =	vld [tilespmem:s7+$0xFFFFFFF0];
	v18 =	vadd.f32 v19, v18;
	v19 =	vperm.xlane v16, v3  }
0x156: {  	v23 =	vmul.f32 v25, v23;
	v24 =	vld [tilespmem:s6+$0x0];
	v25 =	vmov s21;
	s21 =	smov.u32 s17;
	s17 =	smov.u32 s19;
	s19 =	smov.u32 s8  }
0x157: {  	v20 =	vmul.f32 v20, v5;
	v27 =	vld [tilespmem:s7+$0x0];
	v15 =	vadd.f32 v15, v18;
	v16 =	vadd.f32 v16, v19  }
0x158: {  	vm0 =	veq.s32 v25, v4;
	v18 =	vmul.f32 v23, v6;
	v17 =	vmul.f32 v17, v26;
	v19 =	vld [tilespmem:s6+$0x10]  }
0x159: {  	v20 =	vadd.f32 $0.0e+00, v20;
	v23 =	vld [tilespmem:s7+$0x10];
	v25 =	vperm.xlane v15, v0;
	v14 =	vsel vm0, v16, v14  }
0x15a: {  	v16 =	vmul.f32 v22, v21;
	v26 =	vld [tilespmem:s6+$0x20]  }
0x15b: {  	v18 =	vadd.f32 v18, v20;
	v17 =	vmul.f32 v17, v7;
	v28 =	vld [tilespmem:s7+$0x20];
	v25 =	vadd.f32 v15, v25  }
.Ltmp4:
0x15c: {  	v22 =	vmul.f32 v27, v24;
	v15 =	vld [tilespmem:s6+$0x30];
	(pc) =	sbr.rel @p0 .LBB2_11-.Ltmp4, $4  }
0x15d: {  	v20 =	vadd.f32 v17, v18;
	v16 =	vmul.f32 v16, v8;
	s6 =	sadd.s32 $0x80, s6;
	v17 =	vld [tilespmem:s7+$0x30];
	v27 =	vperm.xlane v25, v1  }
0x15e: {  	s7 =	sadd.s32 $0x80, s7;
	v21 =	vld [tilespmem:s6+$0xFFFFFFC0];
	v18 =	vmul.f32 v23, v19  }
0x15f: {  	v20 =	vadd.f32 v16, v20;
	v22 =	vmul.f32 v22, v9;
	v24 =	vld [tilespmem:s7+$0xFFFFFFC0];
	v16 =	vadd.f32 v25, v27  }
0x160: {  	s8 =	sadd.s32 $0x1, s8;
	v23 =	vld [tilespmem:s6+$0xFFFFFFD0];
	v19 =	vmul.f32 v28, v26  }
0x161: {  	v25 =	vld [tilespmem:s7+$0xFFFFFFD0]  }
0x162: {  	v26 =	vld [tilespmem:s6+$0xFFFFFFE0]  }
0x163: {  	v27 =	vld [tilespmem:s7+$0xFFFFFFE0]  }
0x164: {  	v38 =	vld [tilespmem:s6+$0xFFFFFFF0];
	v21 =	vmul.f32 v24, v21  }
0x165: {  	v28 =	vld [tilespmem:s7+$0xFFFFFFF0]  }
0x166: {  	v39 =	vld [tilespmem:s6+$0x0];
	v23 =	vmul.f32 v25, v23;
	v21 =	vmul.f32 v21, v5  }
0x167: {  	v29 =	vld [tilespmem:s7+$0x0]  }
0x168: {  	v40 =	vld [tilespmem:s6+$0x10];
	v26 =	vmul.f32 v27, v26;
	v23 =	vmul.f32 v23, v6;
	v21 =	vadd.f32 $0.0e+00, v21  }
0x169: {  	v30 =	vld [tilespmem:s7+$0x10]  }
0x16a: {  	v41 =	vld [tilespmem:s6+$0x20];
	v24 =	vmul.f32 v28, v38;
	v42 =	vmul.f32 v26, v7;
	v21 =	vadd.f32 v23, v21  }
0x16b: {  	v43 =	vld [tilespmem:s7+$0x20]  }
0x16c: {  	v44 =	vld [tilespmem:s6+$0x30];
	v25 =	vmul.f32 v29, v39;
	v45 =	vmul.f32 v24, v8;
	v21 =	vadd.f32 v42, v21  }
0x16d: {  	v46 =	vld [tilespmem:s7+$0x30]  }
0x16e: {  	v27 =	vmul.f32 v30, v40;
	v47 =	vmul.f32 v25, v9;
	v21 =	vadd.f32 v45, v21  }
0x16f: {  	v20 =	vadd.f32 v22, v20;
	v18 =	vmul.f32 v18, v10  }
0x170: {  	v48 =	vmul.f32 v43, v41;
	v49 =	vmul.f32 v27, v10;
	v21 =	vadd.f32 v47, v21  }
0x171: {  	v15 =	vmul.f32 v17, v15;
	v51 =	vmul.f32 v19, v11;
	v50 =	vadd.f32 v18, v20  }
0x172: {  	v52 =	vmul.f32 v46, v44;
	v54 =	vmul.f32 v48, v11;
	v53 =	vadd.f32 v49, v21  }
0x173: {  	v15 =	vmul.f32 v15, v12;
	v17 =	vadd.f32 v51, v50  }
0x174: {  	v19 =	vmul.f32 v52, v12;
	v55 =	vadd.f32 v54, v53  }
0x175: {  	v15 =	vadd.f32 v15, v17  }
0x176: {  	v56 =	vadd.f32 v19, v55  }
0x177: {  	v57 =	vperm.xlane v15, v0  }
0x178: {  	v19 =	vperm.xlane v56, v0  }
0x179: {  	v15 =	vadd.f32 v15, v57  }
0x17a: {  	v17 =	vadd.f32 v56, v19  }
0x17b: {  	v18 =	vperm.xlane v15, v1  }
0x17c: {  	v19 =	vperm.xlane v17, v1  }
0x17d: {  	v15 =	vadd.f32 v15, v18  }
0x17e: {  	v58 =	vperm.xlane v16, v2;
	v17 =	vadd.f32 v17, v19  }
0x17f: {  	v18 =	vperm.xlane v15, v2  }
0x180: {  	v16 =	vadd.f32 v16, v58;
	v19 =	vperm.xlane v17, v2  }
0x181: {  	v15 =	vadd.f32 v15, v18  }
0x182: {  	v20 =	vperm.xlane v16, v3;
	v17 =	vadd.f32 v17, v19  }
0x183: {  	v59 =	vmov s21;
	v60 =	vperm.xlane v15, v3  }
0x184: {  	v62 =	vmov s17;
	v16 =	vadd.f32 v16, v20;
	v61 =	vperm.xlane v17, v3  }
0x185: {  	v63 =	vmov s19;
	vm0 =	veq.s32 v59, v4;
	v15 =	vadd.f32 v15, v60  }
0x186: {  	vm14 =	veq.s32 v62, v4;
	v14 =	vsel vm0, v16, v14;
	v17 =	vadd.f32 v17, v61  }
0x187: {  	vm15 =	veq.s32 v63, v4;
	v14 =	vsel vm14, v15, v14  }
0x188: {  	v14 =	vsel vm15, v17, v14  }
0x189: {  	v14 =	vadd.f32 v14, v13;
	_ =	sdelay $0x1  }
0x18a: {  	v14 =	vsub.f32 $0.0e+00, v14;
	_ =	sdelay $0x1  }
0x18b: {  	v14 =	vmul.f32 $1.442695020e+00, v14;
	_ =	sdelay $0x1  }
0x18c: {  	(erf) = vpow2.f32 v14;
	_ =	sdelay $0x8  }
0x18d: {  	v14 =	vpop (erf)  }
0x18e: {  	v14 =	vadd.f32 $1.000000000e+00, v14;
	_ =	sdelay $0x1  }
0x18f: {  	(erf) = vrcp.f32 v14;
	_ =	sdelay $0x3  }
0x190: {  	s21 =	sshll.u32 s10, $0x4;
	s10 =	sadd.s32 $0x1, s10  }
0x191: {  	p0 =	sne.s32 s10, $0x4  }
.Ltmp5:
0x192: {  	_ = 	snop;
	(pc) =	sbr.rel @p0 .LBB2_10-.Ltmp5, $3  }
0x193: {  	_ =	sdelay $0x1  }
0x194: {  	s6 =	sand.u32 $0x3FFFFFF0, s21;
	v14 =	vpop (erf)  }
0x195: {  	s11 =	sadd.s32 $0x800, s11;
	s16 =	sadd.s32 $0x800, s16;
	[tilespmem:s6+$0xC900] =	vst v14  }
0x196: {  	_ =	swait.ge [sflag:s4], $0x2000  }
0x197: {  	[sflag:s4] =	ssyncset.done $0x0  }
0x198: {  	[sflag:s4] =	ssyncadd.s32 $0xFFFFE000  }
0x199: {  	_ =	swait.ge [sflag:s12], $0x2000  }
0x19a: {  	s10 =	simm.s32 $0x0;
	[sflag:s12] =	ssyncset.done $0x0  }
0x19b: {  	s11 =	simm.s32 $0x60C0;
	s16 =	simm.s32 $0x12AC0;
	[sflag:s12] =	ssyncadd.s32 $0xFFFFE000  }
.LBB2_14:
0x19c: {  	v14 =	vld [tilespmem:s11+$0xFFFFFFC0]  }
0x19d: {  	v15 =	vld [tilespmem:s16+$0xFFFFFFC0]  }
0x19e: {  	v16 =	vld [tilespmem:s11+$0xFFFFFFD0]  }
0x19f: {  	v17 =	vld [tilespmem:s16+$0xFFFFFFD0]  }
0x1a0: {  	v18 =	vld [tilespmem:s11+$0xFFFFFFE0]  }
0x1a1: {  	v19 =	vld [tilespmem:s16+$0xFFFFFFE0]  }
0x1a2: {  	v20 =	vld [tilespmem:s11+$0xFFFFFFF0]  }
0x1a3: {  	v21 =	vld [tilespmem:s16+$0xFFFFFFF0];
	v14 =	vmul.f32 v15, v14  }
0x1a4: {  	v22 =	vld [tilespmem:s16+$0x0]  }
0x1a5: {  	v23 =	vld [tilespmem:s16+$0x10];
	v16 =	vmul.f32 v17, v16;
	v14 =	vmul.f32 v14, v5  }
0x1a6: {  	v15 =	vld [tilespmem:s11+$0x0]  }
0x1a7: {  	v24 =	vld [tilespmem:s16+$0x20];
	v18 =	vmul.f32 v19, v18;
	v16 =	vmul.f32 v16, v6;
	v14 =	vadd.f32 $0.0e+00, v14  }
0x1a8: {  	v17 =	vld [tilespmem:s11+$0x10]  }
0x1a9: {  	v19 =	vld [tilespmem:s11+$0x20];
	v20 =	vmul.f32 v21, v20;
	v14 =	vadd.f32 v16, v14;
	v16 =	vmul.f32 v18, v7  }
0x1aa: {  	s7 =	sadd.s32 $0x80, s16;
	v21 =	vld [tilespmem:s16+$0x30]  }
0x1ab: {  	v15 =	vmul.f32 v22, v15;
	v22 =	vld [tilespmem:s7+$0xFFFFFFC0];
	v14 =	vadd.f32 v16, v14;
	v16 =	vmul.f32 v20, v8  }
0x1ac: {  	v18 =	vld [tilespmem:s11+$0x30]  }
0x1ad: {  	s6 =	sadd.s32 $0x80, s11;
	v17 =	vmul.f32 v23, v17;
	v23 =	vld [tilespmem:s7+$0xFFFFFFD0];
	v15 =	vmul.f32 v15, v9;
	v14 =	vadd.f32 v16, v14  }
0x1ae: {  	v20 =	vld [tilespmem:s6+$0xFFFFFFC0]  }
0x1af: {  	v19 =	vmul.f32 v24, v19;
	v16 =	vld [tilespmem:s6+$0xFFFFFFD0];
	v14 =	vadd.f32 v15, v14;
	v15 =	vmul.f32 v17, v10  }
0x1b0: {  	v24 =	vld [tilespmem:s7+$0xFFFFFFE0]  }
0x1b1: {  	v18 =	vmul.f32 v21, v18;
	v21 =	vld [tilespmem:s7+$0xFFFFFFF0];
	v14 =	vadd.f32 v15, v14;
	v15 =	vmul.f32 v19, v11  }
0x1b2: {  	v17 =	vld [tilespmem:s6+$0xFFFFFFE0]  }
0x1b3: {  	v20 =	vmul.f32 v22, v20;
	v19 =	vld [tilespmem:s6+$0xFFFFFFF0];
	v14 =	vadd.f32 v15, v14;
	v15 =	vmul.f32 v18, v12  }
0x1b4: {  	v22 =	vld [tilespmem:s7+$0x0];
	v16 =	vmul.f32 v23, v16  }
0x1b5: {  	v20 =	vmul.f32 v20, v5;
	v23 =	vld [tilespmem:s6+$0x10];
	v14 =	vadd.f32 v15, v14  }
0x1b6: {  	v18 =	vld [tilespmem:s6+$0x0];
	v15 =	vmul.f32 v16, v6  }
0x1b7: {  	v16 =	vmul.f32 v24, v17;
	v17 =	vadd.f32 $0.0e+00, v20;
	v20 =	vld [tilespmem:s7+$0x10];
	v24 =	vperm.xlane v14, v0  }
0x1b8: {  	v25 =	vld [tilespmem:s6+$0x20];
	v19 =	vmul.f32 v21, v19  }
0x1b9: {  	v26 =	vld [tilespmem:s7+$0x20];
	v17 =	vadd.f32 v15, v17;
	v16 =	vmul.f32 v16, v7;
	v27 =	vadd.f32 v14, v24  }
0x1ba: {  	v15 =	vld [tilespmem:s6+$0x30];
	v19 =	vmul.f32 v19, v8  }
0x1bb: {  	s6 =	sadd.s32 $0x80, s6;
	v22 =	vmul.f32 v22, v18;
	v16 =	vadd.f32 v16, v17;
	v17 =	vld [tilespmem:s7+$0x30];
	v28 =	vperm.xlane v27, v1  }
0x1bc: {  	v21 =	vld [tilespmem:s6+$0xFFFFFFC0];
	s7 =	sadd.s32 $0x80, s7;
	v18 =	vmul.f32 v20, v23  }
0x1bd: {  	s17 =	simm.s32 $0x1;
	v24 =	vld [tilespmem:s7+$0xFFFFFFC0];
	v22 =	vmul.f32 v22, v9;
	v20 =	vadd.f32 v19, v16;
	v16 =	vadd.f32 v27, v28  }
0x1be: {  	s19 =	simm.s32 $0x2;
	s8 =	simm.s32 $0x3;
	s21 =	simm.s32 $0x0;
	v14 =	vimm.f32 $0.0e+00;
	v23 =	vld [tilespmem:s6+$0xFFFFFFD0];
	v19 =	vmul.f32 v26, v25  }
.LBB2_15:
0x1bf: {  	p0 =	sne.s32 s8, $0xF;
	v25 =	vld [tilespmem:s7+$0xFFFFFFD0];
	v20 =	vadd.f32 v22, v20;
	v18 =	vmul.f32 v18, v10;
	v22 =	vperm.xlane v16, v2  }
0x1c0: {  	v26 =	vld [tilespmem:s6+$0xFFFFFFE0];
	v15 =	vmul.f32 v17, v15  }
0x1c1: {  	v19 =	vmul.f32 v19, v11;
	v17 =	vld [tilespmem:s7+$0xFFFFFFE0];
	v18 =	vadd.f32 v18, v20;
	v16 =	vadd.f32 v16, v22  }
0x1c2: {  	v20 =	vmul.f32 v24, v21;
	v21 =	vld [tilespmem:s6+$0xFFFFFFF0]  }
0x1c3: {  	v15 =	vmul.f32 v15, v12;
	v22 =	vld [tilespmem:s7+$0xFFFFFFF0];
	v18 =	vadd.f32 v19, v18;
	v19 =	vperm.xlane v16, v3  }
0x1c4: {  	v23 =	vmul.f32 v25, v23;
	v24 =	vld [tilespmem:s6+$0x0];
	v25 =	vmov s21;
	s21 =	smov.u32 s17;
	s17 =	smov.u32 s19;
	s19 =	smov.u32 s8  }
0x1c5: {  	v20 =	vmul.f32 v20, v5;
	v27 =	vld [tilespmem:s7+$0x0];
	v15 =	vadd.f32 v15, v18;
	v16 =	vadd.f32 v16, v19  }
0x1c6: {  	vm0 =	veq.s32 v25, v4;
	v18 =	vmul.f32 v23, v6;
	v17 =	vmul.f32 v17, v26;
	v19 =	vld [tilespmem:s6+$0x10]  }
0x1c7: {  	v20 =	vadd.f32 $0.0e+00, v20;
	v23 =	vld [tilespmem:s7+$0x10];
	v25 =	vperm.xlane v15, v0;
	v14 =	vsel vm0, v16, v14  }
0x1c8: {  	v16 =	vmul.f32 v22, v21;
	v26 =	vld [tilespmem:s6+$0x20]  }
0x1c9: {  	v18 =	vadd.f32 v18, v20;
	v17 =	vmul.f32 v17, v7;
	v28 =	vld [tilespmem:s7+$0x20];
	v25 =	vadd.f32 v15, v25  }
.Ltmp6:
0x1ca: {  	v22 =	vmul.f32 v27, v24;
	v15 =	vld [tilespmem:s6+$0x30];
	(pc) =	sbr.rel @p0 .LBB2_15-.Ltmp6, $4  }
0x1cb: {  	v20 =	vadd.f32 v17, v18;
	v16 =	vmul.f32 v16, v8;
	s6 =	sadd.s32 $0x80, s6;
	v17 =	vld [tilespmem:s7+$0x30];
	v27 =	vperm.xlane v25, v1  }
0x1cc: {  	s7 =	sadd.s32 $0x80, s7;
	v21 =	vld [tilespmem:s6+$0xFFFFFFC0];
	v18 =	vmul.f32 v23, v19  }
0x1cd: {  	v20 =	vadd.f32 v16, v20;
	v22 =	vmul.f32 v22, v9;
	v24 =	vld [tilespmem:s7+$0xFFFFFFC0];
	v16 =	vadd.f32 v25, v27  }
0x1ce: {  	s8 =	sadd.s32 $0x1, s8;
	v23 =	vld [tilespmem:s6+$0xFFFFFFD0];
	v19 =	vmul.f32 v28, v26  }
0x1cf: {  	v25 =	vld [tilespmem:s7+$0xFFFFFFD0]  }
0x1d0: {  	v26 =	vld [tilespmem:s6+$0xFFFFFFE0]  }
0x1d1: {  	v27 =	vld [tilespmem:s7+$0xFFFFFFE0]  }
0x1d2: {  	v38 =	vld [tilespmem:s6+$0xFFFFFFF0];
	v21 =	vmul.f32 v24, v21  }
0x1d3: {  	v28 =	vld [tilespmem:s7+$0xFFFFFFF0]  }
0x1d4: {  	v39 =	vld [tilespmem:s6+$0x0];
	v23 =	vmul.f32 v25, v23;
	v21 =	vmul.f32 v21, v5  }
0x1d5: {  	v29 =	vld [tilespmem:s7+$0x0]  }
0x1d6: {  	v40 =	vld [tilespmem:s6+$0x10];
	v26 =	vmul.f32 v27, v26;
	v23 =	vmul.f32 v23, v6;
	v21 =	vadd.f32 $0.0e+00, v21  }
0x1d7: {  	v30 =	vld [tilespmem:s7+$0x10]  }
0x1d8: {  	v41 =	vld [tilespmem:s6+$0x20];
	v24 =	vmul.f32 v28, v38;
	v42 =	vmul.f32 v26, v7;
	v21 =	vadd.f32 v23, v21  }
0x1d9: {  	v43 =	vld [tilespmem:s7+$0x20]  }
0x1da: {  	v44 =	vld [tilespmem:s6+$0x30];
	v25 =	vmul.f32 v29, v39;
	v45 =	vmul.f32 v24, v8;
	v21 =	vadd.f32 v42, v21  }
0x1db: {  	v46 =	vld [tilespmem:s7+$0x30]  }
0x1dc: {  	v27 =	vmul.f32 v30, v40;
	v47 =	vmul.f32 v25, v9;
	v21 =	vadd.f32 v45, v21  }
0x1dd: {  	v20 =	vadd.f32 v22, v20;
	v18 =	vmul.f32 v18, v10  }
0x1de: {  	v48 =	vmul.f32 v43, v41;
	v49 =	vmul.f32 v27, v10;
	v21 =	vadd.f32 v47, v21  }
0x1df: {  	v15 =	vmul.f32 v17, v15;
	v51 =	vmul.f32 v19, v11;
	v50 =	vadd.f32 v18, v20  }
0x1e0: {  	v52 =	vmul.f32 v46, v44;
	v54 =	vmul.f32 v48, v11;
	v53 =	vadd.f32 v49, v21  }
0x1e1: {  	v15 =	vmul.f32 v15, v12;
	v17 =	vadd.f32 v51, v50  }
0x1e2: {  	v19 =	vmul.f32 v52, v12;
	v55 =	vadd.f32 v54, v53  }
0x1e3: {  	v15 =	vadd.f32 v15, v17  }
0x1e4: {  	v56 =	vadd.f32 v19, v55  }
0x1e5: {  	v57 =	vperm.xlane v15, v0  }
0x1e6: {  	v19 =	vperm.xlane v56, v0  }
0x1e7: {  	v15 =	vadd.f32 v15, v57  }
0x1e8: {  	v17 =	vadd.f32 v56, v19  }
0x1e9: {  	v18 =	vperm.xlane v15, v1  }
0x1ea: {  	v19 =	vperm.xlane v17, v1  }
0x1eb: {  	v15 =	vadd.f32 v15, v18  }
0x1ec: {  	v58 =	vperm.xlane v16, v2;
	v17 =	vadd.f32 v17, v19  }
0x1ed: {  	v18 =	vperm.xlane v15, v2  }
0x1ee: {  	v16 =	vadd.f32 v16, v58;
	v19 =	vperm.xlane v17, v2  }
0x1ef: {  	v15 =	vadd.f32 v15, v18  }
0x1f0: {  	v20 =	vperm.xlane v16, v3;
	v17 =	vadd.f32 v17, v19  }
0x1f1: {  	v59 =	vmov s21;
	v60 =	vperm.xlane v15, v3  }
0x1f2: {  	v62 =	vmov s17;
	v16 =	vadd.f32 v16, v20;
	v61 =	vperm.xlane v17, v3  }
0x1f3: {  	v63 =	vmov s19;
	vm0 =	veq.s32 v59, v4;
	v15 =	vadd.f32 v15, v60  }
0x1f4: {  	vm14 =	veq.s32 v62, v4;
	v14 =	vsel vm0, v16, v14;
	v17 =	vadd.f32 v17, v61  }
0x1f5: {  	vm15 =	veq.s32 v63, v4;
	v14 =	vsel vm14, v15, v14  }
0x1f6: {  	v14 =	vsel vm15, v17, v14  }
0x1f7: {  	v14 =	vadd.f32 v14, v13;
	_ =	sdelay $0x1  }
0x1f8: {  	v14 =	vsub.f32 $0.0e+00, v14;
	_ =	sdelay $0x1  }
0x1f9: {  	v14 =	vmul.f32 $1.442695020e+00, v14;
	_ =	sdelay $0x1  }
0x1fa: {  	(erf) = vpow2.f32 v14;
	_ =	sdelay $0x8  }
0x1fb: {  	v14 =	vpop (erf)  }
0x1fc: {  	v14 =	vadd.f32 $1.000000000e+00, v14;
	_ =	sdelay $0x1  }
0x1fd: {  	(erf) = vrcp.f32 v14;
	_ =	sdelay $0x3  }
0x1fe: {  	s21 =	sshll.u32 s10, $0x4;
	s10 =	sadd.s32 $0x1, s10  }
0x1ff: {  	p0 =	sne.s32 s10, $0x4  }
.Ltmp7:
0x200: {  	_ = 	snop;
	(pc) =	sbr.rel @p0 .LBB2_14-.Ltmp7, $3  }
0x201: {  	_ =	sdelay $0x1  }
0x202: {  	s6 =	sand.u32 $0x3FFFFFF0, s21;
	v14 =	vpop (erf)  }
0x203: {  	s11 =	sadd.s32 $0x800, s11;
	s16 =	sadd.s32 $0x800, s16;
	[tilespmem:s6+$0xC940] =	vst v14  }
0x204: {  	_ =	swait.ge [sflag:s18], $0x2000  }
0x205: {  	[sflag:s18] =	ssyncset.done $0x0  }
0x206: {  	[sflag:s18] =	ssyncadd.s32 $0xFFFFE000  }
0x207: {  	_ =	swait.ge [sflag:s20], $0x2000  }
0x208: {  	s10 =	simm.s32 $0x0;
	[sflag:s20] =	ssyncset.done $0x0  }
0x209: {  	s11 =	simm.s32 $0x80C0;
	s16 =	simm.s32 $0x14AC0;
	[sflag:s20] =	ssyncadd.s32 $0xFFFFE000  }
.LBB2_18:
0x20a: {  	v14 =	vld [tilespmem:s11+$0xFFFFFFC0]  }
0x20b: {  	v15 =	vld [tilespmem:s16+$0xFFFFFFC0]  }
0x20c: {  	v16 =	vld [tilespmem:s11+$0xFFFFFFD0]  }
0x20d: {  	v17 =	vld [tilespmem:s16+$0xFFFFFFD0]  }
0x20e: {  	v18 =	vld [tilespmem:s11+$0xFFFFFFE0]  }
0x20f: {  	v19 =	vld [tilespmem:s16+$0xFFFFFFE0]  }
0x210: {  	v20 =	vld [tilespmem:s11+$0xFFFFFFF0]  }
0x211: {  	v21 =	vld [tilespmem:s16+$0xFFFFFFF0];
	v14 =	vmul.f32 v15, v14  }
0x212: {  	v22 =	vld [tilespmem:s16+$0x0]  }
0x213: {  	v23 =	vld [tilespmem:s16+$0x10];
	v16 =	vmul.f32 v17, v16;
	v14 =	vmul.f32 v14, v5  }
0x214: {  	v15 =	vld [tilespmem:s11+$0x0]  }
0x215: {  	v24 =	vld [tilespmem:s16+$0x20];
	v18 =	vmul.f32 v19, v18;
	v16 =	vmul.f32 v16, v6;
	v14 =	vadd.f32 $0.0e+00, v14  }
0x216: {  	v17 =	vld [tilespmem:s11+$0x10]  }
0x217: {  	v19 =	vld [tilespmem:s11+$0x20];
	v20 =	vmul.f32 v21, v20;
	v14 =	vadd.f32 v16, v14;
	v16 =	vmul.f32 v18, v7  }
0x218: {  	s7 =	sadd.s32 $0x80, s16;
	v21 =	vld [tilespmem:s16+$0x30]  }
0x219: {  	v15 =	vmul.f32 v22, v15;
	v22 =	vld [tilespmem:s7+$0xFFFFFFC0];
	v14 =	vadd.f32 v16, v14;
	v16 =	vmul.f32 v20, v8  }
0x21a: {  	v18 =	vld [tilespmem:s11+$0x30]  }
0x21b: {  	s6 =	sadd.s32 $0x80, s11;
	v17 =	vmul.f32 v23, v17;
	v23 =	vld [tilespmem:s7+$0xFFFFFFD0];
	v15 =	vmul.f32 v15, v9;
	v14 =	vadd.f32 v16, v14  }
0x21c: {  	v20 =	vld [tilespmem:s6+$0xFFFFFFC0]  }
0x21d: {  	v19 =	vmul.f32 v24, v19;
	v16 =	vld [tilespmem:s6+$0xFFFFFFD0];
	v14 =	vadd.f32 v15, v14;
	v15 =	vmul.f32 v17, v10  }
0x21e: {  	v24 =	vld [tilespmem:s7+$0xFFFFFFE0]  }
0x21f: {  	v18 =	vmul.f32 v21, v18;
	v21 =	vld [tilespmem:s7+$0xFFFFFFF0];
	v14 =	vadd.f32 v15, v14;
	v15 =	vmul.f32 v19, v11  }
0x220: {  	v17 =	vld [tilespmem:s6+$0xFFFFFFE0]  }
0x221: {  	v20 =	vmul.f32 v22, v20;
	v19 =	vld [tilespmem:s6+$0xFFFFFFF0];
	v14 =	vadd.f32 v15, v14;
	v15 =	vmul.f32 v18, v12  }
0x222: {  	v22 =	vld [tilespmem:s7+$0x0];
	v16 =	vmul.f32 v23, v16  }
0x223: {  	v20 =	vmul.f32 v20, v5;
	v23 =	vld [tilespmem:s6+$0x10];
	v14 =	vadd.f32 v15, v14  }
0x224: {  	v18 =	vld [tilespmem:s6+$0x0];
	v15 =	vmul.f32 v16, v6  }
0x225: {  	v16 =	vmul.f32 v24, v17;
	v17 =	vadd.f32 $0.0e+00, v20;
	v20 =	vld [tilespmem:s7+$0x10];
	v24 =	vperm.xlane v14, v0  }
0x226: {  	v25 =	vld [tilespmem:s6+$0x20];
	v19 =	vmul.f32 v21, v19  }
0x227: {  	v26 =	vld [tilespmem:s7+$0x20];
	v17 =	vadd.f32 v15, v17;
	v16 =	vmul.f32 v16, v7;
	v27 =	vadd.f32 v14, v24  }
0x228: {  	v15 =	vld [tilespmem:s6+$0x30];
	v19 =	vmul.f32 v19, v8  }
0x229: {  	s6 =	sadd.s32 $0x80, s6;
	v22 =	vmul.f32 v22, v18;
	v16 =	vadd.f32 v16, v17;
	v17 =	vld [tilespmem:s7+$0x30];
	v28 =	vperm.xlane v27, v1  }
0x22a: {  	v21 =	vld [tilespmem:s6+$0xFFFFFFC0];
	s7 =	sadd.s32 $0x80, s7;
	v18 =	vmul.f32 v20, v23  }
0x22b: {  	s17 =	simm.s32 $0x1;
	v24 =	vld [tilespmem:s7+$0xFFFFFFC0];
	v22 =	vmul.f32 v22, v9;
	v20 =	vadd.f32 v19, v16;
	v16 =	vadd.f32 v27, v28  }
0x22c: {  	s19 =	simm.s32 $0x2;
	s8 =	simm.s32 $0x3;
	s21 =	simm.s32 $0x0;
	v14 =	vimm.f32 $0.0e+00;
	v23 =	vld [tilespmem:s6+$0xFFFFFFD0];
	v19 =	vmul.f32 v26, v25  }
.LBB2_19:
0x22d: {  	p0 =	sne.s32 s8, $0xF;
	v25 =	vld [tilespmem:s7+$0xFFFFFFD0];
	v20 =	vadd.f32 v22, v20;
	v18 =	vmul.f32 v18, v10;
	v22 =	vperm.xlane v16, v2  }
0x22e: {  	v26 =	vld [tilespmem:s6+$0xFFFFFFE0];
	v15 =	vmul.f32 v17, v15  }
0x22f: {  	v19 =	vmul.f32 v19, v11;
	v17 =	vld [tilespmem:s7+$0xFFFFFFE0];
	v18 =	vadd.f32 v18, v20;
	v16 =	vadd.f32 v16, v22  }
0x230: {  	v20 =	vmul.f32 v24, v21;
	v21 =	vld [tilespmem:s6+$0xFFFFFFF0]  }
0x231: {  	v15 =	vmul.f32 v15, v12;
	v22 =	vld [tilespmem:s7+$0xFFFFFFF0];
	v18 =	vadd.f32 v19, v18;
	v19 =	vperm.xlane v16, v3  }
0x232: {  	v23 =	vmul.f32 v25, v23;
	v24 =	vld [tilespmem:s6+$0x0];
	v25 =	vmov s21;
	s21 =	smov.u32 s17;
	s17 =	smov.u32 s19;
	s19 =	smov.u32 s8  }
0x233: {  	v20 =	vmul.f32 v20, v5;
	v27 =	vld [tilespmem:s7+$0x0];
	v15 =	vadd.f32 v15, v18;
	v16 =	vadd.f32 v16, v19  }
0x234: {  	vm0 =	veq.s32 v25, v4;
	v18 =	vmul.f32 v23, v6;
	v17 =	vmul.f32 v17, v26;
	v19 =	vld [tilespmem:s6+$0x10]  }
0x235: {  	v20 =	vadd.f32 $0.0e+00, v20;
	v23 =	vld [tilespmem:s7+$0x10];
	v25 =	vperm.xlane v15, v0;
	v14 =	vsel vm0, v16, v14  }
0x236: {  	v16 =	vmul.f32 v22, v21;
	v26 =	vld [tilespmem:s6+$0x20]  }
0x237: {  	v18 =	vadd.f32 v18, v20;
	v17 =	vmul.f32 v17, v7;
	v28 =	vld [tilespmem:s7+$0x20];
	v25 =	vadd.f32 v15, v25  }
.Ltmp8:
0x238: {  	v22 =	vmul.f32 v27, v24;
	v15 =	vld [tilespmem:s6+$0x30];
	(pc) =	sbr.rel @p0 .LBB2_19-.Ltmp8, $4  }
0x239: {  	v20 =	vadd.f32 v17, v18;
	v16 =	vmul.f32 v16, v8;
	s6 =	sadd.s32 $0x80, s6;
	v17 =	vld [tilespmem:s7+$0x30];
	v27 =	vperm.xlane v25, v1  }
0x23a: {  	s7 =	sadd.s32 $0x80, s7;
	v21 =	vld [tilespmem:s6+$0xFFFFFFC0];
	v18 =	vmul.f32 v23, v19  }
0x23b: {  	v20 =	vadd.f32 v16, v20;
	v22 =	vmul.f32 v22, v9;
	v24 =	vld [tilespmem:s7+$0xFFFFFFC0];
	v16 =	vadd.f32 v25, v27  }
0x23c: {  	s8 =	sadd.s32 $0x1, s8;
	v23 =	vld [tilespmem:s6+$0xFFFFFFD0];
	v19 =	vmul.f32 v28, v26  }
0x23d: {  	v25 =	vld [tilespmem:s7+$0xFFFFFFD0]  }
0x23e: {  	v26 =	vld [tilespmem:s6+$0xFFFFFFE0]  }
0x23f: {  	v27 =	vld [tilespmem:s7+$0xFFFFFFE0]  }
0x240: {  	v38 =	vld [tilespmem:s6+$0xFFFFFFF0];
	v21 =	vmul.f32 v24, v21  }
0x241: {  	v28 =	vld [tilespmem:s7+$0xFFFFFFF0]  }
0x242: {  	v39 =	vld [tilespmem:s6+$0x0];
	v23 =	vmul.f32 v25, v23;
	v21 =	vmul.f32 v21, v5  }
0x243: {  	v29 =	vld [tilespmem:s7+$0x0]  }
0x244: {  	v40 =	vld [tilespmem:s6+$0x10];
	v26 =	vmul.f32 v27, v26;
	v23 =	vmul.f32 v23, v6;
	v21 =	vadd.f32 $0.0e+00, v21  }
0x245: {  	v30 =	vld [tilespmem:s7+$0x10]  }
0x246: {  	v41 =	vld [tilespmem:s6+$0x20];
	v24 =	vmul.f32 v28, v38;
	v42 =	vmul.f32 v26, v7;
	v21 =	vadd.f32 v23, v21  }
0x247: {  	v43 =	vld [tilespmem:s7+$0x20]  }
0x248: {  	v44 =	vld [tilespmem:s6+$0x30];
	v25 =	vmul.f32 v29, v39;
	v45 =	vmul.f32 v24, v8;
	v21 =	vadd.f32 v42, v21  }
0x249: {  	v46 =	vld [tilespmem:s7+$0x30]  }
0x24a: {  	v27 =	vmul.f32 v30, v40;
	v47 =	vmul.f32 v25, v9;
	v21 =	vadd.f32 v45, v21  }
0x24b: {  	v20 =	vadd.f32 v22, v20;
	v18 =	vmul.f32 v18, v10  }
0x24c: {  	v48 =	vmul.f32 v43, v41;
	v49 =	vmul.f32 v27, v10;
	v21 =	vadd.f32 v47, v21  }
0x24d: {  	v15 =	vmul.f32 v17, v15;
	v51 =	vmul.f32 v19, v11;
	v50 =	vadd.f32 v18, v20  }
0x24e: {  	v52 =	vmul.f32 v46, v44;
	v54 =	vmul.f32 v48, v11;
	v53 =	vadd.f32 v49, v21  }
0x24f: {  	v15 =	vmul.f32 v15, v12;
	v17 =	vadd.f32 v51, v50  }
0x250: {  	v19 =	vmul.f32 v52, v12;
	v55 =	vadd.f32 v54, v53  }
0x251: {  	v15 =	vadd.f32 v15, v17  }
0x252: {  	v56 =	vadd.f32 v19, v55  }
0x253: {  	v57 =	vperm.xlane v15, v0  }
0x254: {  	v19 =	vperm.xlane v56, v0  }
0x255: {  	v15 =	vadd.f32 v15, v57  }
0x256: {  	v17 =	vadd.f32 v56, v19  }
0x257: {  	v18 =	vperm.xlane v15, v1  }
0x258: {  	v19 =	vperm.xlane v17, v1  }
0x259: {  	v15 =	vadd.f32 v15, v18  }
0x25a: {  	v58 =	vperm.xlane v16, v2;
	v17 =	vadd.f32 v17, v19  }
0x25b: {  	v18 =	vperm.xlane v15, v2  }
0x25c: {  	v16 =	vadd.f32 v16, v58;
	v19 =	vperm.xlane v17, v2  }
0x25d: {  	v15 =	vadd.f32 v15, v18  }
0x25e: {  	v20 =	vperm.xlane v16, v3;
	v17 =	vadd.f32 v17, v19  }
0x25f: {  	v59 =	vmov s21;
	v60 =	vperm.xlane v15, v3  }
0x260: {  	v62 =	vmov s17;
	v16 =	vadd.f32 v16, v20;
	v61 =	vperm.xlane v17, v3  }
0x261: {  	v63 =	vmov s19;
	vm0 =	veq.s32 v59, v4;
	v15 =	vadd.f32 v15, v60  }
0x262: {  	vm14 =	veq.s32 v62, v4;
	v14 =	vsel vm0, v16, v14;
	v17 =	vadd.f32 v17, v61  }
0x263: {  	vm15 =	veq.s32 v63, v4;
	v14 =	vsel vm14, v15, v14  }
0x264: {  	v14 =	vsel vm15, v17, v14  }
0x265: {  	v14 =	vadd.f32 v14, v13;
	_ =	sdelay $0x1  }
0x266: {  	v14 =	vsub.f32 $0.0e+00, v14;
	_ =	sdelay $0x1  }
0x267: {  	v14 =	vmul.f32 $1.442695020e+00, v14;
	_ =	sdelay $0x1  }
0x268: {  	(erf) = vpow2.f32 v14;
	_ =	sdelay $0x8  }
0x269: {  	v14 =	vpop (erf)  }
0x26a: {  	v14 =	vadd.f32 $1.000000000e+00, v14;
	_ =	sdelay $0x1  }
0x26b: {  	(erf) = vrcp.f32 v14;
	_ =	sdelay $0x3  }
0x26c: {  	s21 =	sshll.u32 s10, $0x4;
	s10 =	sadd.s32 $0x1, s10  }
0x26d: {  	p0 =	sne.s32 s10, $0x4  }
.Ltmp9:
0x26e: {  	_ = 	snop;
	(pc) =	sbr.rel @p0 .LBB2_18-.Ltmp9, $3  }
0x26f: {  	_ =	sdelay $0x1  }
0x270: {  	s6 =	sand.u32 $0x3FFFFFF0, s21;
	v14 =	vpop (erf)  }
0x271: {  	s11 =	sadd.s32 $0x800, s11;
	s16 =	sadd.s32 $0x800, s16;
	[tilespmem:s6+$0xC980] =	vst v14  }
0x272: {  	_ =	swait.ge [sflag:s26], $0x2000  }
0x273: {  	[sflag:s26] =	ssyncset.done $0x0  }
0x274: {  	[sflag:s26] =	ssyncadd.s32 $0xFFFFE000  }
0x275: {  	_ =	swait.ge [sflag:s28], $0x2000  }
0x276: {  	s10 =	simm.s32 $0x0;
	[sflag:s28] =	ssyncset.done $0x0  }
0x277: {  	s11 =	simm.s32 $0xA0C0;
	s16 =	simm.s32 $0x16AC0;
	[sflag:s28] =	ssyncadd.s32 $0xFFFFE000  }
.LBB2_22:
0x278: {  	v14 =	vld [tilespmem:s11+$0xFFFFFFC0]  }
0x279: {  	v15 =	vld [tilespmem:s16+$0xFFFFFFC0]  }
0x27a: {  	v16 =	vld [tilespmem:s11+$0xFFFFFFD0]  }
0x27b: {  	v17 =	vld [tilespmem:s16+$0xFFFFFFD0]  }
0x27c: {  	v18 =	vld [tilespmem:s11+$0xFFFFFFE0]  }
0x27d: {  	v19 =	vld [tilespmem:s16+$0xFFFFFFE0]  }
0x27e: {  	v20 =	vld [tilespmem:s11+$0xFFFFFFF0]  }
0x27f: {  	v21 =	vld [tilespmem:s16+$0xFFFFFFF0];
	v14 =	vmul.f32 v15, v14  }
0x280: {  	v22 =	vld [tilespmem:s16+$0x0]  }
0x281: {  	v23 =	vld [tilespmem:s16+$0x10];
	v16 =	vmul.f32 v17, v16;
	v14 =	vmul.f32 v14, v5  }
0x282: {  	v15 =	vld [tilespmem:s11+$0x0]  }
0x283: {  	v24 =	vld [tilespmem:s16+$0x20];
	v18 =	vmul.f32 v19, v18;
	v16 =	vmul.f32 v16, v6;
	v14 =	vadd.f32 $0.0e+00, v14  }
0x284: {  	v17 =	vld [tilespmem:s11+$0x10]  }
0x285: {  	v19 =	vld [tilespmem:s11+$0x20];
	v20 =	vmul.f32 v21, v20;
	v14 =	vadd.f32 v16, v14;
	v16 =	vmul.f32 v18, v7  }
0x286: {  	s7 =	sadd.s32 $0x80, s16;
	v21 =	vld [tilespmem:s16+$0x30]  }
0x287: {  	v15 =	vmul.f32 v22, v15;
	v22 =	vld [tilespmem:s7+$0xFFFFFFC0];
	v14 =	vadd.f32 v16, v14;
	v16 =	vmul.f32 v20, v8  }
0x288: {  	v18 =	vld [tilespmem:s11+$0x30]  }
0x289: {  	s6 =	sadd.s32 $0x80, s11;
	v17 =	vmul.f32 v23, v17;
	v23 =	vld [tilespmem:s7+$0xFFFFFFD0];
	v15 =	vmul.f32 v15, v9;
	v14 =	vadd.f32 v16, v14  }
0x28a: {  	v20 =	vld [tilespmem:s6+$0xFFFFFFC0]  }
0x28b: {  	v19 =	vmul.f32 v24, v19;
	v16 =	vld [tilespmem:s6+$0xFFFFFFD0];
	v14 =	vadd.f32 v15, v14;
	v15 =	vmul.f32 v17, v10  }
0x28c: {  	v24 =	vld [tilespmem:s7+$0xFFFFFFE0]  }
0x28d: {  	v18 =	vmul.f32 v21, v18;
	v21 =	vld [tilespmem:s7+$0xFFFFFFF0];
	v14 =	vadd.f32 v15, v14;
	v15 =	vmul.f32 v19, v11  }
0x28e: {  	v17 =	vld [tilespmem:s6+$0xFFFFFFE0]  }
0x28f: {  	v20 =	vmul.f32 v22, v20;
	v19 =	vld [tilespmem:s6+$0xFFFFFFF0];
	v14 =	vadd.f32 v15, v14;
	v15 =	vmul.f32 v18, v12  }
0x290: {  	v22 =	vld [tilespmem:s7+$0x0];
	v16 =	vmul.f32 v23, v16  }
0x291: {  	v20 =	vmul.f32 v20, v5;
	v23 =	vld [tilespmem:s6+$0x10];
	v14 =	vadd.f32 v15, v14  }
0x292: {  	v18 =	vld [tilespmem:s6+$0x0];
	v15 =	vmul.f32 v16, v6  }
0x293: {  	v16 =	vmul.f32 v24, v17;
	v17 =	vadd.f32 $0.0e+00, v20;
	v20 =	vld [tilespmem:s7+$0x10];
	v24 =	vperm.xlane v14, v0  }
0x294: {  	v25 =	vld [tilespmem:s6+$0x20];
	v19 =	vmul.f32 v21, v19  }
0x295: {  	v26 =	vld [tilespmem:s7+$0x20];
	v17 =	vadd.f32 v15, v17;
	v16 =	vmul.f32 v16, v7;
	v27 =	vadd.f32 v14, v24  }
0x296: {  	v15 =	vld [tilespmem:s6+$0x30];
	v19 =	vmul.f32 v19, v8  }
0x297: {  	s6 =	sadd.s32 $0x80, s6;
	v22 =	vmul.f32 v22, v18;
	v16 =	vadd.f32 v16, v17;
	v17 =	vld [tilespmem:s7+$0x30];
	v28 =	vperm.xlane v27, v1  }
0x298: {  	v21 =	vld [tilespmem:s6+$0xFFFFFFC0];
	s7 =	sadd.s32 $0x80, s7;
	v18 =	vmul.f32 v20, v23  }
0x299: {  	s17 =	simm.s32 $0x1;
	v24 =	vld [tilespmem:s7+$0xFFFFFFC0];
	v22 =	vmul.f32 v22, v9;
	v20 =	vadd.f32 v19, v16;
	v16 =	vadd.f32 v27, v28  }
0x29a: {  	s19 =	simm.s32 $0x2;
	s8 =	simm.s32 $0x3;
	s21 =	simm.s32 $0x0;
	v14 =	vimm.f32 $0.0e+00;
	v23 =	vld [tilespmem:s6+$0xFFFFFFD0];
	v19 =	vmul.f32 v26, v25  }
.LBB2_23:
0x29b: {  	p0 =	sne.s32 s8, $0xF;
	v25 =	vld [tilespmem:s7+$0xFFFFFFD0];
	v20 =	vadd.f32 v22, v20;
	v18 =	vmul.f32 v18, v10;
	v22 =	vperm.xlane v16, v2  }
0x29c: {  	v26 =	vld [tilespmem:s6+$0xFFFFFFE0];
	v15 =	vmul.f32 v17, v15  }
0x29d: {  	v19 =	vmul.f32 v19, v11;
	v17 =	vld [tilespmem:s7+$0xFFFFFFE0];
	v18 =	vadd.f32 v18, v20;
	v16 =	vadd.f32 v16, v22  }
0x29e: {  	v20 =	vmul.f32 v24, v21;
	v21 =	vld [tilespmem:s6+$0xFFFFFFF0]  }
0x29f: {  	v15 =	vmul.f32 v15, v12;
	v22 =	vld [tilespmem:s7+$0xFFFFFFF0];
	v18 =	vadd.f32 v19, v18;
	v19 =	vperm.xlane v16, v3  }
0x2a0: {  	v23 =	vmul.f32 v25, v23;
	v24 =	vld [tilespmem:s6+$0x0];
	v25 =	vmov s21;
	s21 =	smov.u32 s17;
	s17 =	smov.u32 s19;
	s19 =	smov.u32 s8  }
0x2a1: {  	v20 =	vmul.f32 v20, v5;
	v27 =	vld [tilespmem:s7+$0x0];
	v15 =	vadd.f32 v15, v18;
	v16 =	vadd.f32 v16, v19  }
0x2a2: {  	vm0 =	veq.s32 v25, v4;
	v18 =	vmul.f32 v23, v6;
	v17 =	vmul.f32 v17, v26;
	v19 =	vld [tilespmem:s6+$0x10]  }
0x2a3: {  	v20 =	vadd.f32 $0.0e+00, v20;
	v23 =	vld [tilespmem:s7+$0x10];
	v25 =	vperm.xlane v15, v0;
	v14 =	vsel vm0, v16, v14  }
0x2a4: {  	v16 =	vmul.f32 v22, v21;
	v26 =	vld [tilespmem:s6+$0x20]  }
0x2a5: {  	v18 =	vadd.f32 v18, v20;
	v17 =	vmul.f32 v17, v7;
	v28 =	vld [tilespmem:s7+$0x20];
	v25 =	vadd.f32 v15, v25  }
.Ltmp10:
0x2a6: {  	v22 =	vmul.f32 v27, v24;
	v15 =	vld [tilespmem:s6+$0x30];
	(pc) =	sbr.rel @p0 .LBB2_23-.Ltmp10, $4  }
0x2a7: {  	v20 =	vadd.f32 v17, v18;
	v16 =	vmul.f32 v16, v8;
	s6 =	sadd.s32 $0x80, s6;
	v17 =	vld [tilespmem:s7+$0x30];
	v27 =	vperm.xlane v25, v1  }
0x2a8: {  	s7 =	sadd.s32 $0x80, s7;
	v21 =	vld [tilespmem:s6+$0xFFFFFFC0];
	v18 =	vmul.f32 v23, v19  }
0x2a9: {  	v20 =	vadd.f32 v16, v20;
	v22 =	vmul.f32 v22, v9;
	v24 =	vld [tilespmem:s7+$0xFFFFFFC0];
	v16 =	vadd.f32 v25, v27  }
0x2aa: {  	s8 =	sadd.s32 $0x1, s8;
	v23 =	vld [tilespmem:s6+$0xFFFFFFD0];
	v19 =	vmul.f32 v28, v26  }
0x2ab: {  	v25 =	vld [tilespmem:s7+$0xFFFFFFD0]  }
0x2ac: {  	v26 =	vld [tilespmem:s6+$0xFFFFFFE0]  }
0x2ad: {  	v27 =	vld [tilespmem:s7+$0xFFFFFFE0]  }
0x2ae: {  	v38 =	vld [tilespmem:s6+$0xFFFFFFF0];
	v21 =	vmul.f32 v24, v21  }
0x2af: {  	v28 =	vld [tilespmem:s7+$0xFFFFFFF0]  }
0x2b0: {  	v39 =	vld [tilespmem:s6+$0x0];
	v23 =	vmul.f32 v25, v23;
	v21 =	vmul.f32 v21, v5  }
0x2b1: {  	v29 =	vld [tilespmem:s7+$0x0]  }
0x2b2: {  	v40 =	vld [tilespmem:s6+$0x10];
	v26 =	vmul.f32 v27, v26;
	v23 =	vmul.f32 v23, v6;
	v21 =	vadd.f32 $0.0e+00, v21  }
0x2b3: {  	v30 =	vld [tilespmem:s7+$0x10]  }
0x2b4: {  	v41 =	vld [tilespmem:s6+$0x20];
	v24 =	vmul.f32 v28, v38;
	v42 =	vmul.f32 v26, v7;
	v21 =	vadd.f32 v23, v21  }
0x2b5: {  	v43 =	vld [tilespmem:s7+$0x20]  }
0x2b6: {  	v44 =	vld [tilespmem:s6+$0x30];
	v25 =	vmul.f32 v29, v39;
	v45 =	vmul.f32 v24, v8;
	v21 =	vadd.f32 v42, v21  }
0x2b7: {  	v46 =	vld [tilespmem:s7+$0x30]  }
0x2b8: {  	v27 =	vmul.f32 v30, v40;
	v47 =	vmul.f32 v25, v9;
	v21 =	vadd.f32 v45, v21  }
0x2b9: {  	v20 =	vadd.f32 v22, v20;
	v18 =	vmul.f32 v18, v10  }
0x2ba: {  	v48 =	vmul.f32 v43, v41;
	v49 =	vmul.f32 v27, v10;
	v21 =	vadd.f32 v47, v21  }
0x2bb: {  	v15 =	vmul.f32 v17, v15;
	v51 =	vmul.f32 v19, v11;
	v50 =	vadd.f32 v18, v20  }
0x2bc: {  	v52 =	vmul.f32 v46, v44;
	v54 =	vmul.f32 v48, v11;
	v53 =	vadd.f32 v49, v21  }
0x2bd: {  	v15 =	vmul.f32 v15, v12;
	v17 =	vadd.f32 v51, v50  }
0x2be: {  	v19 =	vmul.f32 v52, v12;
	v55 =	vadd.f32 v54, v53  }
0x2bf: {  	v15 =	vadd.f32 v15, v17  }
0x2c0: {  	v56 =	vadd.f32 v19, v55  }
0x2c1: {  	v57 =	vperm.xlane v15, v0  }
0x2c2: {  	v19 =	vperm.xlane v56, v0  }
0x2c3: {  	v15 =	vadd.f32 v15, v57  }
0x2c4: {  	v17 =	vadd.f32 v56, v19  }
0x2c5: {  	v18 =	vperm.xlane v15, v1  }
0x2c6: {  	v19 =	vperm.xlane v17, v1  }
0x2c7: {  	v15 =	vadd.f32 v15, v18  }
0x2c8: {  	v58 =	vperm.xlane v16, v2;
	v17 =	vadd.f32 v17, v19  }
0x2c9: {  	v18 =	vperm.xlane v15, v2  }
0x2ca: {  	v16 =	vadd.f32 v16, v58;
	v19 =	vperm.xlane v17, v2  }
0x2cb: {  	v15 =	vadd.f32 v15, v18  }
0x2cc: {  	v20 =	vperm.xlane v16, v3;
	v17 =	vadd.f32 v17, v19  }
0x2cd: {  	v59 =	vmov s21;
	v60 =	vperm.xlane v15, v3  }
0x2ce: {  	v62 =	vmov s17;
	v16 =	vadd.f32 v16, v20;
	v61 =	vperm.xlane v17, v3  }
0x2cf: {  	v63 =	vmov s19;
	vm0 =	veq.s32 v59, v4;
	v15 =	vadd.f32 v15, v60  }
0x2d0: {  	vm14 =	veq.s32 v62, v4;
	v14 =	vsel vm0, v16, v14;
	v17 =	vadd.f32 v17, v61  }
0x2d1: {  	vm15 =	veq.s32 v63, v4;
	v14 =	vsel vm14, v15, v14  }
0x2d2: {  	v14 =	vsel vm15, v17, v14  }
0x2d3: {  	v14 =	vadd.f32 v14, v13;
	_ =	sdelay $0x1  }
0x2d4: {  	v14 =	vsub.f32 $0.0e+00, v14;
	_ =	sdelay $0x1  }
0x2d5: {  	v14 =	vmul.f32 $1.442695020e+00, v14;
	_ =	sdelay $0x1  }
0x2d6: {  	(erf) = vpow2.f32 v14;
	_ =	sdelay $0x8  }
0x2d7: {  	v14 =	vpop (erf)  }
0x2d8: {  	v14 =	vadd.f32 $1.000000000e+00, v14;
	_ =	sdelay $0x1  }
0x2d9: {  	(erf) = vrcp.f32 v14;
	_ =	sdelay $0x3  }
0x2da: {  	s21 =	sshll.u32 s10, $0x4;
	s10 =	sadd.s32 $0x1, s10  }
0x2db: {  	p0 =	sne.s32 s10, $0x4  }
.Ltmp11:
0x2dc: {  	_ = 	snop;
	(pc) =	sbr.rel @p0 .LBB2_22-.Ltmp11, $3  }
0x2dd: {  	_ =	sdelay $0x1  }
0x2de: {  	s6 =	sand.u32 $0x3FFFFFF0, s21;
	v14 =	vpop (erf)  }
0x2df: {  	s11 =	sadd.s32 $0x800, s11;
	s16 =	sadd.s32 $0x800, s16;
	[tilespmem:s6+$0xC9C0] =	vst v14  }
0x2e0: {  	_ =	swait.ge [sflag:s24], $0x2000  }
0x2e1: {  	[sflag:s24] =	ssyncset.done $0x0  }
0x2e2: {  	[sflag:s24] =	ssyncadd.s32 $0xFFFFE000  }
0x2e3: {  	_ =	swait.ge [sflag:s25], $0x2000  }
0x2e4: {  	s10 =	simm.s32 $0x0;
	[sflag:s25] =	ssyncset.done $0x0  }
0x2e5: {  	s11 =	simm.s32 $0xC0;
	s16 =	simm.s32 $0xCAC0;
	[sflag:s25] =	ssyncadd.s32 $0xFFFFE000  }
.LBB2_26:
0x2e6: {  	v14 =	vld [tilespmem:s11+$0xFFFFFFC0]  }
0x2e7: {  	v15 =	vld [tilespmem:s16+$0xFFFFFFC0]  }
0x2e8: {  	v16 =	vld [tilespmem:s11+$0xFFFFFFD0]  }
0x2e9: {  	v17 =	vld [tilespmem:s16+$0xFFFFFFD0]  }
0x2ea: {  	v18 =	vld [tilespmem:s11+$0xFFFFFFE0]  }
0x2eb: {  	v19 =	vld [tilespmem:s16+$0xFFFFFFE0]  }
0x2ec: {  	v20 =	vld [tilespmem:s11+$0xFFFFFFF0]  }
0x2ed: {  	v21 =	vld [tilespmem:s16+$0xFFFFFFF0];
	v14 =	vmul.f32 v15, v14  }
0x2ee: {  	v22 =	vld [tilespmem:s16+$0x0]  }
0x2ef: {  	v23 =	vld [tilespmem:s16+$0x10];
	v16 =	vmul.f32 v17, v16;
	v14 =	vmul.f32 v14, v5  }
0x2f0: {  	v15 =	vld [tilespmem:s11+$0x0]  }
0x2f1: {  	v24 =	vld [tilespmem:s16+$0x20];
	v18 =	vmul.f32 v19, v18;
	v16 =	vmul.f32 v16, v6;
	v14 =	vadd.f32 $0.0e+00, v14  }
0x2f2: {  	v17 =	vld [tilespmem:s11+$0x10]  }
0x2f3: {  	v19 =	vld [tilespmem:s11+$0x20];
	v20 =	vmul.f32 v21, v20;
	v14 =	vadd.f32 v16, v14;
	v16 =	vmul.f32 v18, v7  }
0x2f4: {  	s7 =	sadd.s32 $0x80, s16;
	v21 =	vld [tilespmem:s16+$0x30]  }
0x2f5: {  	v15 =	vmul.f32 v22, v15;
	v22 =	vld [tilespmem:s7+$0xFFFFFFC0];
	v14 =	vadd.f32 v16, v14;
	v16 =	vmul.f32 v20, v8  }
0x2f6: {  	v18 =	vld [tilespmem:s11+$0x30]  }
0x2f7: {  	s6 =	sadd.s32 $0x80, s11;
	v17 =	vmul.f32 v23, v17;
	v23 =	vld [tilespmem:s7+$0xFFFFFFD0];
	v15 =	vmul.f32 v15, v9;
	v14 =	vadd.f32 v16, v14  }
0x2f8: {  	v20 =	vld [tilespmem:s6+$0xFFFFFFC0]  }
0x2f9: {  	v19 =	vmul.f32 v24, v19;
	v16 =	vld [tilespmem:s6+$0xFFFFFFD0];
	v14 =	vadd.f32 v15, v14;
	v15 =	vmul.f32 v17, v10  }
0x2fa: {  	v24 =	vld [tilespmem:s7+$0xFFFFFFE0]  }
0x2fb: {  	v18 =	vmul.f32 v21, v18;
	v21 =	vld [tilespmem:s7+$0xFFFFFFF0];
	v14 =	vadd.f32 v15, v14;
	v15 =	vmul.f32 v19, v11  }
0x2fc: {  	v17 =	vld [tilespmem:s6+$0xFFFFFFE0]  }
0x2fd: {  	v20 =	vmul.f32 v22, v20;
	v19 =	vld [tilespmem:s6+$0xFFFFFFF0];
	v14 =	vadd.f32 v15, v14;
	v15 =	vmul.f32 v18, v12  }
0x2fe: {  	v22 =	vld [tilespmem:s7+$0x0];
	v16 =	vmul.f32 v23, v16  }
0x2ff: {  	v20 =	vmul.f32 v20, v5;
	v23 =	vld [tilespmem:s6+$0x10];
	v14 =	vadd.f32 v15, v14  }
0x300: {  	v18 =	vld [tilespmem:s6+$0x0];
	v15 =	vmul.f32 v16, v6  }
0x301: {  	v16 =	vmul.f32 v24, v17;
	v17 =	vadd.f32 $0.0e+00, v20;
	v20 =	vld [tilespmem:s7+$0x10];
	v24 =	vperm.xlane v14, v0  }
0x302: {  	v25 =	vld [tilespmem:s6+$0x20];
	v19 =	vmul.f32 v21, v19  }
0x303: {  	v26 =	vld [tilespmem:s7+$0x20];
	v17 =	vadd.f32 v15, v17;
	v16 =	vmul.f32 v16, v7;
	v27 =	vadd.f32 v14, v24  }
0x304: {  	v15 =	vld [tilespmem:s6+$0x30];
	v19 =	vmul.f32 v19, v8  }
0x305: {  	s6 =	sadd.s32 $0x80, s6;
	v22 =	vmul.f32 v22, v18;
	v16 =	vadd.f32 v16, v17;
	v17 =	vld [tilespmem:s7+$0x30];
	v28 =	vperm.xlane v27, v1  }
0x306: {  	v21 =	vld [tilespmem:s6+$0xFFFFFFC0];
	s7 =	sadd.s32 $0x80, s7;
	v18 =	vmul.f32 v20, v23  }
0x307: {  	s17 =	simm.s32 $0x1;
	v24 =	vld [tilespmem:s7+$0xFFFFFFC0];
	v22 =	vmul.f32 v22, v9;
	v20 =	vadd.f32 v19, v16;
	v16 =	vadd.f32 v27, v28  }
0x308: {  	s19 =	simm.s32 $0x2;
	s8 =	simm.s32 $0x3;
	s21 =	simm.s32 $0x0;
	v14 =	vimm.f32 $0.0e+00;
	v23 =	vld [tilespmem:s6+$0xFFFFFFD0];
	v19 =	vmul.f32 v26, v25  }
.LBB2_27:
0x309: {  	p0 =	sne.s32 s8, $0xF;
	v25 =	vld [tilespmem:s7+$0xFFFFFFD0];
	v20 =	vadd.f32 v22, v20;
	v18 =	vmul.f32 v18, v10;
	v22 =	vperm.xlane v16, v2  }
0x30a: {  	v26 =	vld [tilespmem:s6+$0xFFFFFFE0];
	v15 =	vmul.f32 v17, v15  }
0x30b: {  	v19 =	vmul.f32 v19, v11;
	v17 =	vld [tilespmem:s7+$0xFFFFFFE0];
	v18 =	vadd.f32 v18, v20;
	v16 =	vadd.f32 v16, v22  }
0x30c: {  	v20 =	vmul.f32 v24, v21;
	v21 =	vld [tilespmem:s6+$0xFFFFFFF0]  }
0x30d: {  	v15 =	vmul.f32 v15, v12;
	v22 =	vld [tilespmem:s7+$0xFFFFFFF0];
	v18 =	vadd.f32 v19, v18;
	v19 =	vperm.xlane v16, v3  }
0x30e: {  	v23 =	vmul.f32 v25, v23;
	v24 =	vld [tilespmem:s6+$0x0];
	v25 =	vmov s21;
	s21 =	smov.u32 s17;
	s17 =	smov.u32 s19;
	s19 =	smov.u32 s8  }
0x30f: {  	v20 =	vmul.f32 v20, v5;
	v27 =	vld [tilespmem:s7+$0x0];
	v15 =	vadd.f32 v15, v18;
	v16 =	vadd.f32 v16, v19  }
0x310: {  	vm0 =	veq.s32 v25, v4;
	v18 =	vmul.f32 v23, v6;
	v17 =	vmul.f32 v17, v26;
	v19 =	vld [tilespmem:s6+$0x10]  }
0x311: {  	v20 =	vadd.f32 $0.0e+00, v20;
	v23 =	vld [tilespmem:s7+$0x10];
	v25 =	vperm.xlane v15, v0;
	v14 =	vsel vm0, v16, v14  }
0x312: {  	v16 =	vmul.f32 v22, v21;
	v26 =	vld [tilespmem:s6+$0x20]  }
0x313: {  	v18 =	vadd.f32 v18, v20;
	v17 =	vmul.f32 v17, v7;
	v28 =	vld [tilespmem:s7+$0x20];
	v25 =	vadd.f32 v15, v25  }
.Ltmp12:
0x314: {  	v22 =	vmul.f32 v27, v24;
	v15 =	vld [tilespmem:s6+$0x30];
	(pc) =	sbr.rel @p0 .LBB2_27-.Ltmp12, $4  }
0x315: {  	v20 =	vadd.f32 v17, v18;
	v16 =	vmul.f32 v16, v8;
	s6 =	sadd.s32 $0x80, s6;
	v17 =	vld [tilespmem:s7+$0x30];
	v27 =	vperm.xlane v25, v1  }
0x316: {  	s7 =	sadd.s32 $0x80, s7;
	v21 =	vld [tilespmem:s6+$0xFFFFFFC0];
	v18 =	vmul.f32 v23, v19  }
0x317: {  	v20 =	vadd.f32 v16, v20;
	v22 =	vmul.f32 v22, v9;
	v24 =	vld [tilespmem:s7+$0xFFFFFFC0];
	v16 =	vadd.f32 v25, v27  }
0x318: {  	s8 =	sadd.s32 $0x1, s8;
	v23 =	vld [tilespmem:s6+$0xFFFFFFD0];
	v19 =	vmul.f32 v28, v26  }
0x319: {  	v25 =	vld [tilespmem:s7+$0xFFFFFFD0]  }
0x31a: {  	v26 =	vld [tilespmem:s6+$0xFFFFFFE0]  }
0x31b: {  	v27 =	vld [tilespmem:s7+$0xFFFFFFE0]  }
0x31c: {  	v38 =	vld [tilespmem:s6+$0xFFFFFFF0];
	v21 =	vmul.f32 v24, v21  }
0x31d: {  	v28 =	vld [tilespmem:s7+$0xFFFFFFF0]  }
0x31e: {  	v39 =	vld [tilespmem:s6+$0x0];
	v23 =	vmul.f32 v25, v23;
	v21 =	vmul.f32 v21, v5  }
0x31f: {  	v29 =	vld [tilespmem:s7+$0x0]  }
0x320: {  	v40 =	vld [tilespmem:s6+$0x10];
	v26 =	vmul.f32 v27, v26;
	v23 =	vmul.f32 v23, v6;
	v21 =	vadd.f32 $0.0e+00, v21  }
0x321: {  	v30 =	vld [tilespmem:s7+$0x10]  }
0x322: {  	v41 =	vld [tilespmem:s6+$0x20];
	v24 =	vmul.f32 v28, v38;
	v42 =	vmul.f32 v26, v7;
	v21 =	vadd.f32 v23, v21  }
0x323: {  	v43 =	vld [tilespmem:s7+$0x20]  }
0x324: {  	v44 =	vld [tilespmem:s6+$0x30];
	v25 =	vmul.f32 v29, v39;
	v45 =	vmul.f32 v24, v8;
	v21 =	vadd.f32 v42, v21  }
0x325: {  	v46 =	vld [tilespmem:s7+$0x30]  }
0x326: {  	v27 =	vmul.f32 v30, v40;
	v47 =	vmul.f32 v25, v9;
	v21 =	vadd.f32 v45, v21  }
0x327: {  	v20 =	vadd.f32 v22, v20;
	v18 =	vmul.f32 v18, v10  }
0x328: {  	v48 =	vmul.f32 v43, v41;
	v49 =	vmul.f32 v27, v10;
	v21 =	vadd.f32 v47, v21  }
0x329: {  	v15 =	vmul.f32 v17, v15;
	v51 =	vmul.f32 v19, v11;
	v50 =	vadd.f32 v18, v20  }
0x32a: {  	v52 =	vmul.f32 v46, v44;
	v54 =	vmul.f32 v48, v11;
	v53 =	vadd.f32 v49, v21  }
0x32b: {  	v15 =	vmul.f32 v15, v12;
	v17 =	vadd.f32 v51, v50  }
0x32c: {  	v19 =	vmul.f32 v52, v12;
	v55 =	vadd.f32 v54, v53  }
0x32d: {  	v15 =	vadd.f32 v15, v17  }
0x32e: {  	v56 =	vadd.f32 v19, v55  }
0x32f: {  	v57 =	vperm.xlane v15, v0  }
0x330: {  	v19 =	vperm.xlane v56, v0  }
0x331: {  	v15 =	vadd.f32 v15, v57  }
0x332: {  	v17 =	vadd.f32 v56, v19  }
0x333: {  	v18 =	vperm.xlane v15, v1  }
0x334: {  	v19 =	vperm.xlane v17, v1  }
0x335: {  	v15 =	vadd.f32 v15, v18  }
0x336: {  	v58 =	vperm.xlane v16, v2;
	v17 =	vadd.f32 v17, v19  }
0x337: {  	v18 =	vperm.xlane v15, v2  }
0x338: {  	v16 =	vadd.f32 v16, v58;
	v19 =	vperm.xlane v17, v2  }
0x339: {  	v15 =	vadd.f32 v15, v18  }
0x33a: {  	v20 =	vperm.xlane v16, v3;
	v17 =	vadd.f32 v17, v19  }
0x33b: {  	v59 =	vmov s21;
	v60 =	vperm.xlane v15, v3  }
0x33c: {  	v62 =	vmov s17;
	v16 =	vadd.f32 v16, v20;
	v61 =	vperm.xlane v17, v3  }
0x33d: {  	v63 =	vmov s19;
	vm0 =	veq.s32 v59, v4;
	v15 =	vadd.f32 v15, v60  }
0x33e: {  	vm14 =	veq.s32 v62, v4;
	v14 =	vsel vm0, v16, v14;
	v17 =	vadd.f32 v17, v61  }
0x33f: {  	vm15 =	veq.s32 v63, v4;
	v14 =	vsel vm14, v15, v14  }
0x340: {  	v14 =	vsel vm15, v17, v14  }
0x341: {  	v14 =	vadd.f32 v14, v13;
	_ =	sdelay $0x1  }
0x342: {  	v14 =	vsub.f32 $0.0e+00, v14;
	_ =	sdelay $0x1  }
0x343: {  	v14 =	vmul.f32 $1.442695020e+00, v14;
	_ =	sdelay $0x1  }
0x344: {  	(erf) = vpow2.f32 v14;
	_ =	sdelay $0x8  }
0x345: {  	v14 =	vpop (erf)  }
0x346: {  	v14 =	vadd.f32 $1.000000000e+00, v14;
	_ =	sdelay $0x1  }
0x347: {  	(erf) = vrcp.f32 v14;
	_ =	sdelay $0x3  }
0x348: {  	s21 =	sshll.u32 s10, $0x4;
	s10 =	sadd.s32 $0x1, s10  }
0x349: {  	p0 =	sne.s32 s10, $0x4  }
.Ltmp13:
0x34a: {  	_ = 	snop;
	(pc) =	sbr.rel @p0 .LBB2_26-.Ltmp13, $3  }
0x34b: {  	_ =	sdelay $0x1  }
0x34c: {  	s6 =	sand.u32 $0x3FFFFFF0, s21;
	v14 =	vpop (erf)  }
0x34d: {  	s11 =	sadd.s32 $0x800, s11;
	s16 =	sadd.s32 $0x800, s16;
	[tilespmem:s6+$0xCA00] =	vst v14  }
0x34e: {  	_ =	swait.ge [sflag:s29], $0x2000  }
0x34f: {  	[sflag:s29] =	ssyncset.done $0x0  }
0x350: {  	[sflag:s29] =	ssyncadd.s32 $0xFFFFE000  }
0x351: {  	_ =	swait.ge [sflag:s30], $0x2000  }
0x352: {  	s10 =	simm.s32 $0x0;
	[sflag:s30] =	ssyncset.done $0x0  }
0x353: {  	s11 =	simm.s32 $0x20C0;
	s16 =	simm.s32 $0xEAC0;
	[sflag:s30] =	ssyncadd.s32 $0xFFFFE000  }
.LBB2_30:
0x354: {  	v14 =	vld [tilespmem:s11+$0xFFFFFFC0]  }
0x355: {  	v15 =	vld [tilespmem:s16+$0xFFFFFFC0]  }
0x356: {  	v16 =	vld [tilespmem:s11+$0xFFFFFFD0]  }
0x357: {  	v17 =	vld [tilespmem:s16+$0xFFFFFFD0]  }
0x358: {  	v18 =	vld [tilespmem:s11+$0xFFFFFFE0]  }
0x359: {  	v19 =	vld [tilespmem:s16+$0xFFFFFFE0]  }
0x35a: {  	v20 =	vld [tilespmem:s11+$0xFFFFFFF0]  }
0x35b: {  	v21 =	vld [tilespmem:s16+$0xFFFFFFF0];
	v14 =	vmul.f32 v15, v14  }
0x35c: {  	v22 =	vld [tilespmem:s16+$0x0]  }
0x35d: {  	v23 =	vld [tilespmem:s16+$0x10];
	v16 =	vmul.f32 v17, v16;
	v14 =	vmul.f32 v14, v5  }
0x35e: {  	v15 =	vld [tilespmem:s11+$0x0]  }
0x35f: {  	v24 =	vld [tilespmem:s16+$0x20];
	v18 =	vmul.f32 v19, v18;
	v16 =	vmul.f32 v16, v6;
	v14 =	vadd.f32 $0.0e+00, v14  }
0x360: {  	v17 =	vld [tilespmem:s11+$0x10]  }
0x361: {  	v19 =	vld [tilespmem:s11+$0x20];
	v20 =	vmul.f32 v21, v20;
	v14 =	vadd.f32 v16, v14;
	v16 =	vmul.f32 v18, v7  }
0x362: {  	s7 =	sadd.s32 $0x80, s16;
	v21 =	vld [tilespmem:s16+$0x30]  }
0x363: {  	v15 =	vmul.f32 v22, v15;
	v22 =	vld [tilespmem:s7+$0xFFFFFFC0];
	v14 =	vadd.f32 v16, v14;
	v16 =	vmul.f32 v20, v8  }
0x364: {  	v18 =	vld [tilespmem:s11+$0x30]  }
0x365: {  	s6 =	sadd.s32 $0x80, s11;
	v17 =	vmul.f32 v23, v17;
	v23 =	vld [tilespmem:s7+$0xFFFFFFD0];
	v15 =	vmul.f32 v15, v9;
	v14 =	vadd.f32 v16, v14  }
0x366: {  	v20 =	vld [tilespmem:s6+$0xFFFFFFC0]  }
0x367: {  	v19 =	vmul.f32 v24, v19;
	v16 =	vld [tilespmem:s6+$0xFFFFFFD0];
	v14 =	vadd.f32 v15, v14;
	v15 =	vmul.f32 v17, v10  }
0x368: {  	v24 =	vld [tilespmem:s7+$0xFFFFFFE0]  }
0x369: {  	v18 =	vmul.f32 v21, v18;
	v21 =	vld [tilespmem:s7+$0xFFFFFFF0];
	v14 =	vadd.f32 v15, v14;
	v15 =	vmul.f32 v19, v11  }
0x36a: {  	v17 =	vld [tilespmem:s6+$0xFFFFFFE0]  }
0x36b: {  	v20 =	vmul.f32 v22, v20;
	v19 =	vld [tilespmem:s6+$0xFFFFFFF0];
	v14 =	vadd.f32 v15, v14;
	v15 =	vmul.f32 v18, v12  }
0x36c: {  	v22 =	vld [tilespmem:s7+$0x0];
	v16 =	vmul.f32 v23, v16  }
0x36d: {  	v20 =	vmul.f32 v20, v5;
	v23 =	vld [tilespmem:s6+$0x10];
	v14 =	vadd.f32 v15, v14  }
0x36e: {  	v18 =	vld [tilespmem:s6+$0x0];
	v15 =	vmul.f32 v16, v6  }
0x36f: {  	v16 =	vmul.f32 v24, v17;
	v17 =	vadd.f32 $0.0e+00, v20;
	v20 =	vld [tilespmem:s7+$0x10];
	v24 =	vperm.xlane v14, v0  }
0x370: {  	v25 =	vld [tilespmem:s6+$0x20];
	v19 =	vmul.f32 v21, v19  }
0x371: {  	v26 =	vld [tilespmem:s7+$0x20];
	v17 =	vadd.f32 v15, v17;
	v16 =	vmul.f32 v16, v7;
	v27 =	vadd.f32 v14, v24  }
0x372: {  	v15 =	vld [tilespmem:s6+$0x30];
	v19 =	vmul.f32 v19, v8  }
0x373: {  	s6 =	sadd.s32 $0x80, s6;
	v22 =	vmul.f32 v22, v18;
	v16 =	vadd.f32 v16, v17;
	v17 =	vld [tilespmem:s7+$0x30];
	v28 =	vperm.xlane v27, v1  }
0x374: {  	v21 =	vld [tilespmem:s6+$0xFFFFFFC0];
	s7 =	sadd.s32 $0x80, s7;
	v18 =	vmul.f32 v20, v23  }
0x375: {  	s17 =	simm.s32 $0x1;
	v24 =	vld [tilespmem:s7+$0xFFFFFFC0];
	v22 =	vmul.f32 v22, v9;
	v20 =	vadd.f32 v19, v16;
	v16 =	vadd.f32 v27, v28  }
0x376: {  	s19 =	simm.s32 $0x2;
	s8 =	simm.s32 $0x3;
	s21 =	simm.s32 $0x0;
	v14 =	vimm.f32 $0.0e+00;
	v23 =	vld [tilespmem:s6+$0xFFFFFFD0];
	v19 =	vmul.f32 v26, v25  }
.LBB2_31:
0x377: {  	p0 =	sne.s32 s8, $0xF;
	v25 =	vld [tilespmem:s7+$0xFFFFFFD0];
	v20 =	vadd.f32 v22, v20;
	v18 =	vmul.f32 v18, v10;
	v22 =	vperm.xlane v16, v2  }
0x378: {  	v26 =	vld [tilespmem:s6+$0xFFFFFFE0];
	v15 =	vmul.f32 v17, v15  }
0x379: {  	v19 =	vmul.f32 v19, v11;
	v17 =	vld [tilespmem:s7+$0xFFFFFFE0];
	v18 =	vadd.f32 v18, v20;
	v16 =	vadd.f32 v16, v22  }
0x37a: {  	v20 =	vmul.f32 v24, v21;
	v21 =	vld [tilespmem:s6+$0xFFFFFFF0]  }
0x37b: {  	v15 =	vmul.f32 v15, v12;
	v22 =	vld [tilespmem:s7+$0xFFFFFFF0];
	v18 =	vadd.f32 v19, v18;
	v19 =	vperm.xlane v16, v3  }
0x37c: {  	v23 =	vmul.f32 v25, v23;
	v24 =	vld [tilespmem:s6+$0x0];
	v25 =	vmov s21;
	s21 =	smov.u32 s17;
	s17 =	smov.u32 s19;
	s19 =	smov.u32 s8  }
0x37d: {  	v20 =	vmul.f32 v20, v5;
	v27 =	vld [tilespmem:s7+$0x0];
	v15 =	vadd.f32 v15, v18;
	v16 =	vadd.f32 v16, v19  }
0x37e: {  	vm0 =	veq.s32 v25, v4;
	v18 =	vmul.f32 v23, v6;
	v17 =	vmul.f32 v17, v26;
	v19 =	vld [tilespmem:s6+$0x10]  }
0x37f: {  	v20 =	vadd.f32 $0.0e+00, v20;
	v23 =	vld [tilespmem:s7+$0x10];
	v25 =	vperm.xlane v15, v0;
	v14 =	vsel vm0, v16, v14  }
0x380: {  	v16 =	vmul.f32 v22, v21;
	v26 =	vld [tilespmem:s6+$0x20]  }
0x381: {  	v18 =	vadd.f32 v18, v20;
	v17 =	vmul.f32 v17, v7;
	v28 =	vld [tilespmem:s7+$0x20];
	v25 =	vadd.f32 v15, v25  }
.Ltmp14:
0x382: {  	v22 =	vmul.f32 v27, v24;
	v15 =	vld [tilespmem:s6+$0x30];
	(pc) =	sbr.rel @p0 .LBB2_31-.Ltmp14, $4  }
0x383: {  	v20 =	vadd.f32 v17, v18;
	v16 =	vmul.f32 v16, v8;
	s6 =	sadd.s32 $0x80, s6;
	v17 =	vld [tilespmem:s7+$0x30];
	v27 =	vperm.xlane v25, v1  }
0x384: {  	s7 =	sadd.s32 $0x80, s7;
	v21 =	vld [tilespmem:s6+$0xFFFFFFC0];
	v18 =	vmul.f32 v23, v19  }
0x385: {  	v20 =	vadd.f32 v16, v20;
	v22 =	vmul.f32 v22, v9;
	v24 =	vld [tilespmem:s7+$0xFFFFFFC0];
	v16 =	vadd.f32 v25, v27  }
0x386: {  	s8 =	sadd.s32 $0x1, s8;
	v23 =	vld [tilespmem:s6+$0xFFFFFFD0];
	v19 =	vmul.f32 v28, v26  }
0x387: {  	v25 =	vld [tilespmem:s7+$0xFFFFFFD0]  }
0x388: {  	v26 =	vld [tilespmem:s6+$0xFFFFFFE0]  }
0x389: {  	v27 =	vld [tilespmem:s7+$0xFFFFFFE0]  }
0x38a: {  	v38 =	vld [tilespmem:s6+$0xFFFFFFF0];
	v21 =	vmul.f32 v24, v21  }
0x38b: {  	v28 =	vld [tilespmem:s7+$0xFFFFFFF0]  }
0x38c: {  	v39 =	vld [tilespmem:s6+$0x0];
	v23 =	vmul.f32 v25, v23;
	v21 =	vmul.f32 v21, v5  }
0x38d: {  	v29 =	vld [tilespmem:s7+$0x0]  }
0x38e: {  	v40 =	vld [tilespmem:s6+$0x10];
	v26 =	vmul.f32 v27, v26;
	v23 =	vmul.f32 v23, v6;
	v21 =	vadd.f32 $0.0e+00, v21  }
0x38f: {  	v30 =	vld [tilespmem:s7+$0x10]  }
0x390: {  	v41 =	vld [tilespmem:s6+$0x20];
	v24 =	vmul.f32 v28, v38;
	v42 =	vmul.f32 v26, v7;
	v21 =	vadd.f32 v23, v21  }
0x391: {  	v43 =	vld [tilespmem:s7+$0x20]  }
0x392: {  	v44 =	vld [tilespmem:s6+$0x30];
	v25 =	vmul.f32 v29, v39;
	v45 =	vmul.f32 v24, v8;
	v21 =	vadd.f32 v42, v21  }
0x393: {  	v46 =	vld [tilespmem:s7+$0x30]  }
0x394: {  	v27 =	vmul.f32 v30, v40;
	v47 =	vmul.f32 v25, v9;
	v21 =	vadd.f32 v45, v21  }
0x395: {  	v20 =	vadd.f32 v22, v20;
	v18 =	vmul.f32 v18, v10  }
0x396: {  	v48 =	vmul.f32 v43, v41;
	v49 =	vmul.f32 v27, v10;
	v21 =	vadd.f32 v47, v21  }
0x397: {  	v15 =	vmul.f32 v17, v15;
	v51 =	vmul.f32 v19, v11;
	v50 =	vadd.f32 v18, v20  }
0x398: {  	v52 =	vmul.f32 v46, v44;
	v54 =	vmul.f32 v48, v11;
	v53 =	vadd.f32 v49, v21  }
0x399: {  	v15 =	vmul.f32 v15, v12;
	v17 =	vadd.f32 v51, v50  }
0x39a: {  	v19 =	vmul.f32 v52, v12;
	v55 =	vadd.f32 v54, v53  }
0x39b: {  	v15 =	vadd.f32 v15, v17  }
0x39c: {  	v56 =	vadd.f32 v19, v55  }
0x39d: {  	v57 =	vperm.xlane v15, v0  }
0x39e: {  	v19 =	vperm.xlane v56, v0  }
0x39f: {  	v15 =	vadd.f32 v15, v57  }
0x3a0: {  	v17 =	vadd.f32 v56, v19  }
0x3a1: {  	v18 =	vperm.xlane v15, v1  }
0x3a2: {  	v19 =	vperm.xlane v17, v1  }
0x3a3: {  	v15 =	vadd.f32 v15, v18  }
0x3a4: {  	v58 =	vperm.xlane v16, v2;
	v17 =	vadd.f32 v17, v19  }
0x3a5: {  	v18 =	vperm.xlane v15, v2  }
0x3a6: {  	v16 =	vadd.f32 v16, v58;
	v19 =	vperm.xlane v17, v2  }
0x3a7: {  	v15 =	vadd.f32 v15, v18  }
0x3a8: {  	v20 =	vperm.xlane v16, v3;
	v17 =	vadd.f32 v17, v19  }
0x3a9: {  	v59 =	vmov s21;
	v60 =	vperm.xlane v15, v3  }
0x3aa: {  	v62 =	vmov s17;
	v16 =	vadd.f32 v16, v20;
	v61 =	vperm.xlane v17, v3  }
0x3ab: {  	v63 =	vmov s19;
	vm0 =	veq.s32 v59, v4;
	v15 =	vadd.f32 v15, v60  }
0x3ac: {  	vm14 =	veq.s32 v62, v4;
	v14 =	vsel vm0, v16, v14;
	v17 =	vadd.f32 v17, v61  }
0x3ad: {  	vm15 =	veq.s32 v63, v4;
	v14 =	vsel vm14, v15, v14  }
0x3ae: {  	v14 =	vsel vm15, v17, v14  }
0x3af: {  	v14 =	vadd.f32 v14, v13;
	_ =	sdelay $0x1  }
0x3b0: {  	v14 =	vsub.f32 $0.0e+00, v14;
	_ =	sdelay $0x1  }
0x3b1: {  	v14 =	vmul.f32 $1.442695020e+00, v14;
	_ =	sdelay $0x1  }
0x3b2: {  	(erf) = vpow2.f32 v14;
	_ =	sdelay $0x8  }
0x3b3: {  	v14 =	vpop (erf)  }
0x3b4: {  	v14 =	vadd.f32 $1.000000000e+00, v14;
	_ =	sdelay $0x1  }
0x3b5: {  	(erf) = vrcp.f32 v14;
	_ =	sdelay $0x3  }
0x3b6: {  	s21 =	sshll.u32 s10, $0x4;
	s10 =	sadd.s32 $0x1, s10  }
0x3b7: {  	p0 =	sne.s32 s10, $0x4  }
.Ltmp15:
0x3b8: {  	_ = 	snop;
	(pc) =	sbr.rel @p0 .LBB2_30-.Ltmp15, $3  }
0x3b9: {  	_ =	sdelay $0x1  }
0x3ba: {  	s6 =	sand.u32 $0x3FFFFFF0, s21;
	v14 =	vpop (erf)  }
0x3bb: {  	s11 =	sadd.s32 $0x800, s11;
	s16 =	sadd.s32 $0x800, s16;
	[tilespmem:s6+$0xCA40] =	vst v14  }
0x3bc: {  	s31 =	sadd.s32 $0x1, s31  }
0x3bd: {  	p0 =	sne.s32 s31, s9  }
.Ltmp16:
0x3be: {  	s6 =	rddreg [dreg:$0x8];
	s7 =	simm.s32 $0xC880;
	(pc) =	sbr.rel @p0 .LBB2_1-.Ltmp16, $4  }
0x3bf: {  	[hbm4b:s6+s5] =	stream.linear.scatter [tilespmem:s7], [sflag:$0x11], $0x200, $0x38;
	[tilespmem:$0x18B00] =	vst v63  }
0x3c0: {  	_ =	swait.ge [sflag:s0], $0x200  }
0x3c1: {  	[sflag:s0] =	ssyncset.done $0x0  }
0x3c2: {  	[sflag:s0] =	ssyncadd.s32 $0xFFFFFE00  }
0x3c3: {  	_ =	sfence.sel $0x180000  }
0x3c4: {  	[bflag:$0x0] =	sbarrier.arrive $0xFFFF  }
0x3c5: {  	_ =	strace $0x90000047  }
0x3c6: {  	s0 =	stileid.u32;
	[bflag:$0x2] =	sbarrier.arrive $0xFFFF  }
0x3c7: {  	p0 =	sne.s32 s0, $0x0;
	s0 =	rddreg [dreg:$0x5]  }
0x3c8: {  	s0 =	sadd.s32 @!p0 $0x100000, s0  }
0x3c9: {  	[sflag:s0] =	ssyncadd.tile.s32 @!p0 $0x1;
	_ =	shalt  }
.Lfunc_end2:
_tile_overlayer_lowered:
.L_overlay_start_2:
0x3ca: {  	(tag) =	ssettag $0x2  }
0x3cb: {  	s0 =	rddreg [dreg:$0x0];
	s2 =	stileid.u32  }
0x3cc: {  	s1 =	rddreg [dreg:$0x1];
	p0 =	sne.s32 s2, $0x0  }
0x3cd: {  	s3 =	rddreg [dreg:$0x2];
	[bflag:$0x3] =	sbarrier.arrive $0xFFFF;
	s2 =	simm.s32 @!p0 $0x1C11  }
0x3ce: {  	[timem:s3], [sflag:s2] =	dma.local @!p0 [hbm:s0], s1  }
0x3cf: {  	s0 =	simm.s32 @!p0 $0x11  }
0x3d0: {  	_ =	swait.ge @!p0 [sflag:s0], s1  }
0x3d1: {  	s1 =	ssub.s32 @!p0 $0x0, s1;
	[sflag:s0] =	ssyncset.done @!p0 $0x0  }
0x3d2: {  	[sflag:s0] =	ssyncadd.s32 @!p0 s1  }
0x3d3: {  	[bflag:$0x3] =	sbarrier.arrive $0xFFFF  }
0x3d4: {  	_ =	shalt  }

</sc_bundles>
